<compile_context>
chip_gen: v7x
topology: tpu7x:2x2x1
jax: 0.10.2.dev20260603
libtpu: 0.0.44.dev20260713+nightly
codegen_flags: <defaults>
</compile_context>

<pallas_src>
import functools
import numpy as np
import jax
import jax.numpy as jnp
from jax import lax
from jax.experimental import pallas as pl
from jax.experimental.pallas import tpu as pltpu
from jax.experimental.pallas import tpu_sc as plsc

N = 10000
C = 5
PF = 64
NF = 16
D1 = C * NF
DT = 96
DX = C * PF
NC = 2
NS = 16
NW = NC * NS
SW = 128
N2 = 10240
RPT = N2 // NS
BN = 400
NGRID = N // BN
BN2 = 512
GRID = N2 // BN2

f32 = jnp.float32
i32 = jnp.int32


def _blkdiag(w):
    return jax.scipy.linalg.block_diag(*[w[c] for c in range(w.shape[0])])



def _flat(x):
    return jnp.concatenate([x[:, c, :] for c in range(C)], axis=1)


def _tc1_body(xu, xv, xy, w1b, wa, bea, yu, yv, yy, au, av, ay):
    for p, (x, yo, ao) in enumerate(((xu, yu, au), (xv, yv, av), (xy, yy, ay))):
        xf = _flat(x)
        yo[...] = jnp.dot(xf, w1b[p], preferred_element_type=f32)
        ao[...] = jnp.dot(xf, wa[p], preferred_element_type=f32) + bea[p]


def _tc1(xs, w1b, wa, bea):
    full = lambda s: pl.BlockSpec(s, lambda i: (0,) * len(s))
    return pl.pallas_call(
        _tc1_body,
        grid=(NGRID,),
        in_specs=[pl.BlockSpec((BN, C, PF), lambda i: (i, 0, 0))] * 3 + [
            full((3, DX, D1)), full((3, DX, 16)), full((3, 16))],
        out_specs=[pl.BlockSpec((BN, D1), lambda i: (i, 0))] * 3 +
                  [pl.BlockSpec((BN, 16), lambda i: (i, 0))] * 3,
        out_shape=[jax.ShapeDtypeStruct((N2, D1), f32)] * 3 +
                  [jax.ShapeDtypeStruct((N2, 16), f32)] * 3,
    )(*xs, w1b, wa, bea)



_MESH = plsc.VectorSubcoreMesh(core_axis_name="c", subcore_axis_name="s")


@functools.partial(
    pl.kernel,
    out_type=jax.ShapeDtypeStruct((NC, N2, D1), f32),
    mesh=_MESH,
    compiler_params=pltpu.CompilerParams(use_tc_tiling_on_sc=False, needs_layout_passes=False),
    scratch_types=[
        pltpu.VMEM((40, SW), i32),
        pltpu.VMEM((40, SW), i32),
        pltpu.VMEM((SW, D1), f32),
        pltpu.VMEM((SW, D1), f32),
        pltpu.VMEM_SHARED((N2, D1), f32),
        pltpu.SemaphoreType.DMA,
        pltpu.SemaphoreType.DMA,
    ],
)
def _sc_phase1(yu, yv, yy, su, du, sv, dv, sy, dy, z80, out,
               idx_s, idx_d, buf0, buf1, acc, gsem, ssem):
    cid = lax.axis_index("c")
    sid = lax.axis_index("s")
    wid = sid * NC + cid
    pltpu.sync_copy(z80.at[pl.ds(sid * RPT, RPT)], acc.at[pl.ds(sid * RPT, RPT)])
    plsc.subcore_barrier()
    for (y, s2d, d2d) in ((yu, su, du), (yv, sv, dv), (yy, sy, dy)):
        pltpu.sync_copy(s2d.at[pl.ds(wid * 40, 40)], idx_s)
        pltpu.sync_copy(d2d.at[pl.ds(wid * 40, 40)], idx_d)

        g_issue = lambda j, b: pltpu.async_copy(y.at[idx_s.at[j]], b, gsem)
        g_wait = lambda j, b: pltpu.make_async_copy(y.at[idx_s.at[j]], b, gsem).wait()
        s_issue = lambda j, b: pltpu.async_copy(b, acc.at[idx_d.at[j]], ssem, add=True)
        s_wait = lambda j, b: pltpu.make_async_copy(b, acc.at[idx_d.at[j]], ssem).wait()

        g_issue(0, buf0)

        def pair(jj, carry):
            j0 = 2 * jj
            j1 = j0 + 1
            g_wait(j0, buf0)

            @pl.when(jj > 0)
            def _():
                s_wait(j1 - 2, buf1)

            g_issue(j1, buf1)
            s_issue(j0, buf0)
            g_wait(j1, buf1)
            s_wait(j0, buf0)

            @pl.when(jj < 19)
            def _():
                g_issue(j0 + 2, buf0)

            s_issue(j1, buf1)
            return carry

        lax.fori_loop(0, 20, pair, 0)
        s_wait(39, buf1)
    plsc.subcore_barrier()
    pltpu.sync_copy(acc.at[pl.ds(sid * RPT, RPT)],
                    out.at[cid, pl.ds(sid * RPT, RPT)])



def _tc2_body(part, b1r, b2r, w2b, wb, tu, tv, ty):
    n1 = jnp.tanh(part[0] + part[1] + b1r[...])
    n2 = jnp.tanh(jnp.dot(n1, w2b[...], preferred_element_type=f32) + b2r[...])
    for p, to in enumerate((tu, tv, ty)):
        bp = jnp.dot(n2, wb[p], preferred_element_type=f32)
        to[...] = jnp.concatenate([n2, bp], axis=1)


def _tc2(part1, b1r, b2r, w2b, wb):
    full = lambda s: pl.BlockSpec(s, lambda i: (0,) * len(s))
    return pl.pallas_call(
        _tc2_body,
        grid=(GRID,),
        in_specs=[pl.BlockSpec((NC, BN2, D1), lambda i: (0, i, 0)),
                  full((1, D1)), full((1, D1)), full((D1, D1)),
                  full((3, D1, DT - D1))],
        out_specs=[pl.BlockSpec((BN2, DT), lambda i: (i, 0))] * 3,
        out_shape=[jax.ShapeDtypeStruct((N2, DT), f32)] * 3,
    )(part1, b1r, b2r, w2b, wb)



@functools.partial(
    pl.kernel,
    out_type=jax.ShapeDtypeStruct((3, NC, N2, DT), f32),
    mesh=_MESH,
    compiler_params=pltpu.CompilerParams(use_tc_tiling_on_sc=False, needs_layout_passes=False),
    scratch_types=[
        pltpu.VMEM((40, SW), i32),
        pltpu.VMEM((40, SW), i32),
        pltpu.VMEM((SW, DT), f32),
        pltpu.VMEM((SW, DT), f32),
        pltpu.VMEM((SW, 16), f32),
        pltpu.VMEM((SW, 16), f32),
        pltpu.VMEM_SHARED((N2, DT), f32),
        pltpu.SemaphoreType.DMA,
        pltpu.SemaphoreType.DMA,
        pltpu.SemaphoreType.DMA,
    ],
)
def _sc_phase2(tu, tv, ty, au, av, ay, su, du, sv, dv, sy, dy, z96, out,
               idx_s, idx_d, nbuf0, nbuf1, abuf0, abuf1, acc, asem, nsem, ssem):
    cid = lax.axis_index("c")
    sid = lax.axis_index("s")
    wid = sid * NC + cid
    lane_lt5 = lax.iota(i32, 16) < C
    cntvec = jnp.where(lax.iota(i32, 16) == (85 - D1), 1.0, 0.0).astype(f32)
    pltpu.sync_copy(z96.at[pl.ds(sid * RPT, RPT)], acc.at[pl.ds(sid * RPT, RPT)])
    plsc.subcore_barrier()
    for p, (tab, atab, s2d, d2d) in enumerate(
            ((tu, au, su, du), (tv, av, sv, dv), (ty, ay, sy, dy))):
        pltpu.sync_copy(s2d.at[pl.ds(wid * 40, 40)], idx_s)
        pltpu.sync_copy(d2d.at[pl.ds(wid * 40, 40)], idx_d)

        def g_issue(j, ab, nb):
            pltpu.async_copy(atab.at[idx_s.at[j]], ab, asem)
            pltpu.async_copy(tab.at[idx_d.at[j]], nb, nsem)

        def g_wait(j, ab, nb):
            pltpu.make_async_copy(atab.at[idx_s.at[j]], ab, asem).wait()
            pltpu.make_async_copy(tab.at[idx_d.at[j]], nb, nsem).wait()

        s_issue = lambda j, nb: pltpu.async_copy(nb, acc.at[idx_s.at[j]], ssem, add=True)
        s_wait = lambda j, nb: pltpu.make_async_copy(nb, acc.at[idx_s.at[j]], ssem).wait()

        def compute(ab, nb):
            def edge(e, c2):
                a = ab[e, :]
                b = nb[e, pl.ds(D1, 16)]
                l = jnp.where(lane_lt5, a + b, -1e30)
                ex = jnp.exp(l - jnp.max(l))
                sc = ex / jnp.sum(ex)
                for c in range(C):
                    v = nb[e, pl.ds(c * NF, NF)]
                    nb[e, pl.ds(c * NF, NF)] = v * sc[c]
                nb[e, pl.ds(D1, 16)] = cntvec
                return c2

            lax.fori_loop(0, SW, edge, 0)

        g_issue(0, abuf0, nbuf0)

        def pair(jj, carry):
            j0 = 2 * jj
            j1 = j0 + 1
            g_wait(j0, abuf0, nbuf0)

            @pl.when(jj > 0)
            def _():
                s_wait(j1 - 2, nbuf1)

            g_issue(j1, abuf1, nbuf1)
            compute(abuf0, nbuf0)
            s_issue(j0, nbuf0)
            g_wait(j1, abuf1, nbuf1)
            compute(abuf1, nbuf1)
            s_wait(j0, nbuf0)

            @pl.when(jj < 19)
            def _():
                g_issue(j0 + 2, abuf0, nbuf0)

            s_issue(j1, nbuf1)
            return carry

        lax.fori_loop(0, 20, pair, 0)
        s_wait(39, nbuf1)
        plsc.subcore_barrier()
        pltpu.sync_copy(acc.at[pl.ds(sid * RPT, RPT)],
                        out.at[p, cid, pl.ds(sid * RPT, RPT)])
        if p < 2:
            pltpu.sync_copy(z96.at[pl.ds(sid * RPT, RPT)],
                            acc.at[pl.ds(sid * RPT, RPT)])
        plsc.subcore_barrier()



def _tc3_body(xu, xv, xy, part, wn1b, bn1r, wn2b, bn2r, ou, ov, oy):
    for p, (x, o) in enumerate(((xu, ou), (xv, ov), (xy, oy))):
        s = part[p, 0, :, :D1] + part[p, 1, :, :D1]
        cnt = part[p, 0, :, 85:86] + part[p, 1, :, 85:86]
        aggr = s / jnp.maximum(cnt, 1.0)
        h = jnp.concatenate([_flat(x), aggr], axis=1)
        h = jnp.tanh(jnp.dot(h, wn1b[p], preferred_element_type=f32) + bn1r[p])
        h = jnp.tanh(jnp.dot(h, wn2b[p], preferred_element_type=f32) + bn2r[p])
        o[...] = h


def _tc3(xs, part2, wn1b, bn1r, wn2b, bn2r):
    full = lambda s: pl.BlockSpec(s, lambda i: (0,) * len(s))
    return pl.pallas_call(
        _tc3_body,
        grid=(NGRID,),
        in_specs=[pl.BlockSpec((BN, C, PF), lambda i: (i, 0, 0))] * 3 + [
            pl.BlockSpec((3, NC, BN, DT), lambda i: (0, 0, i, 0)),
            full((3, DX + D1, DX)), full((3, 1, DX)),
            full((3, DX, DX)), full((3, 1, DX))],
        out_specs=[pl.BlockSpec((BN, DX), lambda i: (i, 0))] * 3,
        out_shape=[jax.ShapeDtypeStruct((N, DX), f32)] * 3,
    )(*xs, part2, wn1b, bn1r, wn2b, bn2r)



def kernel(x_u, x_v, x_y, edge_index_u, edge_index_v, edge_index_y, nexus,
           W1, b1, W2, b2, We, be, Wn1, bn1, Wn2, bn2):
    E = edge_index_u.shape[1]
    E2 = ((E + NW * SW - 1) // (NW * SW)) * (NW * SW)

    xs = [x_u, x_v, x_y]
    eidx = []
    for ei in (edge_index_u, edge_index_v, edge_index_y):
        s = jnp.pad(ei[0], (0, E2 - E), constant_values=N).reshape(-1, SW)
        d = jnp.pad(ei[1], (0, E2 - E), constant_values=N).reshape(-1, SW)
        eidx += [s, d]
    z80 = jnp.zeros((N2, D1), f32)
    z96 = jnp.zeros((N2, DT), f32)

    w1b = jnp.stack([_blkdiag(W1[:, p * PF:(p + 1) * PF, :]) for p in range(3)])
    wa = jnp.stack([
        jnp.pad(_blkdiag(We[p, :, :PF, :]), ((0, 0), (0, 16 - C)))
        for p in range(3)])
    bea = jnp.pad(be[:, :, 0], ((0, 0), (0, 16 - C)))
    b1r = b1.reshape(1, D1)
    b2r = b2.reshape(1, D1)
    w2b = _blkdiag(W2)
    wb = jnp.stack([
        jnp.pad(_blkdiag(We[p, :, PF:, :]), ((0, 0), (0, DT - D1 - C)))
        for p in range(3)])
    perm = np.empty((DX + D1,), np.int32)
    for c in range(C):
        perm[c * PF:(c + 1) * PF] = c * (PF + NF) + np.arange(PF)
        perm[DX + c * NF:DX + (c + 1) * NF] = c * (PF + NF) + PF + np.arange(NF)
    wn1b = jnp.stack([jnp.take(_blkdiag(Wn1[p]), perm, axis=0)
                      for p in range(3)])
    bn1r = bn1.reshape(3, 1, DX)
    wn2b = jnp.stack([_blkdiag(Wn2[p]) for p in range(3)])
    bn2r = bn2.reshape(3, 1, DX)

    yu, yv, yy, au, av, ay = _tc1(xs, w1b, wa, bea)
    part1 = _sc_phase1(yu, yv, yy, *eidx, z80)
    ntabs = _tc2(part1, b1r, b2r, w2b, wb)
    part2 = _sc_phase2(*ntabs, au, av, ay, *eidx, z96)
    outs = _tc3(xs, part2, wn1b, bn1r, wn2b, bn2r)
    return tuple(o.reshape(N, C, PF) for o in outs)

# --- scband reference (transcript-rebuilt; emitter-appended) ---
"""Pipeline reference for scband-nexus-net-71914932404561 (READ-ONLY COPY).

The authoritative reference and input builder live on the scoring server;
editing this copy changes nothing except your own understanding.
"""

import jax, jax.numpy as jnp
import numpy as np

N = 10000
E = 160000
C = 5
PF = 64
NF = 16

def class_linear(x, W, b):
    # x: [N, C, in], W: [C, in, out], b: [C, out] -> [N, C, out]
    return jnp.einsum('nci,cio->nco', x, W) + b

def setup_inputs(seed: int = 0) -> dict:
    key = jax.random.key(seed)
    ks = jax.random.split(key, 16)
    inp = {}
    inp['x_u'] = jax.random.normal(ks[0], (N, C, PF), dtype=jnp.float32)
    inp['x_v'] = jax.random.normal(ks[1], (N, C, PF), dtype=jnp.float32)
    inp['x_y'] = jax.random.normal(ks[2], (N, C, PF), dtype=jnp.float32)
    inp['edge_index_u'] = jax.random.randint(ks[3], (2, E), 0, N, dtype=jnp.int32)
    inp['edge_index_v'] = jax.random.randint(ks[4], (2, E), 0, N, dtype=jnp.int32)
    inp['edge_index_y'] = jax.random.randint(ks[5], (2, E), 0, N, dtype=jnp.int32)
    inp['nexus'] = jnp.zeros((N, 1), dtype=jnp.float32)
    # nexus_net: ClassLinear(3*PF -> NF), Tanh, ClassLinear(NF -> NF), Tanh
    inp['W1'] = 0.1 * jax.random.normal(ks[6], (C, 3 * PF, NF), dtype=jnp.float32)
    inp['b1'] = jnp.zeros((C, NF), dtype=jnp.float32)
    inp['W2'] = 0.1 * jax.random.normal(ks[7], (C, NF, NF), dtype=jnp.float32)
    inp['b2'] = jnp.zeros((C, NF), dtype=jnp.float32)
    # per-plane NexusDown params stacked over plane dim (3 planes)
    inp['We'] = 0.1 * jax.random.normal(ks[8], (3, C, PF + NF, 1), dtype=jnp.float32)
    inp['be'] = jnp.zeros((3, C, 1), dtype=jnp.float32)
    inp['Wn1'] = 0.1 * jax.random.normal(ks[9], (3, C, PF + NF, PF), dtype=jnp.float32)
    inp['bn1'] = jnp.zeros((3, C, PF), dtype=jnp.float32)
    inp['Wn2'] = 0.1 * jax.random.normal(ks[10], (3, C, PF, PF), dtype=jnp.float32)
    inp['bn2'] = jnp.zeros((3, C, PF), dtype=jnp.float32)
    return inp

def reference(x_u, x_v, x_y, edge_index_u, edge_index_v, edge_index_y, nexus, W1, b1, W2, b2, We, be, Wn1, bn1, Wn2, bn2):
    xs = [x_u, x_v, x_y]
    eis = [edge_index_u, edge_index_v, edge_index_y]
    Nn = nexus.shape[0]
    # nexus_up: SimpleConv (sum aggr, flow source_to_target): gather planar feats at src, scatter-add to nexus dst
    ns = []
    for x_p, ei in zip(xs, eis):
        msg = jnp.take(x_p, ei[0], axis=0)
        ns.append(jax.ops.segment_sum(msg, ei[1], num_segments=Nn))
    n = jnp.concatenate(ns, axis=-1)  # [Nn, C, 3*PF]
    n = jnp.tanh(class_linear(n, W1, b1))
    n = jnp.tanh(class_linear(n, W2, b2))  # [Nn, C, NF]
    # nexus_down per plane: flow target_to_source, mean aggr at planar (index ei[0])
    outs = []
    for p in range(3):
        x_p = xs[p]
        ei = eis[p]
        Np = x_p.shape[0]
        x_i = jnp.take(x_p, ei[0], axis=0)  # [E, C, PF]
        n_j = jnp.take(n, ei[1], axis=0)    # [E, C, NF]
        feat = jax.lax.stop_gradient(jnp.concatenate([x_i, n_j], axis=-1))  # .detach() in torch
        e = jax.nn.softmax(class_linear(feat, We[p], be[p]), axis=1)  # [E, C, 1], softmax over classes
        msg = e * n_j  # [E, C, NF]
        s = jax.ops.segment_sum(msg, ei[0], num_segments=Np)
        cnt = jax.ops.segment_sum(jnp.ones((ei.shape[1],), dtype=x_p.dtype), ei[0], num_segments=Np)
        aggr = s / jnp.maximum(cnt, 1.0)[:, None, None]  # mean with clamp-min-1 like PyG
        h = jnp.concatenate([x_p, aggr], axis=-1)  # [Np, C, PF+NF]
        h = jnp.tanh(class_linear(h, Wn1[p], bn1[p]))
        h = jnp.tanh(class_linear(h, Wn2[p], bn2[p]))
        outs.append(h)
    return tuple(outs)

if __name__ == "__main__":
    import jax
    _d = setup_inputs()
    print(jax.jit(kernel)(*tuple(_d.values())))

</pallas_src>

<mosaic_0001>
#map = affine_map<(d0, d1) -> (0, 0)>
#map1 = affine_map<(d0, d1) -> (0, 0, 0, 0)>
module attributes {stable_mosaic.version = 14 : i64} {
  func.func @_sc_phase2(%arg0: i32, %arg1: i32, %arg2: memref<10240x96xf32, #tpu.memory_space<hbm>>, %arg3: memref<10240x96xf32, #tpu.memory_space<hbm>>, %arg4: memref<10240x96xf32, #tpu.memory_space<hbm>>, %arg5: memref<10240x16xf32, #tpu.memory_space<hbm>>, %arg6: memref<10240x16xf32, #tpu.memory_space<hbm>>, %arg7: memref<10240x16xf32, #tpu.memory_space<hbm>>, %arg8: memref<1280x128xi32, #tpu.memory_space<hbm>>, %arg9: memref<1280x128xi32, #tpu.memory_space<hbm>>, %arg10: memref<1280x128xi32, #tpu.memory_space<hbm>>, %arg11: memref<1280x128xi32, #tpu.memory_space<hbm>>, %arg12: memref<1280x128xi32, #tpu.memory_space<hbm>>, %arg13: memref<1280x128xi32, #tpu.memory_space<hbm>>, %arg14: memref<10240x96xf32, #tpu.memory_space<hbm>>, %arg15: memref<3x2x10240x96xf32, #tpu.memory_space<hbm>>, %arg16: memref<40x128xi32, #tpu.memory_space<vmem>>, %arg17: memref<40x128xi32, #tpu.memory_space<vmem>>, %arg18: memref<128x96xf32, #tpu.memory_space<vmem>>, %arg19: memref<128x96xf32, #tpu.memory_space<vmem>>, %arg20: memref<128x16xf32, #tpu.memory_space<vmem>>, %arg21: memref<128x16xf32, #tpu.memory_space<vmem>>, %arg22: memref<10240x96xf32, #tpu.memory_space<vmem_shared>>, %arg23: memref<!tpu.dma_semaphore, #tpu.memory_space<semaphore_mem>>, %arg24: memref<!tpu.dma_semaphore, #tpu.memory_space<semaphore_mem>>, %arg25: memref<!tpu.dma_semaphore, #tpu.memory_space<semaphore_mem>>) attributes {dimension_semantics = [#tpu.dimension_semantics<core_parallel>, #tpu.dimension_semantics<subcore_parallel>], iteration_bounds = array<i64: 2, 16>, scalar_prefetch = 0 : i64, scratch_operands = 10 : i64, tpu.core_type = #tpu.core_type<sc_vector_subcore>, window_params = [{transform_indices = #map}, {transform_indices = #map}, {transform_indices = #map}, {transform_indices = #map}, {transform_indices = #map}, {transform_indices = #map}, {transform_indices = #map}, {transform_indices = #map}, {transform_indices = #map}, {transform_indices = #map}, {transform_indices = #map}, {transform_indices = #map}, {transform_indices = #map}, {transform_indices = #map1}]} {
    %mul3A = arith.constant 2 : i32
    %mul3A_0 = arith.muli %arg1, %mul3A : i32
    %add3A = arith.addi %mul3A_0, %arg0 : i32
    %iota3A = tpu.iota {dimensions = array<i32: 0>} : vector<16xi32>
    %lt3A = arith.constant 5 : i32
    %lt3A_1 = vector.broadcast %lt3A : i32 to vector<16xi32>
    %lt3A_2 = arith.cmpi slt, %iota3A, %lt3A_1 : vector<16xi32>
    %iota3A_3 = tpu.iota {dimensions = array<i32: 0>} : vector<16xi32>
    %eq3A = arith.constant 5 : i32
    %eq3A_4 = vector.broadcast %eq3A : i32 to vector<16xi32>
    %eq3A_5 = arith.cmpi eq, %iota3A_3, %eq3A_4 : vector<16xi32>
    %jit3A = arith.constant 1.000000e+00 : f32
    %jit3A_6 = arith.constant 0.000000e+00 : f32
    %broadcast_in_dim3A = vector.broadcast %jit3A : f32 to vector<16xf32>
    %broadcast_in_dim3A_7 = vector.broadcast %jit3A_6 : f32 to vector<16xf32>
    %select_n3A = arith.select %eq3A_5, %broadcast_in_dim3A, %broadcast_in_dim3A_7 : vector<16xi1>, vector<16xf32>
    %mul3A_8 = arith.constant 640 : i32
    %mul3A_9 = arith.muli %arg1, %mul3A_8 : i32
    %mul3A_10 = arith.constant 640 : i32
    %mul3A_11 = arith.muli %arg1, %mul3A_10 : i32
    "tpu.region"() ({
      %run_scoped3A_130 = tpu.sem_alloc : memref<!tpu.dma_semaphore, #tpu.memory_space<semaphore_mem>>
      %dma_start3A_131 = arith.constant 0 : i32
      %dma_start3A_132 = tpu.memref_slice %arg22[%mul3A_11, %dma_start3A_131] : memref<10240x96xf32, #tpu.memory_space<vmem_shared>> -> memref<640x96xf32, #tpu.memory_space<vmem_shared>>
      %dma_start3A_133 = arith.constant 0 : i32
      %dma_start3A_134 = tpu.memref_slice %arg14[%mul3A_9, %dma_start3A_133] : memref<10240x96xf32, #tpu.memory_space<hbm>> -> memref<640x96xf32, #tpu.memory_space<hbm>>
      tpu.enqueue_dma source(%dma_start3A_134 : memref<640x96xf32, #tpu.memory_space<hbm>>) target(%dma_start3A_132 : memref<640x96xf32, #tpu.memory_space<vmem_shared>>) target_semaphore(%run_scoped3A_130 : memref<!tpu.dma_semaphore, #tpu.memory_space<semaphore_mem>>)
      %dma_wait3A_135 = arith.constant 0 : i32
      %dma_wait3A_136 = tpu.memref_slice %arg22[%mul3A_11, %dma_wait3A_135] : memref<10240x96xf32, #tpu.memory_space<vmem_shared>> -> memref<640x96xf32, #tpu.memory_space<vmem_shared>>
      %dma_wait3A_137 = arith.constant 0 : i32
      %dma_wait3A_138 = tpu.memref_slice %arg14[%mul3A_9, %dma_wait3A_137] : memref<10240x96xf32, #tpu.memory_space<hbm>> -> memref<640x96xf32, #tpu.memory_space<hbm>>
      tpu.wait_dma2 semaphore(%run_scoped3A_130 : memref<!tpu.dma_semaphore, #tpu.memory_space<semaphore_mem>>) src(%dma_wait3A_138 : memref<640x96xf32, #tpu.memory_space<hbm>>) dst(%dma_wait3A_136 : memref<640x96xf32, #tpu.memory_space<vmem_shared>>)
      tpu.yield
    }) : () -> ()
    %barrier3A = arith.constant 0 : index
    tpu.barrier barrier_id(%barrier3A)
    %mul3A_12 = arith.constant 40 : i32
    %mul3A_13 = arith.muli %add3A, %mul3A_12 : i32
    "tpu.region"() ({
      %run_scoped3A_130 = tpu.sem_alloc : memref<!tpu.dma_semaphore, #tpu.memory_space<semaphore_mem>>
      %dma_start3A_131 = arith.constant 0 : i32
      %dma_start3A_132 = tpu.memref_slice %arg8[%mul3A_13, %dma_start3A_131] : memref<1280x128xi32, #tpu.memory_space<hbm>> -> memref<40x128xi32, #tpu.memory_space<hbm>>
      %dma_start3A_133 = arith.constant 0 : i32
      %dma_start3A_134 = tpu.memref_slice %arg8[%mul3A_13, %dma_start3A_133] : memref<1280x128xi32, #tpu.memory_space<hbm>> -> memref<40x128xi32, #tpu.memory_space<hbm>>
      tpu.enqueue_dma source(%dma_start3A_134 : memref<40x128xi32, #tpu.memory_space<hbm>>) target(%arg16 : memref<40x128xi32, #tpu.memory_space<vmem>>) target_semaphore(%run_scoped3A_130 : memref<!tpu.dma_semaphore, #tpu.memory_space<semaphore_mem>>)
      %dma_wait3A_135 = arith.constant 0 : i32
      %dma_wait3A_136 = tpu.memref_slice %arg8[%mul3A_13, %dma_wait3A_135] : memref<1280x128xi32, #tpu.memory_space<hbm>> -> memref<40x128xi32, #tpu.memory_space<hbm>>
      %dma_wait3A_137 = arith.constant 0 : i32
      %dma_wait3A_138 = tpu.memref_slice %arg8[%mul3A_13, %dma_wait3A_137] : memref<1280x128xi32, #tpu.memory_space<hbm>> -> memref<40x128xi32, #tpu.memory_space<hbm>>
      tpu.wait_dma2 semaphore(%run_scoped3A_130 : memref<!tpu.dma_semaphore, #tpu.memory_space<semaphore_mem>>) src(%dma_wait3A_138 : memref<40x128xi32, #tpu.memory_space<hbm>>) dst(%arg16 : memref<40x128xi32, #tpu.memory_space<vmem>>)
      tpu.yield
    }) : () -> ()
    %mul3A_14 = arith.constant 40 : i32
    %mul3A_15 = arith.muli %add3A, %mul3A_14 : i32
    "tpu.region"() ({
      %run_scoped3A_130 = tpu.sem_alloc : memref<!tpu.dma_semaphore, #tpu.memory_space<semaphore_mem>>
      %dma_start3A_131 = arith.constant 0 : i32
      %dma_start3A_132 = tpu.memref_slice %arg9[%mul3A_15, %dma_start3A_131] : memref<1280x128xi32, #tpu.memory_space<hbm>> -> memref<40x128xi32, #tpu.memory_space<hbm>>
      %dma_start3A_133 = arith.constant 0 : i32
      %dma_start3A_134 = tpu.memref_slice %arg9[%mul3A_15, %dma_start3A_133] : memref<1280x128xi32, #tpu.memory_space<hbm>> -> memref<40x128xi32, #tpu.memory_space<hbm>>
      tpu.enqueue_dma source(%dma_start3A_134 : memref<40x128xi32, #tpu.memory_space<hbm>>) target(%arg17 : memref<40x128xi32, #tpu.memory_space<vmem>>) target_semaphore(%run_scoped3A_130 : memref<!tpu.dma_semaphore, #tpu.memory_space<semaphore_mem>>)
      %dma_wait3A_135 = arith.constant 0 : i32
      %dma_wait3A_136 = tpu.memref_slice %arg9[%mul3A_15, %dma_wait3A_135] : memref<1280x128xi32, #tpu.memory_space<hbm>> -> memref<40x128xi32, #tpu.memory_space<hbm>>
      %dma_wait3A_137 = arith.constant 0 : i32
      %dma_wait3A_138 = tpu.memref_slice %arg9[%mul3A_15, %dma_wait3A_137] : memref<1280x128xi32, #tpu.memory_space<hbm>> -> memref<40x128xi32, #tpu.memory_space<hbm>>
      tpu.wait_dma2 semaphore(%run_scoped3A_130 : memref<!tpu.dma_semaphore, #tpu.memory_space<semaphore_mem>>) src(%dma_wait3A_138 : memref<40x128xi32, #tpu.memory_space<hbm>>) dst(%arg17 : memref<40x128xi32, #tpu.memory_space<vmem>>)
      tpu.yield
    }) : () -> ()
    %dma_start3A = arith.constant 0 : i32
    %dma_start3A_16 = arith.constant 0 : i32
    %dma_start3A_17 = tpu.memref_slice %arg16[%dma_start3A, %dma_start3A_16] : memref<40x128xi32, #tpu.memory_space<vmem>> -> memref<1x128xi32, #tpu.memory_space<vmem>>
    %dma_start3A_18 = tpu.memref_squeeze %dma_start3A_17 : memref<1x128xi32, #tpu.memory_space<vmem>> -> memref<128xi32, #tpu.memory_space<vmem>>
    %dma_start3A_19 = arith.constant 0 : i32
    %dma_start3A_20 = arith.constant 0 : i32
    %dma_start3A_21 = tpu.memref_slice %arg5[%dma_start3A_19, %dma_start3A_20] : memref<10240x16xf32, #tpu.memory_space<hbm>> -> memref<10240x16xf32, #tpu.memory_space<hbm>>
    tpu.enqueue_indirect_dma source(%dma_start3A_21 : memref<10240x16xf32, #tpu.memory_space<hbm>>) target(%arg20 : memref<128x16xf32, #tpu.memory_space<vmem>>) offsets(%dma_start3A_18 : memref<128xi32, #tpu.memory_space<vmem>>) semaphore(%arg23 : memref<!tpu.dma_semaphore, #tpu.memory_space<semaphore_mem>>)
    %dma_start3A_22 = arith.constant 0 : i32
    %dma_start3A_23 = arith.constant 0 : i32
    %dma_start3A_24 = tpu.memref_slice %arg17[%dma_start3A_22, %dma_start3A_23] : memref<40x128xi32, #tpu.memory_space<vmem>> -> memref<1x128xi32, #tpu.memory_space<vmem>>
    %dma_start3A_25 = tpu.memref_squeeze %dma_start3A_24 : memref<1x128xi32, #tpu.memory_space<vmem>> -> memref<128xi32, #tpu.memory_space<vmem>>
    %dma_start3A_26 = arith.constant 0 : i32
    %dma_start3A_27 = arith.constant 0 : i32
    %dma_start3A_28 = tpu.memref_slice %arg2[%dma_start3A_26, %dma_start3A_27] : memref<10240x96xf32, #tpu.memory_space<hbm>> -> memref<10240x96xf32, #tpu.memory_space<hbm>>
    tpu.enqueue_indirect_dma source(%dma_start3A_28 : memref<10240x96xf32, #tpu.memory_space<hbm>>) target(%arg18 : memref<128x96xf32, #tpu.memory_space<vmem>>) offsets(%dma_start3A_25 : memref<128xi32, #tpu.memory_space<vmem>>) semaphore(%arg24 : memref<!tpu.dma_semaphore, #tpu.memory_space<semaphore_mem>>)
    %scan3A = arith.constant 0 : i32
    %scan3A_29 = arith.constant 0 : i32
    %scan3A_30 = arith.constant 20 : i32
    %scan3A_31 = arith.addi %scan3A_29, %scan3A_30 : i32
    %scan3A_32 = arith.constant 1 : i32
    scf.for %scan3A_130 = %scan3A_29 to %scan3A_31 step %scan3A_32  : i32 {
      %mul3A_131 = arith.constant 2 : i32
      %mul3A_132 = arith.muli %mul3A_131, %scan3A_130 : i32
      %add3A_133 = arith.constant 1 : i32
      %add3A_134 = arith.addi %mul3A_132, %add3A_133 : i32
      %dma_wait3A_135 = arith.constant 0 : i32
      %dma_wait3A_136 = tpu.memref_slice %arg16[%mul3A_132, %dma_wait3A_135] : memref<40x128xi32, #tpu.memory_space<vmem>> -> memref<1x128xi32, #tpu.memory_space<vmem>>
      %dma_wait3A_137 = tpu.memref_squeeze %dma_wait3A_136 : memref<1x128xi32, #tpu.memory_space<vmem>> -> memref<128xi32, #tpu.memory_space<vmem>>
      %dma_wait3A_138 = arith.constant 0 : i32
      %dma_wait3A_139 = arith.constant 0 : i32
      %dma_wait3A_140 = tpu.memref_slice %arg5[%dma_wait3A_138, %dma_wait3A_139] : memref<10240x16xf32, #tpu.memory_space<hbm>> -> memref<10240x16xf32, #tpu.memory_space<hbm>>
      tpu.wait_indirect_dma semaphore(%arg23 : memref<!tpu.dma_semaphore, #tpu.memory_space<semaphore_mem>>) src(%dma_wait3A_140 : memref<10240x16xf32, #tpu.memory_space<hbm>>) dst(%arg20 : memref<128x16xf32, #tpu.memory_space<vmem>>)
      %dma_wait3A_141 = arith.constant 0 : i32
      %dma_wait3A_142 = tpu.memref_slice %arg17[%mul3A_132, %dma_wait3A_141] : memref<40x128xi32, #tpu.memory_space<vmem>> -> memref<1x128xi32, #tpu.memory_space<vmem>>
      %dma_wait3A_143 = tpu.memref_squeeze %dma_wait3A_142 : memref<1x128xi32, #tpu.memory_space<vmem>> -> memref<128xi32, #tpu.memory_space<vmem>>
      %dma_wait3A_144 = arith.constant 0 : i32
      %dma_wait3A_145 = arith.constant 0 : i32
      %dma_wait3A_146 = tpu.memref_slice %arg2[%dma_wait3A_144, %dma_wait3A_145] : memref<10240x96xf32, #tpu.memory_space<hbm>> -> memref<10240x96xf32, #tpu.memory_space<hbm>>
      tpu.wait_indirect_dma semaphore(%arg24 : memref<!tpu.dma_semaphore, #tpu.memory_space<semaphore_mem>>) src(%dma_wait3A_146 : memref<10240x96xf32, #tpu.memory_space<hbm>>) dst(%arg18 : memref<128x96xf32, #tpu.memory_space<vmem>>)
      %gt3A = arith.constant 0 : i32
      %gt3A_147 = arith.cmpi sgt, %scan3A_130, %gt3A : i32
      %convert_element_type3A = arith.extui %gt3A_147 : i1 to i32
      %cond3A = arith.constant 0 : i32
      %cond3A_148 = arith.cmpi ne, %convert_element_type3A, %cond3A : i32
      scf.if %cond3A_148 {
        %sub3A = arith.constant 2 : i32
        %sub3A_208 = arith.subi %add3A_134, %sub3A : i32
        %dma_wait3A_209 = arith.constant 0 : i32
        %dma_wait3A_210 = tpu.memref_slice %arg16[%sub3A_208, %dma_wait3A_209] : memref<40x128xi32, #tpu.memory_space<vmem>> -> memref<1x128xi32, #tpu.memory_space<vmem>>
        %dma_wait3A_211 = tpu.memref_squeeze %dma_wait3A_210 : memref<1x128xi32, #tpu.memory_space<vmem>> -> memref<128xi32, #tpu.memory_space<vmem>>
        %dma_wait3A_212 = arith.constant 0 : i32
        %dma_wait3A_213 = arith.constant 0 : i32
        %dma_wait3A_214 = tpu.memref_slice %arg22[%dma_wait3A_212, %dma_wait3A_213] : memref<10240x96xf32, #tpu.memory_space<vmem_shared>> -> memref<10240x96xf32, #tpu.memory_space<vmem_shared>>
        tpu.wait_indirect_dma semaphore(%arg25 : memref<!tpu.dma_semaphore, #tpu.memory_space<semaphore_mem>>) src(%arg19 : memref<128x96xf32, #tpu.memory_space<vmem>>) dst(%dma_wait3A_214 : memref<10240x96xf32, #tpu.memory_space<vmem_shared>>)
      } else {
      }
      %dma_start3A_149 = arith.constant 0 : i32
      %dma_start3A_150 = tpu.memref_slice %arg16[%add3A_134, %dma_start3A_149] : memref<40x128xi32, #tpu.memory_space<vmem>> -> memref<1x128xi32, #tpu.memory_space<vmem>>
      %dma_start3A_151 = tpu.memref_squeeze %dma_start3A_150 : memref<1x128xi32, #tpu.memory_space<vmem>> -> memref<128xi32, #tpu.memory_space<vmem>>
      %dma_start3A_152 = arith.constant 0 : i32
      %dma_start3A_153 = arith.constant 0 : i32
      %dma_start3A_154 = tpu.memref_slice %arg5[%dma_start3A_152, %dma_start3A_153] : memref<10240x16xf32, #tpu.memory_space<hbm>> -> memref<10240x16xf32, #tpu.memory_space<hbm>>
      tpu.enqueue_indirect_dma source(%dma_start3A_154 : memref<10240x16xf32, #tpu.memory_space<hbm>>) target(%arg21 : memref<128x16xf32, #tpu.memory_space<vmem>>) offsets(%dma_start3A_151 : memref<128xi32, #tpu.memory_space<vmem>>) semaphore(%arg23 : memref<!tpu.dma_semaphore, #tpu.memory_space<semaphore_mem>>)
      %dma_start3A_155 = arith.constant 0 : i32
      %dma_start3A_156 = tpu.memref_slice %arg17[%add3A_134, %dma_start3A_155] : memref<40x128xi32, #tpu.memory_space<vmem>> -> memref<1x128xi32, #tpu.memory_space<vmem>>
      %dma_start3A_157 = tpu.memref_squeeze %dma_start3A_156 : memref<1x128xi32, #tpu.memory_space<vmem>> -> memref<128xi32, #tpu.memory_space<vmem>>
      %dma_start3A_158 = arith.constant 0 : i32
      %dma_start3A_159 = arith.constant 0 : i32
      %dma_start3A_160 = tpu.memref_slice %arg2[%dma_start3A_158, %dma_start3A_159] : memref<10240x96xf32, #tpu.memory_space<hbm>> -> memref<10240x96xf32, #tpu.memory_space<hbm>>
      tpu.enqueue_indirect_dma source(%dma_start3A_160 : memref<10240x96xf32, #tpu.memory_space<hbm>>) target(%arg19 : memref<128x96xf32, #tpu.memory_space<vmem>>) offsets(%dma_start3A_157 : memref<128xi32, #tpu.memory_space<vmem>>) semaphore(%arg24 : memref<!tpu.dma_semaphore, #tpu.memory_space<semaphore_mem>>)
      %scan3A_161 = arith.constant 0 : i32
      %scan3A_162 = arith.constant 0 : i32
      %scan3A_163 = arith.constant 128 : i32
      %scan3A_164 = arith.addi %scan3A_162, %scan3A_163 : i32
      %scan3A_165 = arith.constant 1 : i32
      scf.for %scan3A_208 = %scan3A_162 to %scan3A_164 step %scan3A_165  : i32 {
        %get3A = arith.index_cast %scan3A_208 : i32 to index
        %get3A_209 = arith.constant 0 : index
        %get3A_210 = tpu.vector_load %arg20[%get3A, %get3A_209] {strides = array<i32>} : memref<128x16xf32, #tpu.memory_space<vmem>>, vector<16xf32>,
        %get3A_211 = arith.index_cast %scan3A_208 : i32 to index
        %get3A_212 = arith.constant 80 : index
        %get3A_213 = tpu.vector_load %arg18[%get3A_211, %get3A_212] {strides = array<i32>} : memref<128x96xf32, #tpu.memory_space<vmem>>, vector<16xf32>,
        %add3A_214 = arith.addf %get3A_210, %get3A_213 : vector<16xf32>
        %jit3A_215 = arith.constant -1.000000e+30 : f32
        %broadcast_in_dim3A_216 = vector.broadcast %jit3A_215 : f32 to vector<16xf32>
        %select_n3A_217 = arith.select %lt3A_2, %add3A_214, %broadcast_in_dim3A_216 : vector<16xi1>, vector<16xf32>
        %reduce_max3A = arith.constant true
        %reduce_max3A_218 = vector.broadcast %reduce_max3A : i1 to vector<16xi1>
        %reduce_max3A_219 = tpu.scan <max>, %select_n3A_217 masked %reduce_max3A_218 : vector<16xf32>, vector<16xi1> -> vector<16xf32>
        %reduce_max3A_220 = vector.extract %reduce_max3A_219[15] : f32 from vector<16xf32>
        %sub3A = vector.broadcast %reduce_max3A_220 : f32 to vector<16xf32>
        %sub3A_221 = arith.subf %select_n3A_217, %sub3A : vector<16xf32>
        %exp3A = math.exp %sub3A_221 : vector<16xf32>
        %reduce_sum3A = arith.constant true
        %reduce_sum3A_222 = vector.broadcast %reduce_sum3A : i1 to vector<16xi1>
        %reduce_sum3A_223 = tpu.scan <sum>, %exp3A masked %reduce_sum3A_222 : vector<16xf32>, vector<16xi1> -> vector<16xf32>
        %reduce_sum3A_224 = vector.extract %reduce_sum3A_223[15] : f32 from vector<16xf32>
        %div3A = vector.broadcast %reduce_sum3A_224 : f32 to vector<16xf32>
        %div3A_225 = arith.divf %exp3A, %div3A : vector<16xf32>
        %get3A_226 = arith.index_cast %scan3A_208 : i32 to index
        %get3A_227 = arith.constant 0 : index
        %get3A_228 = tpu.vector_load %arg18[%get3A_226, %get3A_227] {strides = array<i32>} : memref<128x96xf32, #tpu.memory_space<vmem>>, vector<16xf32>,
        %slice3A = vector.extract_strided_slice %div3A_225 {offsets = [0], sizes = [1], strides = [1]} : vector<16xf32> to vector<1xf32>
        %squeeze3A = vector.extract %slice3A[0] : f32 from vector<1xf32>
        %mul3A_229 = vector.broadcast %squeeze3A : f32 to vector<16xf32>
        %mul3A_230 = arith.mulf %get3A_228, %mul3A_229 : vector<16xf32>
        %swap3A = arith.index_cast %scan3A_208 : i32 to index
        %swap3A_231 = arith.constant 0 : index
        %swap3A_232 = tpu.vector_load %arg18[%swap3A, %swap3A_231] {strides = array<i32>} : memref<128x96xf32, #tpu.memory_space<vmem>>, vector<16xf32>,
        tpu.vector_store %arg18[%swap3A, %swap3A_231], %mul3A_230 {strides = array<i32>} : memref<128x96xf32, #tpu.memory_space<vmem>>, vector<16xf32>,
        %get3A_233 = arith.index_cast %scan3A_208 : i32 to index
        %get3A_234 = arith.constant 16 : index
        %get3A_235 = tpu.vector_load %arg18[%get3A_233, %get3A_234] {strides = array<i32>} : memref<128x96xf32, #tpu.memory_space<vmem>>, vector<16xf32>,
        %slice3A_236 = vector.extract_strided_slice %div3A_225 {offsets = [1], sizes = [1], strides = [1]} : vector<16xf32> to vector<1xf32>
        %squeeze3A_237 = vector.extract %slice3A_236[0] : f32 from vector<1xf32>
        %mul3A_238 = vector.broadcast %squeeze3A_237 : f32 to vector<16xf32>
        %mul3A_239 = arith.mulf %get3A_235, %mul3A_238 : vector<16xf32>
        %swap3A_240 = arith.index_cast %scan3A_208 : i32 to index
        %swap3A_241 = arith.constant 16 : index
        %swap3A_242 = tpu.vector_load %arg18[%swap3A_240, %swap3A_241] {strides = array<i32>} : memref<128x96xf32, #tpu.memory_space<vmem>>, vector<16xf32>,
        tpu.vector_store %arg18[%swap3A_240, %swap3A_241], %mul3A_239 {strides = array<i32>} : memref<128x96xf32, #tpu.memory_space<vmem>>, vector<16xf32>,
        %get3A_243 = arith.index_cast %scan3A_208 : i32 to index
        %get3A_244 = arith.constant 32 : index
        %get3A_245 = tpu.vector_load %arg18[%get3A_243, %get3A_244] {strides = array<i32>} : memref<128x96xf32, #tpu.memory_space<vmem>>, vector<16xf32>,
        %slice3A_246 = vector.extract_strided_slice %div3A_225 {offsets = [2], sizes = [1], strides = [1]} : vector<16xf32> to vector<1xf32>
        %squeeze3A_247 = vector.extract %slice3A_246[0] : f32 from vector<1xf32>
        %mul3A_248 = vector.broadcast %squeeze3A_247 : f32 to vector<16xf32>
        %mul3A_249 = arith.mulf %get3A_245, %mul3A_248 : vector<16xf32>
        %swap3A_250 = arith.index_cast %scan3A_208 : i32 to index
        %swap3A_251 = arith.constant 32 : index
        %swap3A_252 = tpu.vector_load %arg18[%swap3A_250, %swap3A_251] {strides = array<i32>} : memref<128x96xf32, #tpu.memory_space<vmem>>, vector<16xf32>,
        tpu.vector_store %arg18[%swap3A_250, %swap3A_251], %mul3A_249 {strides = array<i32>} : memref<128x96xf32, #tpu.memory_space<vmem>>, vector<16xf32>,
        %get3A_253 = arith.index_cast %scan3A_208 : i32 to index
        %get3A_254 = arith.constant 48 : index
        %get3A_255 = tpu.vector_load %arg18[%get3A_253, %get3A_254] {strides = array<i32>} : memref<128x96xf32, #tpu.memory_space<vmem>>, vector<16xf32>,
        %slice3A_256 = vector.extract_strided_slice %div3A_225 {offsets = [3], sizes = [1], strides = [1]} : vector<16xf32> to vector<1xf32>
        %squeeze3A_257 = vector.extract %slice3A_256[0] : f32 from vector<1xf32>
        %mul3A_258 = vector.broadcast %squeeze3A_257 : f32 to vector<16xf32>
        %mul3A_259 = arith.mulf %get3A_255, %mul3A_258 : vector<16xf32>
        %swap3A_260 = arith.index_cast %scan3A_208 : i32 to index
        %swap3A_261 = arith.constant 48 : index
        %swap3A_262 = tpu.vector_load %arg18[%swap3A_260, %swap3A_261] {strides = array<i32>} : memref<128x96xf32, #tpu.memory_space<vmem>>, vector<16xf32>,
        tpu.vector_store %arg18[%swap3A_260, %swap3A_261], %mul3A_259 {strides = array<i32>} : memref<128x96xf32, #tpu.memory_space<vmem>>, vector<16xf32>,
        %get3A_263 = arith.index_cast %scan3A_208 : i32 to index
        %get3A_264 = arith.constant 64 : index
        %get3A_265 = tpu.vector_load %arg18[%get3A_263, %get3A_264] {strides = array<i32>} : memref<128x96xf32, #tpu.memory_space<vmem>>, vector<16xf32>,
        %slice3A_266 = vector.extract_strided_slice %div3A_225 {offsets = [4], sizes = [1], strides = [1]} : vector<16xf32> to vector<1xf32>
        %squeeze3A_267 = vector.extract %slice3A_266[0] : f32 from vector<1xf32>
        %mul3A_268 = vector.broadcast %squeeze3A_267 : f32 to vector<16xf32>
        %mul3A_269 = arith.mulf %get3A_265, %mul3A_268 : vector<16xf32>
        %swap3A_270 = arith.index_cast %scan3A_208 : i32 to index
        %swap3A_271 = arith.constant 64 : index
        %swap3A_272 = tpu.vector_load %arg18[%swap3A_270, %swap3A_271] {strides = array<i32>} : memref<128x96xf32, #tpu.memory_space<vmem>>, vector<16xf32>,
        tpu.vector_store %arg18[%swap3A_270, %swap3A_271], %mul3A_269 {strides = array<i32>} : memref<128x96xf32, #tpu.memory_space<vmem>>, vector<16xf32>,
        %swap3A_273 = arith.index_cast %scan3A_208 : i32 to index
        %swap3A_274 = arith.constant 80 : index
        %swap3A_275 = tpu.vector_load %arg18[%swap3A_273, %swap3A_274] {strides = array<i32>} : memref<128x96xf32, #tpu.memory_space<vmem>>, vector<16xf32>,
        tpu.vector_store %arg18[%swap3A_273, %swap3A_274], %select_n3A {strides = array<i32>} : memref<128x96xf32, #tpu.memory_space<vmem>>, vector<16xf32>,
      }
      %scan3A_166 = arith.constant 128 : i32
      %dma_start3A_167 = arith.constant 0 : i32
      %dma_start3A_168 = tpu.memref_slice %arg16[%mul3A_132, %dma_start3A_167] : memref<40x128xi32, #tpu.memory_space<vmem>> -> memref<1x128xi32, #tpu.memory_space<vmem>>
      %dma_start3A_169 = tpu.memref_squeeze %dma_start3A_168 : memref<1x128xi32, #tpu.memory_space<vmem>> -> memref<128xi32, #tpu.memory_space<vmem>>
      %dma_start3A_170 = arith.constant 0 : i32
      %dma_start3A_171 = arith.constant 0 : i32
      %dma_start3A_172 = tpu.memref_slice %arg22[%dma_start3A_170, %dma_start3A_171] : memref<10240x96xf32, #tpu.memory_space<vmem_shared>> -> memref<10240x96xf32, #tpu.memory_space<vmem_shared>>
      tpu.enqueue_indirect_dma source(%arg18 : memref<128x96xf32, #tpu.memory_space<vmem>>) target(%dma_start3A_172 : memref<10240x96xf32, #tpu.memory_space<vmem_shared>>) offsets(%dma_start3A_169 : memref<128xi32, #tpu.memory_space<vmem>>) semaphore(%arg25 : memref<!tpu.dma_semaphore, #tpu.memory_space<semaphore_mem>>) {add = true}
      %dma_wait3A_173 = arith.constant 0 : i32
      %dma_wait3A_174 = tpu.memref_slice %arg16[%add3A_134, %dma_wait3A_173] : memref<40x128xi32, #tpu.memory_space<vmem>> -> memref<1x128xi32, #tpu.memory_space<vmem>>
      %dma_wait3A_175 = tpu.memref_squeeze %dma_wait3A_174 : memref<1x128xi32, #tpu.memory_space<vmem>> -> memref<128xi32, #tpu.memory_space<vmem>>
      %dma_wait3A_176 = arith.constant 0 : i32
      %dma_wait3A_177 = arith.constant 0 : i32
      %dma_wait3A_178 = tpu.memref_slice %arg5[%dma_wait3A_176, %dma_wait3A_177] : memref<10240x16xf32, #tpu.memory_space<hbm>> -> memref<10240x16xf32, #tpu.memory_space<hbm>>
      tpu.wait_indirect_dma semaphore(%arg23 : memref<!tpu.dma_semaphore, #tpu.memory_space<semaphore_mem>>) src(%dma_wait3A_178 : memref<10240x16xf32, #tpu.memory_space<hbm>>) dst(%arg21 : memref<128x16xf32, #tpu.memory_space<vmem>>)
      %dma_wait3A_179 = arith.constant 0 : i32
      %dma_wait3A_180 = tpu.memref_slice %arg17[%add3A_134, %dma_wait3A_179] : memref<40x128xi32, #tpu.memory_space<vmem>> -> memref<1x128xi32, #tpu.memory_space<vmem>>
      %dma_wait3A_181 = tpu.memref_squeeze %dma_wait3A_180 : memref<1x128xi32, #tpu.memory_space<vmem>> -> memref<128xi32, #tpu.memory_space<vmem>>
      %dma_wait3A_182 = arith.constant 0 : i32
      %dma_wait3A_183 = arith.constant 0 : i32
      %dma_wait3A_184 = tpu.memref_slice %arg2[%dma_wait3A_182, %dma_wait3A_183] : memref<10240x96xf32, #tpu.memory_space<hbm>> -> memref<10240x96xf32, #tpu.memory_space<hbm>>
      tpu.wait_indirect_dma semaphore(%arg24 : memref<!tpu.dma_semaphore, #tpu.memory_space<semaphore_mem>>) src(%dma_wait3A_184 : memref<10240x96xf32, #tpu.memory_space<hbm>>) dst(%arg19 : memref<128x96xf32, #tpu.memory_space<vmem>>)
      %scan3A_185 = arith.constant 0 : i32
      %scan3A_186 = arith.constant 0 : i32
      %scan3A_187 = arith.constant 128 : i32
      %scan3A_188 = arith.addi %scan3A_186, %scan3A_187 : i32
      %scan3A_189 = arith.constant 1 : i32
      scf.for %scan3A_208 = %scan3A_186 to %scan3A_188 step %scan3A_189  : i32 {
        %get3A = arith.index_cast %scan3A_208 : i32 to index
        %get3A_209 = arith.constant 0 : index
        %get3A_210 = tpu.vector_load %arg21[%get3A, %get3A_209] {strides = array<i32>} : memref<128x16xf32, #tpu.memory_space<vmem>>, vector<16xf32>,
        %get3A_211 = arith.index_cast %scan3A_208 : i32 to index
        %get3A_212 = arith.constant 80 : index
        %get3A_213 = tpu.vector_load %arg19[%get3A_211, %get3A_212] {strides = array<i32>} : memref<128x96xf32, #tpu.memory_space<vmem>>, vector<16xf32>,
        %add3A_214 = arith.addf %get3A_210, %get3A_213 : vector<16xf32>
        %jit3A_215 = arith.constant -1.000000e+30 : f32
        %broadcast_in_dim3A_216 = vector.broadcast %jit3A_215 : f32 to vector<16xf32>
        %select_n3A_217 = arith.select %lt3A_2, %add3A_214, %broadcast_in_dim3A_216 : vector<16xi1>, vector<16xf32>
        %reduce_max3A = arith.constant true
        %reduce_max3A_218 = vector.broadcast %reduce_max3A : i1 to vector<16xi1>
        %reduce_max3A_219 = tpu.scan <max>, %select_n3A_217 masked %reduce_max3A_218 : vector<16xf32>, vector<16xi1> -> vector<16xf32>
        %reduce_max3A_220 = vector.extract %reduce_max3A_219[15] : f32 from vector<16xf32>
        %sub3A = vector.broadcast %reduce_max3A_220 : f32 to vector<16xf32>
        %sub3A_221 = arith.subf %select_n3A_217, %sub3A : vector<16xf32>
        %exp3A = math.exp %sub3A_221 : vector<16xf32>
        %reduce_sum3A = arith.constant true
        %reduce_sum3A_222 = vector.broadcast %reduce_sum3A : i1 to vector<16xi1>
        %reduce_sum3A_223 = tpu.scan <sum>, %exp3A masked %reduce_sum3A_222 : vector<16xf32>, vector<16xi1> -> vector<16xf32>
        %reduce_sum3A_224 = vector.extract %reduce_sum3A_223[15] : f32 from vector<16xf32>
        %div3A = vector.broadcast %reduce_sum3A_224 : f32 to vector<16xf32>
        %div3A_225 = arith.divf %exp3A, %div3A : vector<16xf32>
        %get3A_226 = arith.index_cast %scan3A_208 : i32 to index
        %get3A_227 = arith.constant 0 : index
        %get3A_228 = tpu.vector_load %arg19[%get3A_226, %get3A_227] {strides = array<i32>} : memref<128x96xf32, #tpu.memory_space<vmem>>, vector<16xf32>,
        %slice3A = vector.extract_strided_slice %div3A_225 {offsets = [0], sizes = [1], strides = [1]} : vector<16xf32> to vector<1xf32>
        %squeeze3A = vector.extract %slice3A[0] : f32 from vector<1xf32>
        %mul3A_229 = vector.broadcast %squeeze3A : f32 to vector<16xf32>
        %mul3A_230 = arith.mulf %get3A_228, %mul3A_229 : vector<16xf32>
        %swap3A = arith.index_cast %scan3A_208 : i32 to index
        %swap3A_231 = arith.constant 0 : index
        %swap3A_232 = tpu.vector_load %arg19[%swap3A, %swap3A_231] {strides = array<i32>} : memref<128x96xf32, #tpu.memory_space<vmem>>, vector<16xf32>,
        tpu.vector_store %arg19[%swap3A, %swap3A_231], %mul3A_230 {strides = array<i32>} : memref<128x96xf32, #tpu.memory_space<vmem>>, vector<16xf32>,
        %get3A_233 = arith.index_cast %scan3A_208 : i32 to index
        %get3A_234 = arith.constant 16 : index
        %get3A_235 = tpu.vector_load %arg19[%get3A_233, %get3A_234] {strides = array<i32>} : memref<128x96xf32, #tpu.memory_space<vmem>>, vector<16xf32>,
        %slice3A_236 = vector.extract_strided_slice %div3A_225 {offsets = [1], sizes = [1], strides = [1]} : vector<16xf32> to vector<1xf32>
        %squeeze3A_237 = vector.extract %slice3A_236[0] : f32 from vector<1xf32>
        %mul3A_238 = vector.broadcast %squeeze3A_237 : f32 to vector<16xf32>
        %mul3A_239 = arith.mulf %get3A_235, %mul3A_238 : vector<16xf32>
        %swap3A_240 = arith.index_cast %scan3A_208 : i32 to index
        %swap3A_241 = arith.constant 16 : index
        %swap3A_242 = tpu.vector_load %arg19[%swap3A_240, %swap3A_241] {strides = array<i32>} : memref<128x96xf32, #tpu.memory_space<vmem>>, vector<16xf32>,
        tpu.vector_store %arg19[%swap3A_240, %swap3A_241], %mul3A_239 {strides = array<i32>} : memref<128x96xf32, #tpu.memory_space<vmem>>, vector<16xf32>,
        %get3A_243 = arith.index_cast %scan3A_208 : i32 to index
        %get3A_244 = arith.constant 32 : index
        %get3A_245 = tpu.vector_load %arg19[%get3A_243, %get3A_244] {strides = array<i32>} : memref<128x96xf32, #tpu.memory_space<vmem>>, vector<16xf32>,
        %slice3A_246 = vector.extract_strided_slice %div3A_225 {offsets = [2], sizes = [1], strides = [1]} : vector<16xf32> to vector<1xf32>
        %squeeze3A_247 = vector.extract %slice3A_246[0] : f32 from vector<1xf32>
        %mul3A_248 = vector.broadcast %squeeze3A_247 : f32 to vector<16xf32>
        %mul3A_249 = arith.mulf %get3A_245, %mul3A_248 : vector<16xf32>
        %swap3A_250 = arith.index_cast %scan3A_208 : i32 to index
        %swap3A_251 = arith.constant 32 : index
        %swap3A_252 = tpu.vector_load %arg19[%swap3A_250, %swap3A_251] {strides = array<i32>} : memref<128x96xf32, #tpu.memory_space<vmem>>, vector<16xf32>,
        tpu.vector_store %arg19[%swap3A_250, %swap3A_251], %mul3A_249 {strides = array<i32>} : memref<128x96xf32, #tpu.memory_space<vmem>>, vector<16xf32>,
        %get3A_253 = arith.index_cast %scan3A_208 : i32 to index
        %get3A_254 = arith.constant 48 : index
        %get3A_255 = tpu.vector_load %arg19[%get3A_253, %get3A_254] {strides = array<i32>} : memref<128x96xf32, #tpu.memory_space<vmem>>, vector<16xf32>,
        %slice3A_256 = vector.extract_strided_slice %div3A_225 {offsets = [3], sizes = [1], strides = [1]} : vector<16xf32> to vector<1xf32>
        %squeeze3A_257 = vector.extract %slice3A_256[0] : f32 from vector<1xf32>
        %mul3A_258 = vector.broadcast %squeeze3A_257 : f32 to vector<16xf32>
        %mul3A_259 = arith.mulf %get3A_255, %mul3A_258 : vector<16xf32>
        %swap3A_260 = arith.index_cast %scan3A_208 : i32 to index
        %swap3A_261 = arith.constant 48 : index
        %swap3A_262 = tpu.vector_load %arg19[%swap3A_260, %swap3A_261] {strides = array<i32>} : memref<128x96xf32, #tpu.memory_space<vmem>>, vector<16xf32>,
        tpu.vector_store %arg19[%swap3A_260, %swap3A_261], %mul3A_259 {strides = array<i32>} : memref<128x96xf32, #tpu.memory_space<vmem>>, vector<16xf32>,
        %get3A_263 = arith.index_cast %scan3A_208 : i32 to index
        %get3A_264 = arith.constant 64 : index
        %get3A_265 = tpu.vector_load %arg19[%get3A_263, %get3A_264] {strides = array<i32>} : memref<128x96xf32, #tpu.memory_space<vmem>>, vector<16xf32>,
        %slice3A_266 = vector.extract_strided_slice %div3A_225 {offsets = [4], sizes = [1], strides = [1]} : vector<16xf32> to vector<1xf32>
        %squeeze3A_267 = vector.extract %slice3A_266[0] : f32 from vector<1xf32>
        %mul3A_268 = vector.broadcast %squeeze3A_267 : f32 to vector<16xf32>
        %mul3A_269 = arith.mulf %get3A_265, %mul3A_268 : vector<16xf32>
        %swap3A_270 = arith.index_cast %scan3A_208 : i32 to index
        %swap3A_271 = arith.constant 64 : index
        %swap3A_272 = tpu.vector_load %arg19[%swap3A_270, %swap3A_271] {strides = array<i32>} : memref<128x96xf32, #tpu.memory_space<vmem>>, vector<16xf32>,
        tpu.vector_store %arg19[%swap3A_270, %swap3A_271], %mul3A_269 {strides = array<i32>} : memref<128x96xf32, #tpu.memory_space<vmem>>, vector<16xf32>,
        %swap3A_273 = arith.index_cast %scan3A_208 : i32 to index
        %swap3A_274 = arith.constant 80 : index
        %swap3A_275 = tpu.vector_load %arg19[%swap3A_273, %swap3A_274] {strides = array<i32>} : memref<128x96xf32, #tpu.memory_space<vmem>>, vector<16xf32>,
        tpu.vector_store %arg19[%swap3A_273, %swap3A_274], %select_n3A {strides = array<i32>} : memref<128x96xf32, #tpu.memory_space<vmem>>, vector<16xf32>,
      }
      %scan3A_190 = arith.constant 128 : i32
      %dma_wait3A_191 = arith.constant 0 : i32
      %dma_wait3A_192 = tpu.memref_slice %arg16[%mul3A_132, %dma_wait3A_191] : memref<40x128xi32, #tpu.memory_space<vmem>> -> memref<1x128xi32, #tpu.memory_space<vmem>>
      %dma_wait3A_193 = tpu.memref_squeeze %dma_wait3A_192 : memref<1x128xi32, #tpu.memory_space<vmem>> -> memref<128xi32, #tpu.memory_space<vmem>>
      %dma_wait3A_194 = arith.constant 0 : i32
      %dma_wait3A_195 = arith.constant 0 : i32
      %dma_wait3A_196 = tpu.memref_slice %arg22[%dma_wait3A_194, %dma_wait3A_195] : memref<10240x96xf32, #tpu.memory_space<vmem_shared>> -> memref<10240x96xf32, #tpu.memory_space<vmem_shared>>
      tpu.wait_indirect_dma semaphore(%arg25 : memref<!tpu.dma_semaphore, #tpu.memory_space<semaphore_mem>>) src(%arg18 : memref<128x96xf32, #tpu.memory_space<vmem>>) dst(%dma_wait3A_196 : memref<10240x96xf32, #tpu.memory_space<vmem_shared>>)
      %lt3A_197 = arith.constant 19 : i32
      %lt3A_198 = arith.cmpi slt, %scan3A_130, %lt3A_197 : i32
      %convert_element_type3A_199 = arith.extui %lt3A_198 : i1 to i32
      %cond3A_200 = arith.constant 0 : i32
      %cond3A_201 = arith.cmpi ne, %convert_element_type3A_199, %cond3A_200 : i32
      scf.if %cond3A_201 {
        %add3A_208 = arith.constant 2 : i32
        %add3A_209 = arith.addi %mul3A_132, %add3A_208 : i32
        %dma_start3A_210 = arith.constant 0 : i32
        %dma_start3A_211 = tpu.memref_slice %arg16[%add3A_209, %dma_start3A_210] : memref<40x128xi32, #tpu.memory_space<vmem>> -> memref<1x128xi32, #tpu.memory_space<vmem>>
        %dma_start3A_212 = tpu.memref_squeeze %dma_start3A_211 : memref<1x128xi32, #tpu.memory_space<vmem>> -> memref<128xi32, #tpu.memory_space<vmem>>
        %dma_start3A_213 = arith.constant 0 : i32
        %dma_start3A_214 = arith.constant 0 : i32
        %dma_start3A_215 = tpu.memref_slice %arg5[%dma_start3A_213, %dma_start3A_214] : memref<10240x16xf32, #tpu.memory_space<hbm>> -> memref<10240x16xf32, #tpu.memory_space<hbm>>
        tpu.enqueue_indirect_dma source(%dma_start3A_215 : memref<10240x16xf32, #tpu.memory_space<hbm>>) target(%arg20 : memref<128x16xf32, #tpu.memory_space<vmem>>) offsets(%dma_start3A_212 : memref<128xi32, #tpu.memory_space<vmem>>) semaphore(%arg23 : memref<!tpu.dma_semaphore, #tpu.memory_space<semaphore_mem>>)
        %dma_start3A_216 = arith.constant 0 : i32
        %dma_start3A_217 = tpu.memref_slice %arg17[%add3A_209, %dma_start3A_216] : memref<40x128xi32, #tpu.memory_space<vmem>> -> memref<1x128xi32, #tpu.memory_space<vmem>>
        %dma_start3A_218 = tpu.memref_squeeze %dma_start3A_217 : memref<1x128xi32, #tpu.memory_space<vmem>> -> memref<128xi32, #tpu.memory_space<vmem>>
        %dma_start3A_219 = arith.constant 0 : i32
        %dma_start3A_220 = arith.constant 0 : i32
        %dma_start3A_221 = tpu.memref_slice %arg2[%dma_start3A_219, %dma_start3A_220] : memref<10240x96xf32, #tpu.memory_space<hbm>> -> memref<10240x96xf32, #tpu.memory_space<hbm>>
        tpu.enqueue_indirect_dma source(%dma_start3A_221 : memref<10240x96xf32, #tpu.memory_space<hbm>>) target(%arg18 : memref<128x96xf32, #tpu.memory_space<vmem>>) offsets(%dma_start3A_218 : memref<128xi32, #tpu.memory_space<vmem>>) semaphore(%arg24 : memref<!tpu.dma_semaphore, #tpu.memory_space<semaphore_mem>>)
      } else {
      }
      %dma_start3A_202 = arith.constant 0 : i32
      %dma_start3A_203 = tpu.memref_slice %arg16[%add3A_134, %dma_start3A_202] : memref<40x128xi32, #tpu.memory_space<vmem>> -> memref<1x128xi32, #tpu.memory_space<vmem>>
      %dma_start3A_204 = tpu.memref_squeeze %dma_start3A_203 : memref<1x128xi32, #tpu.memory_space<vmem>> -> memref<128xi32, #tpu.memory_space<vmem>>
      %dma_start3A_205 = arith.constant 0 : i32
      %dma_start3A_206 = arith.constant 0 : i32
      %dma_start3A_207 = tpu.memref_slice %arg22[%dma_start3A_205, %dma_start3A_206] : memref<10240x96xf32, #tpu.memory_space<vmem_shared>> -> memref<10240x96xf32, #tpu.memory_space<vmem_shared>>
      tpu.enqueue_indirect_dma source(%arg19 : memref<128x96xf32, #tpu.memory_space<vmem>>) target(%dma_start3A_207 : memref<10240x96xf32, #tpu.memory_space<vmem_shared>>) offsets(%dma_start3A_204 : memref<128xi32, #tpu.memory_space<vmem>>) semaphore(%arg25 : memref<!tpu.dma_semaphore, #tpu.memory_space<semaphore_mem>>) {add = true}
    }
    %scan3A_33 = arith.constant 20 : i32
    %dma_wait3A = arith.constant 39 : i32
    %dma_wait3A_34 = arith.constant 0 : i32
    %dma_wait3A_35 = tpu.memref_slice %arg16[%dma_wait3A, %dma_wait3A_34] : memref<40x128xi32, #tpu.memory_space<vmem>> -> memref<1x128xi32, #tpu.memory_space<vmem>>
    %dma_wait3A_36 = tpu.memref_squeeze %dma_wait3A_35 : memref<1x128xi32, #tpu.memory_space<vmem>> -> memref<128xi32, #tpu.memory_space<vmem>>
    %dma_wait3A_37 = arith.constant 0 : i32
    %dma_wait3A_38 = arith.constant 0 : i32
    %dma_wait3A_39 = tpu.memref_slice %arg22[%dma_wait3A_37, %dma_wait3A_38] : memref<10240x96xf32, #tpu.memory_space<vmem_shared>> -> memref<10240x96xf32, #tpu.memory_space<vmem_shared>>
    tpu.wait_indirect_dma semaphore(%arg25 : memref<!tpu.dma_semaphore, #tpu.memory_space<semaphore_mem>>) src(%arg19 : memref<128x96xf32, #tpu.memory_space<vmem>>) dst(%dma_wait3A_39 : memref<10240x96xf32, #tpu.memory_space<vmem_shared>>)
    %barrier3A_40 = arith.constant 0 : index
    tpu.barrier barrier_id(%barrier3A_40)
    %mul3A_41 = arith.constant 640 : i32
    %mul3A_42 = arith.muli %arg1, %mul3A_41 : i32
    %mul3A_43 = arith.constant 640 : i32
    %mul3A_44 = arith.muli %arg1, %mul3A_43 : i32
    %run_scoped3A = arith.constant 0 : i32
    "tpu.region"() ({
      %run_scoped3A_130 = tpu.sem_alloc : memref<!tpu.dma_semaphore, #tpu.memory_space<semaphore_mem>>
      %dma_start3A_131 = arith.constant 0 : i32
      %dma_start3A_132 = tpu.memref_slice %arg15[%run_scoped3A, %arg0, %mul3A_44, %dma_start3A_131] : memref<3x2x10240x96xf32, #tpu.memory_space<hbm>> -> memref<1x1x640x96xf32, #tpu.memory_space<hbm>>
      %dma_start3A_133 = tpu.memref_squeeze %dma_start3A_132 : memref<1x1x640x96xf32, #tpu.memory_space<hbm>> -> memref<640x96xf32, #tpu.memory_space<hbm>>
      %dma_start3A_134 = arith.constant 0 : i32
      %dma_start3A_135 = tpu.memref_slice %arg22[%mul3A_42, %dma_start3A_134] : memref<10240x96xf32, #tpu.memory_space<vmem_shared>> -> memref<640x96xf32, #tpu.memory_space<vmem_shared>>
      tpu.enqueue_dma source(%dma_start3A_135 : memref<640x96xf32, #tpu.memory_space<vmem_shared>>) target(%dma_start3A_133 : memref<640x96xf32, #tpu.memory_space<hbm>>) target_semaphore(%run_scoped3A_130 : memref<!tpu.dma_semaphore, #tpu.memory_space<semaphore_mem>>)
      %dma_wait3A_136 = arith.constant 0 : i32
      %dma_wait3A_137 = tpu.memref_slice %arg15[%run_scoped3A, %arg0, %mul3A_44, %dma_wait3A_136] : memref<3x2x10240x96xf32, #tpu.memory_space<hbm>> -> memref<1x1x640x96xf32, #tpu.memory_space<hbm>>
      %dma_wait3A_138 = tpu.memref_squeeze %dma_wait3A_137 : memref<1x1x640x96xf32, #tpu.memory_space<hbm>> -> memref<640x96xf32, #tpu.memory_space<hbm>>
      %dma_wait3A_139 = arith.constant 0 : i32
      %dma_wait3A_140 = tpu.memref_slice %arg22[%mul3A_42, %dma_wait3A_139] : memref<10240x96xf32, #tpu.memory_space<vmem_shared>> -> memref<640x96xf32, #tpu.memory_space<vmem_shared>>
      tpu.wait_dma2 semaphore(%run_scoped3A_130 : memref<!tpu.dma_semaphore, #tpu.memory_space<semaphore_mem>>) src(%dma_wait3A_140 : memref<640x96xf32, #tpu.memory_space<vmem_shared>>) dst(%dma_wait3A_138 : memref<640x96xf32, #tpu.memory_space<hbm>>)
      tpu.yield
    }) : () -> ()
    %mul3A_45 = arith.constant 640 : i32
    %mul3A_46 = arith.muli %arg1, %mul3A_45 : i32
    %mul3A_47 = arith.constant 640 : i32
    %mul3A_48 = arith.muli %arg1, %mul3A_47 : i32
    "tpu.region"() ({
      %run_scoped3A_130 = tpu.sem_alloc : memref<!tpu.dma_semaphore, #tpu.memory_space<semaphore_mem>>
      %dma_start3A_131 = arith.constant 0 : i32
      %dma_start3A_132 = tpu.memref_slice %arg22[%mul3A_48, %dma_start3A_131] : memref<10240x96xf32, #tpu.memory_space<vmem_shared>> -> memref<640x96xf32, #tpu.memory_space<vmem_shared>>
      %dma_start3A_133 = arith.constant 0 : i32
      %dma_start3A_134 = tpu.memref_slice %arg14[%mul3A_46, %dma_start3A_133] : memref<10240x96xf32, #tpu.memory_space<hbm>> -> memref<640x96xf32, #tpu.memory_space<hbm>>
      tpu.enqueue_dma source(%dma_start3A_134 : memref<640x96xf32, #tpu.memory_space<hbm>>) target(%dma_start3A_132 : memref<640x96xf32, #tpu.memory_space<vmem_shared>>) target_semaphore(%run_scoped3A_130 : memref<!tpu.dma_semaphore, #tpu.memory_space<semaphore_mem>>)
      %dma_wait3A_135 = arith.constant 0 : i32
      %dma_wait3A_136 = tpu.memref_slice %arg22[%mul3A_48, %dma_wait3A_135] : memref<10240x96xf32, #tpu.memory_space<vmem_shared>> -> memref<640x96xf32, #tpu.memory_space<vmem_shared>>
      %dma_wait3A_137 = arith.constant 0 : i32
      %dma_wait3A_138 = tpu.memref_slice %arg14[%mul3A_46, %dma_wait3A_137] : memref<10240x96xf32, #tpu.memory_space<hbm>> -> memref<640x96xf32, #tpu.memory_space<hbm>>
      tpu.wait_dma2 semaphore(%run_scoped3A_130 : memref<!tpu.dma_semaphore, #tpu.memory_space<semaphore_mem>>) src(%dma_wait3A_138 : memref<640x96xf32, #tpu.memory_space<hbm>>) dst(%dma_wait3A_136 : memref<640x96xf32, #tpu.memory_space<vmem_shared>>)
      tpu.yield
    }) : () -> ()
    %barrier3A_49 = arith.constant 0 : index
    tpu.barrier barrier_id(%barrier3A_49)
    %mul3A_50 = arith.constant 40 : i32
    %mul3A_51 = arith.muli %add3A, %mul3A_50 : i32
    "tpu.region"() ({
      %run_scoped3A_130 = tpu.sem_alloc : memref<!tpu.dma_semaphore, #tpu.memory_space<semaphore_mem>>
      %dma_start3A_131 = arith.constant 0 : i32
      %dma_start3A_132 = tpu.memref_slice %arg10[%mul3A_51, %dma_start3A_131] : memref<1280x128xi32, #tpu.memory_space<hbm>> -> memref<40x128xi32, #tpu.memory_space<hbm>>
      %dma_start3A_133 = arith.constant 0 : i32
      %dma_start3A_134 = tpu.memref_slice %arg10[%mul3A_51, %dma_start3A_133] : memref<1280x128xi32, #tpu.memory_space<hbm>> -> memref<40x128xi32, #tpu.memory_space<hbm>>
      tpu.enqueue_dma source(%dma_start3A_134 : memref<40x128xi32, #tpu.memory_space<hbm>>) target(%arg16 : memref<40x128xi32, #tpu.memory_space<vmem>>) target_semaphore(%run_scoped3A_130 : memref<!tpu.dma_semaphore, #tpu.memory_space<semaphore_mem>>)
      %dma_wait3A_135 = arith.constant 0 : i32
      %dma_wait3A_136 = tpu.memref_slice %arg10[%mul3A_51, %dma_wait3A_135] : memref<1280x128xi32, #tpu.memory_space<hbm>> -> memref<40x128xi32, #tpu.memory_space<hbm>>
      %dma_wait3A_137 = arith.constant 0 : i32
      %dma_wait3A_138 = tpu.memref_slice %arg10[%mul3A_51, %dma_wait3A_137] : memref<1280x128xi32, #tpu.memory_space<hbm>> -> memref<40x128xi32, #tpu.memory_space<hbm>>
      tpu.wait_dma2 semaphore(%run_scoped3A_130 : memref<!tpu.dma_semaphore, #tpu.memory_space<semaphore_mem>>) src(%dma_wait3A_138 : memref<40x128xi32, #tpu.memory_space<hbm>>) dst(%arg16 : memref<40x128xi32, #tpu.memory_space<vmem>>)
      tpu.yield
    }) : () -> ()
    %mul3A_52 = arith.constant 40 : i32
    %mul3A_53 = arith.muli %add3A, %mul3A_52 : i32
    "tpu.region"() ({
      %run_scoped3A_130 = tpu.sem_alloc : memref<!tpu.dma_semaphore, #tpu.memory_space<semaphore_mem>>
      %dma_start3A_131 = arith.constant 0 : i32
      %dma_start3A_132 = tpu.memref_slice %arg11[%mul3A_53, %dma_start3A_131] : memref<1280x128xi32, #tpu.memory_space<hbm>> -> memref<40x128xi32, #tpu.memory_space<hbm>>
      %dma_start3A_133 = arith.constant 0 : i32
      %dma_start3A_134 = tpu.memref_slice %arg11[%mul3A_53, %dma_start3A_133] : memref<1280x128xi32, #tpu.memory_space<hbm>> -> memref<40x128xi32, #tpu.memory_space<hbm>>
      tpu.enqueue_dma source(%dma_start3A_134 : memref<40x128xi32, #tpu.memory_space<hbm>>) target(%arg17 : memref<40x128xi32, #tpu.memory_space<vmem>>) target_semaphore(%run_scoped3A_130 : memref<!tpu.dma_semaphore, #tpu.memory_space<semaphore_mem>>)
      %dma_wait3A_135 = arith.constant 0 : i32
      %dma_wait3A_136 = tpu.memref_slice %arg11[%mul3A_53, %dma_wait3A_135] : memref<1280x128xi32, #tpu.memory_space<hbm>> -> memref<40x128xi32, #tpu.memory_space<hbm>>
      %dma_wait3A_137 = arith.constant 0 : i32
      %dma_wait3A_138 = tpu.memref_slice %arg11[%mul3A_53, %dma_wait3A_137] : memref<1280x128xi32, #tpu.memory_space<hbm>> -> memref<40x128xi32, #tpu.memory_space<hbm>>
      tpu.wait_dma2 semaphore(%run_scoped3A_130 : memref<!tpu.dma_semaphore, #tpu.memory_space<semaphore_mem>>) src(%dma_wait3A_138 : memref<40x128xi32, #tpu.memory_space<hbm>>) dst(%arg17 : memref<40x128xi32, #tpu.memory_space<vmem>>)
      tpu.yield
    }) : () -> ()
    %dma_start3A_54 = arith.constant 0 : i32
    %dma_start3A_55 = arith.constant 0 : i32
    %dma_start3A_56 = tpu.memref_slice %arg16[%dma_start3A_54, %dma_start3A_55] : memref<40x128xi32, #tpu.memory_space<vmem>> -> memref<1x128xi32, #tpu.memory_space<vmem>>
    %dma_start3A_57 = tpu.memref_squeeze %dma_start3A_56 : memref<1x128xi32, #tpu.memory_space<vmem>> -> memref<128xi32, #tpu.memory_space<vmem>>
    %dma_start3A_58 = arith.constant 0 : i32
    %dma_start3A_59 = arith.constant 0 : i32
    %dma_start3A_60 = tpu.memref_slice %arg6[%dma_start3A_58, %dma_start3A_59] : memref<10240x16xf32, #tpu.memory_space<hbm>> -> memref<10240x16xf32, #tpu.memory_space<hbm>>
    tpu.enqueue_indirect_dma source(%dma_start3A_60 : memref<10240x16xf32, #tpu.memory_space<hbm>>) target(%arg20 : memref<128x16xf32, #tpu.memory_space<vmem>>) offsets(%dma_start3A_57 : memref<128xi32, #tpu.memory_space<vmem>>) semaphore(%arg23 : memref<!tpu.dma_semaphore, #tpu.memory_space<semaphore_mem>>)
    %dma_start3A_61 = arith.constant 0 : i32
    %dma_start3A_62 = arith.constant 0 : i32
    %dma_start3A_63 = tpu.memref_slice %arg17[%dma_start3A_61, %dma_start3A_62] : memref<40x128xi32, #tpu.memory_space<vmem>> -> memref<1x128xi32, #tpu.memory_space<vmem>>
    %dma_start3A_64 = tpu.memref_squeeze %dma_start3A_63 : memref<1x128xi32, #tpu.memory_space<vmem>> -> memref<128xi32, #tpu.memory_space<vmem>>
    %dma_start3A_65 = arith.constant 0 : i32
    %dma_start3A_66 = arith.constant 0 : i32
    %dma_start3A_67 = tpu.memref_slice %arg3[%dma_start3A_65, %dma_start3A_66] : memref<10240x96xf32, #tpu.memory_space<hbm>> -> memref<10240x96xf32, #tpu.memory_space<hbm>>
    tpu.enqueue_indirect_dma source(%dma_start3A_67 : memref<10240x96xf32, #tpu.memory_space<hbm>>) target(%arg18 : memref<128x96xf32, #tpu.memory_space<vmem>>) offsets(%dma_start3A_64 : memref<128xi32, #tpu.memory_space<vmem>>) semaphore(%arg24 : memref<!tpu.dma_semaphore, #tpu.memory_space<semaphore_mem>>)
    %scan3A_68 = arith.constant 0 : i32
    %scan3A_69 = arith.constant 0 : i32
    %scan3A_70 = arith.constant 20 : i32
    %scan3A_71 = arith.addi %scan3A_69, %scan3A_70 : i32
    %scan3A_72 = arith.constant 1 : i32
    scf.for %scan3A_130 = %scan3A_69 to %scan3A_71 step %scan3A_72  : i32 {
      %mul3A_131 = arith.constant 2 : i32
      %mul3A_132 = arith.muli %mul3A_131, %scan3A_130 : i32
      %add3A_133 = arith.constant 1 : i32
      %add3A_134 = arith.addi %mul3A_132, %add3A_133 : i32
      %dma_wait3A_135 = arith.constant 0 : i32
      %dma_wait3A_136 = tpu.memref_slice %arg16[%mul3A_132, %dma_wait3A_135] : memref<40x128xi32, #tpu.memory_space<vmem>> -> memref<1x128xi32, #tpu.memory_space<vmem>>
      %dma_wait3A_137 = tpu.memref_squeeze %dma_wait3A_136 : memref<1x128xi32, #tpu.memory_space<vmem>> -> memref<128xi32, #tpu.memory_space<vmem>>
      %dma_wait3A_138 = arith.constant 0 : i32
      %dma_wait3A_139 = arith.constant 0 : i32
      %dma_wait3A_140 = tpu.memref_slice %arg6[%dma_wait3A_138, %dma_wait3A_139] : memref<10240x16xf32, #tpu.memory_space<hbm>> -> memref<10240x16xf32, #tpu.memory_space<hbm>>
      tpu.wait_indirect_dma semaphore(%arg23 : memref<!tpu.dma_semaphore, #tpu.memory_space<semaphore_mem>>) src(%dma_wait3A_140 : memref<10240x16xf32, #tpu.memory_space<hbm>>) dst(%arg20 : memref<128x16xf32, #tpu.memory_space<vmem>>)
      %dma_wait3A_141 = arith.constant 0 : i32
      %dma_wait3A_142 = tpu.memref_slice %arg17[%mul3A_132, %dma_wait3A_141] : memref<40x128xi32, #tpu.memory_space<vmem>> -> memref<1x128xi32, #tpu.memory_space<vmem>>
      %dma_wait3A_143 = tpu.memref_squeeze %dma_wait3A_142 : memref<1x128xi32, #tpu.memory_space<vmem>> -> memref<128xi32, #tpu.memory_space<vmem>>
      %dma_wait3A_144 = arith.constant 0 : i32
      %dma_wait3A_145 = arith.constant 0 : i32
      %dma_wait3A_146 = tpu.memref_slice %arg3[%dma_wait3A_144, %dma_wait3A_145] : memref<10240x96xf32, #tpu.memory_space<hbm>> -> memref<10240x96xf32, #tpu.memory_space<hbm>>
      tpu.wait_indirect_dma semaphore(%arg24 : memref<!tpu.dma_semaphore, #tpu.memory_space<semaphore_mem>>) src(%dma_wait3A_146 : memref<10240x96xf32, #tpu.memory_space<hbm>>) dst(%arg18 : memref<128x96xf32, #tpu.memory_space<vmem>>)
      %gt3A = arith.constant 0 : i32
      %gt3A_147 = arith.cmpi sgt, %scan3A_130, %gt3A : i32
      %convert_element_type3A = arith.extui %gt3A_147 : i1 to i32
      %cond3A = arith.constant 0 : i32
      %cond3A_148 = arith.cmpi ne, %convert_element_type3A, %cond3A : i32
      scf.if %cond3A_148 {
        %sub3A = arith.constant 2 : i32
        %sub3A_208 = arith.subi %add3A_134, %sub3A : i32
        %dma_wait3A_209 = arith.constant 0 : i32
        %dma_wait3A_210 = tpu.memref_slice %arg16[%sub3A_208, %dma_wait3A_209] : memref<40x128xi32, #tpu.memory_space<vmem>> -> memref<1x128xi32, #tpu.memory_space<vmem>>
        %dma_wait3A_211 = tpu.memref_squeeze %dma_wait3A_210 : memref<1x128xi32, #tpu.memory_space<vmem>> -> memref<128xi32, #tpu.memory_space<vmem>>
        %dma_wait3A_212 = arith.constant 0 : i32
        %dma_wait3A_213 = arith.constant 0 : i32
        %dma_wait3A_214 = tpu.memref_slice %arg22[%dma_wait3A_212, %dma_wait3A_213] : memref<10240x96xf32, #tpu.memory_space<vmem_shared>> -> memref<10240x96xf32, #tpu.memory_space<vmem_shared>>
        tpu.wait_indirect_dma semaphore(%arg25 : memref<!tpu.dma_semaphore, #tpu.memory_space<semaphore_mem>>) src(%arg19 : memref<128x96xf32, #tpu.memory_space<vmem>>) dst(%dma_wait3A_214 : memref<10240x96xf32, #tpu.memory_space<vmem_shared>>)
      } else {
      }
      %dma_start3A_149 = arith.constant 0 : i32
      %dma_start3A_150 = tpu.memref_slice %arg16[%add3A_134, %dma_start3A_149] : memref<40x128xi32, #tpu.memory_space<vmem>> -> memref<1x128xi32, #tpu.memory_space<vmem>>
      %dma_start3A_151 = tpu.memref_squeeze %dma_start3A_150 : memref<1x128xi32, #tpu.memory_space<vmem>> -> memref<128xi32, #tpu.memory_space<vmem>>
      %dma_start3A_152 = arith.constant 0 : i32
      %dma_start3A_153 = arith.constant 0 : i32
      %dma_start3A_154 = tpu.memref_slice %arg6[%dma_start3A_152, %dma_start3A_153] : memref<10240x16xf32, #tpu.memory_space<hbm>> -> memref<10240x16xf32, #tpu.memory_space<hbm>>
      tpu.enqueue_indirect_dma source(%dma_start3A_154 : memref<10240x16xf32, #tpu.memory_space<hbm>>) target(%arg21 : memref<128x16xf32, #tpu.memory_space<vmem>>) offsets(%dma_start3A_151 : memref<128xi32, #tpu.memory_space<vmem>>) semaphore(%arg23 : memref<!tpu.dma_semaphore, #tpu.memory_space<semaphore_mem>>)
      %dma_start3A_155 = arith.constant 0 : i32
      %dma_start3A_156 = tpu.memref_slice %arg17[%add3A_134, %dma_start3A_155] : memref<40x128xi32, #tpu.memory_space<vmem>> -> memref<1x128xi32, #tpu.memory_space<vmem>>
      %dma_start3A_157 = tpu.memref_squeeze %dma_start3A_156 : memref<1x128xi32, #tpu.memory_space<vmem>> -> memref<128xi32, #tpu.memory_space<vmem>>
      %dma_start3A_158 = arith.constant 0 : i32
      %dma_start3A_159 = arith.constant 0 : i32
      %dma_start3A_160 = tpu.memref_slice %arg3[%dma_start3A_158, %dma_start3A_159] : memref<10240x96xf32, #tpu.memory_space<hbm>> -> memref<10240x96xf32, #tpu.memory_space<hbm>>
      tpu.enqueue_indirect_dma source(%dma_start3A_160 : memref<10240x96xf32, #tpu.memory_space<hbm>>) target(%arg19 : memref<128x96xf32, #tpu.memory_space<vmem>>) offsets(%dma_start3A_157 : memref<128xi32, #tpu.memory_space<vmem>>) semaphore(%arg24 : memref<!tpu.dma_semaphore, #tpu.memory_space<semaphore_mem>>)
      %scan3A_161 = arith.constant 0 : i32
      %scan3A_162 = arith.constant 0 : i32
      %scan3A_163 = arith.constant 128 : i32
      %scan3A_164 = arith.addi %scan3A_162, %scan3A_163 : i32
      %scan3A_165 = arith.constant 1 : i32
      scf.for %scan3A_208 = %scan3A_162 to %scan3A_164 step %scan3A_165  : i32 {
        %get3A = arith.index_cast %scan3A_208 : i32 to index
        %get3A_209 = arith.constant 0 : index
        %get3A_210 = tpu.vector_load %arg20[%get3A, %get3A_209] {strides = array<i32>} : memref<128x16xf32, #tpu.memory_space<vmem>>, vector<16xf32>,
        %get3A_211 = arith.index_cast %scan3A_208 : i32 to index
        %get3A_212 = arith.constant 80 : index
        %get3A_213 = tpu.vector_load %arg18[%get3A_211, %get3A_212] {strides = array<i32>} : memref<128x96xf32, #tpu.memory_space<vmem>>, vector<16xf32>,
        %add3A_214 = arith.addf %get3A_210, %get3A_213 : vector<16xf32>
        %jit3A_215 = arith.constant -1.000000e+30 : f32
        %broadcast_in_dim3A_216 = vector.broadcast %jit3A_215 : f32 to vector<16xf32>
        %select_n3A_217 = arith.select %lt3A_2, %add3A_214, %broadcast_in_dim3A_216 : vector<16xi1>, vector<16xf32>
        %reduce_max3A = arith.constant true
        %reduce_max3A_218 = vector.broadcast %reduce_max3A : i1 to vector<16xi1>
        %reduce_max3A_219 = tpu.scan <max>, %select_n3A_217 masked %reduce_max3A_218 : vector<16xf32>, vector<16xi1> -> vector<16xf32>
        %reduce_max3A_220 = vector.extract %reduce_max3A_219[15] : f32 from vector<16xf32>
        %sub3A = vector.broadcast %reduce_max3A_220 : f32 to vector<16xf32>
        %sub3A_221 = arith.subf %select_n3A_217, %sub3A : vector<16xf32>
        %exp3A = math.exp %sub3A_221 : vector<16xf32>
        %reduce_sum3A = arith.constant true
        %reduce_sum3A_222 = vector.broadcast %reduce_sum3A : i1 to vector<16xi1>
        %reduce_sum3A_223 = tpu.scan <sum>, %exp3A masked %reduce_sum3A_222 : vector<16xf32>, vector<16xi1> -> vector<16xf32>
        %reduce_sum3A_224 = vector.extract %reduce_sum3A_223[15] : f32 from vector<16xf32>
        %div3A = vector.broadcast %reduce_sum3A_224 : f32 to vector<16xf32>
        %div3A_225 = arith.divf %exp3A, %div3A : vector<16xf32>
        %get3A_226 = arith.index_cast %scan3A_208 : i32 to index
        %get3A_227 = arith.constant 0 : index
        %get3A_228 = tpu.vector_load %arg18[%get3A_226, %get3A_227] {strides = array<i32>} : memref<128x96xf32, #tpu.memory_space<vmem>>, vector<16xf32>,
        %slice3A = vector.extract_strided_slice %div3A_225 {offsets = [0], sizes = [1], strides = [1]} : vector<16xf32> to vector<1xf32>
        %squeeze3A = vector.extract %slice3A[0] : f32 from vector<1xf32>
        %mul3A_229 = vector.broadcast %squeeze3A : f32 to vector<16xf32>
        %mul3A_230 = arith.mulf %get3A_228, %mul3A_229 : vector<16xf32>
        %swap3A = arith.index_cast %scan3A_208 : i32 to index
        %swap3A_231 = arith.constant 0 : index
        %swap3A_232 = tpu.vector_load %arg18[%swap3A, %swap3A_231] {strides = array<i32>} : memref<128x96xf32, #tpu.memory_space<vmem>>, vector<16xf32>,
        tpu.vector_store %arg18[%swap3A, %swap3A_231], %mul3A_230 {strides = array<i32>} : memref<128x96xf32, #tpu.memory_space<vmem>>, vector<16xf32>,
        %get3A_233 = arith.index_cast %scan3A_208 : i32 to index
        %get3A_234 = arith.constant 16 : index
        %get3A_235 = tpu.vector_load %arg18[%get3A_233, %get3A_234] {strides = array<i32>} : memref<128x96xf32, #tpu.memory_space<vmem>>, vector<16xf32>,
        %slice3A_236 = vector.extract_strided_slice %div3A_225 {offsets = [1], sizes = [1], strides = [1]} : vector<16xf32> to vector<1xf32>
        %squeeze3A_237 = vector.extract %slice3A_236[0] : f32 from vector<1xf32>
        %mul3A_238 = vector.broadcast %squeeze3A_237 : f32 to vector<16xf32>
        %mul3A_239 = arith.mulf %get3A_235, %mul3A_238 : vector<16xf32>
        %swap3A_240 = arith.index_cast %scan3A_208 : i32 to index
        %swap3A_241 = arith.constant 16 : index
        %swap3A_242 = tpu.vector_load %arg18[%swap3A_240, %swap3A_241] {strides = array<i32>} : memref<128x96xf32, #tpu.memory_space<vmem>>, vector<16xf32>,
        tpu.vector_store %arg18[%swap3A_240, %swap3A_241], %mul3A_239 {strides = array<i32>} : memref<128x96xf32, #tpu.memory_space<vmem>>, vector<16xf32>,
        %get3A_243 = arith.index_cast %scan3A_208 : i32 to index
        %get3A_244 = arith.constant 32 : index
        %get3A_245 = tpu.vector_load %arg18[%get3A_243, %get3A_244] {strides = array<i32>} : memref<128x96xf32, #tpu.memory_space<vmem>>, vector<16xf32>,
        %slice3A_246 = vector.extract_strided_slice %div3A_225 {offsets = [2], sizes = [1], strides = [1]} : vector<16xf32> to vector<1xf32>
        %squeeze3A_247 = vector.extract %slice3A_246[0] : f32 from vector<1xf32>
        %mul3A_248 = vector.broadcast %squeeze3A_247 : f32 to vector<16xf32>
        %mul3A_249 = arith.mulf %get3A_245, %mul3A_248 : vector<16xf32>
        %swap3A_250 = arith.index_cast %scan3A_208 : i32 to index
        %swap3A_251 = arith.constant 32 : index
        %swap3A_252 = tpu.vector_load %arg18[%swap3A_250, %swap3A_251] {strides = array<i32>} : memref<128x96xf32, #tpu.memory_space<vmem>>, vector<16xf32>,
        tpu.vector_store %arg18[%swap3A_250, %swap3A_251], %mul3A_249 {strides = array<i32>} : memref<128x96xf32, #tpu.memory_space<vmem>>, vector<16xf32>,
        %get3A_253 = arith.index_cast %scan3A_208 : i32 to index
        %get3A_254 = arith.constant 48 : index
        %get3A_255 = tpu.vector_load %arg18[%get3A_253, %get3A_254] {strides = array<i32>} : memref<128x96xf32, #tpu.memory_space<vmem>>, vector<16xf32>,
        %slice3A_256 = vector.extract_strided_slice %div3A_225 {offsets = [3], sizes = [1], strides = [1]} : vector<16xf32> to vector<1xf32>
        %squeeze3A_257 = vector.extract %slice3A_256[0] : f32 from vector<1xf32>
        %mul3A_258 = vector.broadcast %squeeze3A_257 : f32 to vector<16xf32>
        %mul3A_259 = arith.mulf %get3A_255, %mul3A_258 : vector<16xf32>
        %swap3A_260 = arith.index_cast %scan3A_208 : i32 to index
        %swap3A_261 = arith.constant 48 : index
        %swap3A_262 = tpu.vector_load %arg18[%swap3A_260, %swap3A_261] {strides = array<i32>} : memref<128x96xf32, #tpu.memory_space<vmem>>, vector<16xf32>,
        tpu.vector_store %arg18[%swap3A_260, %swap3A_261], %mul3A_259 {strides = array<i32>} : memref<128x96xf32, #tpu.memory_space<vmem>>, vector<16xf32>,
        %get3A_263 = arith.index_cast %scan3A_208 : i32 to index
        %get3A_264 = arith.constant 64 : index
        %get3A_265 = tpu.vector_load %arg18[%get3A_263, %get3A_264] {strides = array<i32>} : memref<128x96xf32, #tpu.memory_space<vmem>>, vector<16xf32>,
        %slice3A_266 = vector.extract_strided_slice %div3A_225 {offsets = [4], sizes = [1], strides = [1]} : vector<16xf32> to vector<1xf32>
        %squeeze3A_267 = vector.extract %slice3A_266[0] : f32 from vector<1xf32>
        %mul3A_268 = vector.broadcast %squeeze3A_267 : f32 to vector<16xf32>
        %mul3A_269 = arith.mulf %get3A_265, %mul3A_268 : vector<16xf32>
        %swap3A_270 = arith.index_cast %scan3A_208 : i32 to index
        %swap3A_271 = arith.constant 64 : index
        %swap3A_272 = tpu.vector_load %arg18[%swap3A_270, %swap3A_271] {strides = array<i32>} : memref<128x96xf32, #tpu.memory_space<vmem>>, vector<16xf32>,
        tpu.vector_store %arg18[%swap3A_270, %swap3A_271], %mul3A_269 {strides = array<i32>} : memref<128x96xf32, #tpu.memory_space<vmem>>, vector<16xf32>,
        %swap3A_273 = arith.index_cast %scan3A_208 : i32 to index
        %swap3A_274 = arith.constant 80 : index
        %swap3A_275 = tpu.vector_load %arg18[%swap3A_273, %swap3A_274] {strides = array<i32>} : memref<128x96xf32, #tpu.memory_space<vmem>>, vector<16xf32>,
        tpu.vector_store %arg18[%swap3A_273, %swap3A_274], %select_n3A {strides = array<i32>} : memref<128x96xf32, #tpu.memory_space<vmem>>, vector<16xf32>,
      }
      %scan3A_166 = arith.constant 128 : i32
      %dma_start3A_167 = arith.constant 0 : i32
      %dma_start3A_168 = tpu.memref_slice %arg16[%mul3A_132, %dma_start3A_167] : memref<40x128xi32, #tpu.memory_space<vmem>> -> memref<1x128xi32, #tpu.memory_space<vmem>>
      %dma_start3A_169 = tpu.memref_squeeze %dma_start3A_168 : memref<1x128xi32, #tpu.memory_space<vmem>> -> memref<128xi32, #tpu.memory_space<vmem>>
      %dma_start3A_170 = arith.constant 0 : i32
      %dma_start3A_171 = arith.constant 0 : i32
      %dma_start3A_172 = tpu.memref_slice %arg22[%dma_start3A_170, %dma_start3A_171] : memref<10240x96xf32, #tpu.memory_space<vmem_shared>> -> memref<10240x96xf32, #tpu.memory_space<vmem_shared>>
      tpu.enqueue_indirect_dma source(%arg18 : memref<128x96xf32, #tpu.memory_space<vmem>>) target(%dma_start3A_172 : memref<10240x96xf32, #tpu.memory_space<vmem_shared>>) offsets(%dma_start3A_169 : memref<128xi32, #tpu.memory_space<vmem>>) semaphore(%arg25 : memref<!tpu.dma_semaphore, #tpu.memory_space<semaphore_mem>>) {add = true}
      %dma_wait3A_173 = arith.constant 0 : i32
      %dma_wait3A_174 = tpu.memref_slice %arg16[%add3A_134, %dma_wait3A_173] : memref<40x128xi32, #tpu.memory_space<vmem>> -> memref<1x128xi32, #tpu.memory_space<vmem>>
      %dma_wait3A_175 = tpu.memref_squeeze %dma_wait3A_174 : memref<1x128xi32, #tpu.memory_space<vmem>> -> memref<128xi32, #tpu.memory_space<vmem>>
      %dma_wait3A_176 = arith.constant 0 : i32
      %dma_wait3A_177 = arith.constant 0 : i32
      %dma_wait3A_178 = tpu.memref_slice %arg6[%dma_wait3A_176, %dma_wait3A_177] : memref<10240x16xf32, #tpu.memory_space<hbm>> -> memref<10240x16xf32, #tpu.memory_space<hbm>>
      tpu.wait_indirect_dma semaphore(%arg23 : memref<!tpu.dma_semaphore, #tpu.memory_space<semaphore_mem>>) src(%dma_wait3A_178 : memref<10240x16xf32, #tpu.memory_space<hbm>>) dst(%arg21 : memref<128x16xf32, #tpu.memory_space<vmem>>)
      %dma_wait3A_179 = arith.constant 0 : i32
      %dma_wait3A_180 = tpu.memref_slice %arg17[%add3A_134, %dma_wait3A_179] : memref<40x128xi32, #tpu.memory_space<vmem>> -> memref<1x128xi32, #tpu.memory_space<vmem>>
      %dma_wait3A_181 = tpu.memref_squeeze %dma_wait3A_180 : memref<1x128xi32, #tpu.memory_space<vmem>> -> memref<128xi32, #tpu.memory_space<vmem>>
      %dma_wait3A_182 = arith.constant 0 : i32
      %dma_wait3A_183 = arith.constant 0 : i32
      %dma_wait3A_184 = tpu.memref_slice %arg3[%dma_wait3A_182, %dma_wait3A_183] : memref<10240x96xf32, #tpu.memory_space<hbm>> -> memref<10240x96xf32, #tpu.memory_space<hbm>>
      tpu.wait_indirect_dma semaphore(%arg24 : memref<!tpu.dma_semaphore, #tpu.memory_space<semaphore_mem>>) src(%dma_wait3A_184 : memref<10240x96xf32, #tpu.memory_space<hbm>>) dst(%arg19 : memref<128x96xf32, #tpu.memory_space<vmem>>)
      %scan3A_185 = arith.constant 0 : i32
      %scan3A_186 = arith.constant 0 : i32
      %scan3A_187 = arith.constant 128 : i32
      %scan3A_188 = arith.addi %scan3A_186, %scan3A_187 : i32
      %scan3A_189 = arith.constant 1 : i32
      scf.for %scan3A_208 = %scan3A_186 to %scan3A_188 step %scan3A_189  : i32 {
        %get3A = arith.index_cast %scan3A_208 : i32 to index
        %get3A_209 = arith.constant 0 : index
        %get3A_210 = tpu.vector_load %arg21[%get3A, %get3A_209] {strides = array<i32>} : memref<128x16xf32, #tpu.memory_space<vmem>>, vector<16xf32>,
        %get3A_211 = arith.index_cast %scan3A_208 : i32 to index
        %get3A_212 = arith.constant 80 : index
        %get3A_213 = tpu.vector_load %arg19[%get3A_211, %get3A_212] {strides = array<i32>} : memref<128x96xf32, #tpu.memory_space<vmem>>, vector<16xf32>,
        %add3A_214 = arith.addf %get3A_210, %get3A_213 : vector<16xf32>
        %jit3A_215 = arith.constant -1.000000e+30 : f32
        %broadcast_in_dim3A_216 = vector.broadcast %jit3A_215 : f32 to vector<16xf32>
        %select_n3A_217 = arith.select %lt3A_2, %add3A_214, %broadcast_in_dim3A_216 : vector<16xi1>, vector<16xf32>
        %reduce_max3A = arith.constant true
        %reduce_max3A_218 = vector.broadcast %reduce_max3A : i1 to vector<16xi1>
        %reduce_max3A_219 = tpu.scan <max>, %select_n3A_217 masked %reduce_max3A_218 : vector<16xf32>, vector<16xi1> -> vector<16xf32>
        %reduce_max3A_220 = vector.extract %reduce_max3A_219[15] : f32 from vector<16xf32>
        %sub3A = vector.broadcast %reduce_max3A_220 : f32 to vector<16xf32>
        %sub3A_221 = arith.subf %select_n3A_217, %sub3A : vector<16xf32>
        %exp3A = math.exp %sub3A_221 : vector<16xf32>
        %reduce_sum3A = arith.constant true
        %reduce_sum3A_222 = vector.broadcast %reduce_sum3A : i1 to vector<16xi1>
        %reduce_sum3A_223 = tpu.scan <sum>, %exp3A masked %reduce_sum3A_222 : vector<16xf32>, vector<16xi1> -> vector<16xf32>
        %reduce_sum3A_224 = vector.extract %reduce_sum3A_223[15] : f32 from vector<16xf32>
        %div3A = vector.broadcast %reduce_sum3A_224 : f32 to vector<16xf32>
        %div3A_225 = arith.divf %exp3A, %div3A : vector<16xf32>
        %get3A_226 = arith.index_cast %scan3A_208 : i32 to index
        %get3A_227 = arith.constant 0 : index
        %get3A_228 = tpu.vector_load %arg19[%get3A_226, %get3A_227] {strides = array<i32>} : memref<128x96xf32, #tpu.memory_space<vmem>>, vector<16xf32>,
        %slice3A = vector.extract_strided_slice %div3A_225 {offsets = [0], sizes = [1], strides = [1]} : vector<16xf32> to vector<1xf32>
        %squeeze3A = vector.extract %slice3A[0] : f32 from vector<1xf32>
        %mul3A_229 = vector.broadcast %squeeze3A : f32 to vector<16xf32>
        %mul3A_230 = arith.mulf %get3A_228, %mul3A_229 : vector<16xf32>
        %swap3A = arith.index_cast %scan3A_208 : i32 to index
        %swap3A_231 = arith.constant 0 : index
        %swap3A_232 = tpu.vector_load %arg19[%swap3A, %swap3A_231] {strides = array<i32>} : memref<128x96xf32, #tpu.memory_space<vmem>>, vector<16xf32>,
        tpu.vector_store %arg19[%swap3A, %swap3A_231], %mul3A_230 {strides = array<i32>} : memref<128x96xf32, #tpu.memory_space<vmem>>, vector<16xf32>,
        %get3A_233 = arith.index_cast %scan3A_208 : i32 to index
        %get3A_234 = arith.constant 16 : index
        %get3A_235 = tpu.vector_load %arg19[%get3A_233, %get3A_234] {strides = array<i32>} : memref<128x96xf32, #tpu.memory_space<vmem>>, vector<16xf32>,
        %slice3A_236 = vector.extract_strided_slice %div3A_225 {offsets = [1], sizes = [1], strides = [1]} : vector<16xf32> to vector<1xf32>
        %squeeze3A_237 = vector.extract %slice3A_236[0] : f32 from vector<1xf32>
        %mul3A_238 = vector.broadcast %squeeze3A_237 : f32 to vector<16xf32>
        %mul3A_239 = arith.mulf %get3A_235, %mul3A_238 : vector<16xf32>
        %swap3A_240 = arith.index_cast %scan3A_208 : i32 to index
        %swap3A_241 = arith.constant 16 : index
        %swap3A_242 = tpu.vector_load %arg19[%swap3A_240, %swap3A_241] {strides = array<i32>} : memref<128x96xf32, #tpu.memory_space<vmem>>, vector<16xf32>,
        tpu.vector_store %arg19[%swap3A_240, %swap3A_241], %mul3A_239 {strides = array<i32>} : memref<128x96xf32, #tpu.memory_space<vmem>>, vector<16xf32>,
        %get3A_243 = arith.index_cast %scan3A_208 : i32 to index
        %get3A_244 = arith.constant 32 : index
        %get3A_245 = tpu.vector_load %arg19[%get3A_243, %get3A_244] {strides = array<i32>} : memref<128x96xf32, #tpu.memory_space<vmem>>, vector<16xf32>,
        %slice3A_246 = vector.extract_strided_slice %div3A_225 {offsets = [2], sizes = [1], strides = [1]} : vector<16xf32> to vector<1xf32>
        %squeeze3A_247 = vector.extract %slice3A_246[0] : f32 from vector<1xf32>
        %mul3A_248 = vector.broadcast %squeeze3A_247 : f32 to vector<16xf32>
        %mul3A_249 = arith.mulf %get3A_245, %mul3A_248 : vector<16xf32>
        %swap3A_250 = arith.index_cast %scan3A_208 : i32 to index
        %swap3A_251 = arith.constant 32 : index
        %swap3A_252 = tpu.vector_load %arg19[%swap3A_250, %swap3A_251] {strides = array<i32>} : memref<128x96xf32, #tpu.memory_space<vmem>>, vector<16xf32>,
        tpu.vector_store %arg19[%swap3A_250, %swap3A_251], %mul3A_249 {strides = array<i32>} : memref<128x96xf32, #tpu.memory_space<vmem>>, vector<16xf32>,
        %get3A_253 = arith.index_cast %scan3A_208 : i32 to index
        %get3A_254 = arith.constant 48 : index
        %get3A_255 = tpu.vector_load %arg19[%get3A_253, %get3A_254] {strides = array<i32>} : memref<128x96xf32, #tpu.memory_space<vmem>>, vector<16xf32>,
        %slice3A_256 = vector.extract_strided_slice %div3A_225 {offsets = [3], sizes = [1], strides = [1]} : vector<16xf32> to vector<1xf32>
        %squeeze3A_257 = vector.extract %slice3A_256[0] : f32 from vector<1xf32>
        %mul3A_258 = vector.broadcast %squeeze3A_257 : f32 to vector<16xf32>
        %mul3A_259 = arith.mulf %get3A_255, %mul3A_258 : vector<16xf32>
        %swap3A_260 = arith.index_cast %scan3A_208 : i32 to index
        %swap3A_261 = arith.constant 48 : index
        %swap3A_262 = tpu.vector_load %arg19[%swap3A_260, %swap3A_261] {strides = array<i32>} : memref<128x96xf32, #tpu.memory_space<vmem>>, vector<16xf32>,
        tpu.vector_store %arg19[%swap3A_260, %swap3A_261], %mul3A_259 {strides = array<i32>} : memref<128x96xf32, #tpu.memory_space<vmem>>, vector<16xf32>,
        %get3A_263 = arith.index_cast %scan3A_208 : i32 to index
        %get3A_264 = arith.constant 64 : index
        %get3A_265 = tpu.vector_load %arg19[%get3A_263, %get3A_264] {strides = array<i32>} : memref<128x96xf32, #tpu.memory_space<vmem>>, vector<16xf32>,
        %slice3A_266 = vector.extract_strided_slice %div3A_225 {offsets = [4], sizes = [1], strides = [1]} : vector<16xf32> to vector<1xf32>
        %squeeze3A_267 = vector.extract %slice3A_266[0] : f32 from vector<1xf32>
        %mul3A_268 = vector.broadcast %squeeze3A_267 : f32 to vector<16xf32>
        %mul3A_269 = arith.mulf %get3A_265, %mul3A_268 : vector<16xf32>
        %swap3A_270 = arith.index_cast %scan3A_208 : i32 to index
        %swap3A_271 = arith.constant 64 : index
        %swap3A_272 = tpu.vector_load %arg19[%swap3A_270, %swap3A_271] {strides = array<i32>} : memref<128x96xf32, #tpu.memory_space<vmem>>, vector<16xf32>,
        tpu.vector_store %arg19[%swap3A_270, %swap3A_271], %mul3A_269 {strides = array<i32>} : memref<128x96xf32, #tpu.memory_space<vmem>>, vector<16xf32>,
        %swap3A_273 = arith.index_cast %scan3A_208 : i32 to index
        %swap3A_274 = arith.constant 80 : index
        %swap3A_275 = tpu.vector_load %arg19[%swap3A_273, %swap3A_274] {strides = array<i32>} : memref<128x96xf32, #tpu.memory_space<vmem>>, vector<16xf32>,
        tpu.vector_store %arg19[%swap3A_273, %swap3A_274], %select_n3A {strides = array<i32>} : memref<128x96xf32, #tpu.memory_space<vmem>>, vector<16xf32>,
      }
      %scan3A_190 = arith.constant 128 : i32
      %dma_wait3A_191 = arith.constant 0 : i32
      %dma_wait3A_192 = tpu.memref_slice %arg16[%mul3A_132, %dma_wait3A_191] : memref<40x128xi32, #tpu.memory_space<vmem>> -> memref<1x128xi32, #tpu.memory_space<vmem>>
      %dma_wait3A_193 = tpu.memref_squeeze %dma_wait3A_192 : memref<1x128xi32, #tpu.memory_space<vmem>> -> memref<128xi32, #tpu.memory_space<vmem>>
      %dma_wait3A_194 = arith.constant 0 : i32
      %dma_wait3A_195 = arith.constant 0 : i32
      %dma_wait3A_196 = tpu.memref_slice %arg22[%dma_wait3A_194, %dma_wait3A_195] : memref<10240x96xf32, #tpu.memory_space<vmem_shared>> -> memref<10240x96xf32, #tpu.memory_space<vmem_shared>>
      tpu.wait_indirect_dma semaphore(%arg25 : memref<!tpu.dma_semaphore, #tpu.memory_space<semaphore_mem>>) src(%arg18 : memref<128x96xf32, #tpu.memory_space<vmem>>) dst(%dma_wait3A_196 : memref<10240x96xf32, #tpu.memory_space<vmem_shared>>)
      %lt3A_197 = arith.constant 19 : i32
      %lt3A_198 = arith.cmpi slt, %scan3A_130, %lt3A_197 : i32
      %convert_element_type3A_199 = arith.extui %lt3A_198 : i1 to i32
      %cond3A_200 = arith.constant 0 : i32
      %cond3A_201 = arith.cmpi ne, %convert_element_type3A_199, %cond3A_200 : i32
      scf.if %cond3A_201 {
        %add3A_208 = arith.constant 2 : i32
        %add3A_209 = arith.addi %mul3A_132, %add3A_208 : i32
        %dma_start3A_210 = arith.constant 0 : i32
        %dma_start3A_211 = tpu.memref_slice %arg16[%add3A_209, %dma_start3A_210] : memref<40x128xi32, #tpu.memory_space<vmem>> -> memref<1x128xi32, #tpu.memory_space<vmem>>
        %dma_start3A_212 = tpu.memref_squeeze %dma_start3A_211 : memref<1x128xi32, #tpu.memory_space<vmem>> -> memref<128xi32, #tpu.memory_space<vmem>>
        %dma_start3A_213 = arith.constant 0 : i32
        %dma_start3A_214 = arith.constant 0 : i32
        %dma_start3A_215 = tpu.memref_slice %arg6[%dma_start3A_213, %dma_start3A_214] : memref<10240x16xf32, #tpu.memory_space<hbm>> -> memref<10240x16xf32, #tpu.memory_space<hbm>>
        tpu.enqueue_indirect_dma source(%dma_start3A_215 : memref<10240x16xf32, #tpu.memory_space<hbm>>) target(%arg20 : memref<128x16xf32, #tpu.memory_space<vmem>>) offsets(%dma_start3A_212 : memref<128xi32, #tpu.memory_space<vmem>>) semaphore(%arg23 : memref<!tpu.dma_semaphore, #tpu.memory_space<semaphore_mem>>)
        %dma_start3A_216 = arith.constant 0 : i32
        %dma_start3A_217 = tpu.memref_slice %arg17[%add3A_209, %dma_start3A_216] : memref<40x128xi32, #tpu.memory_space<vmem>> -> memref<1x128xi32, #tpu.memory_space<vmem>>
        %dma_start3A_218 = tpu.memref_squeeze %dma_start3A_217 : memref<1x128xi32, #tpu.memory_space<vmem>> -> memref<128xi32, #tpu.memory_space<vmem>>
        %dma_start3A_219 = arith.constant 0 : i32
        %dma_start3A_220 = arith.constant 0 : i32
        %dma_start3A_221 = tpu.memref_slice %arg3[%dma_start3A_219, %dma_start3A_220] : memref<10240x96xf32, #tpu.memory_space<hbm>> -> memref<10240x96xf32, #tpu.memory_space<hbm>>
        tpu.enqueue_indirect_dma source(%dma_start3A_221 : memref<10240x96xf32, #tpu.memory_space<hbm>>) target(%arg18 : memref<128x96xf32, #tpu.memory_space<vmem>>) offsets(%dma_start3A_218 : memref<128xi32, #tpu.memory_space<vmem>>) semaphore(%arg24 : memref<!tpu.dma_semaphore, #tpu.memory_space<semaphore_mem>>)
      } else {
      }
      %dma_start3A_202 = arith.constant 0 : i32
      %dma_start3A_203 = tpu.memref_slice %arg16[%add3A_134, %dma_start3A_202] : memref<40x128xi32, #tpu.memory_space<vmem>> -> memref<1x128xi32, #tpu.memory_space<vmem>>
      %dma_start3A_204 = tpu.memref_squeeze %dma_start3A_203 : memref<1x128xi32, #tpu.memory_space<vmem>> -> memref<128xi32, #tpu.memory_space<vmem>>
      %dma_start3A_205 = arith.constant 0 : i32
      %dma_start3A_206 = arith.constant 0 : i32
      %dma_start3A_207 = tpu.memref_slice %arg22[%dma_start3A_205, %dma_start3A_206] : memref<10240x96xf32, #tpu.memory_space<vmem_shared>> -> memref<10240x96xf32, #tpu.memory_space<vmem_shared>>
      tpu.enqueue_indirect_dma source(%arg19 : memref<128x96xf32, #tpu.memory_space<vmem>>) target(%dma_start3A_207 : memref<10240x96xf32, #tpu.memory_space<vmem_shared>>) offsets(%dma_start3A_204 : memref<128xi32, #tpu.memory_space<vmem>>) semaphore(%arg25 : memref<!tpu.dma_semaphore, #tpu.memory_space<semaphore_mem>>) {add = true}
    }
    %scan3A_73 = arith.constant 20 : i32
    %dma_wait3A_74 = arith.constant 39 : i32
    %dma_wait3A_75 = arith.constant 0 : i32
    %dma_wait3A_76 = tpu.memref_slice %arg16[%dma_wait3A_74, %dma_wait3A_75] : memref<40x128xi32, #tpu.memory_space<vmem>> -> memref<1x128xi32, #tpu.memory_space<vmem>>
    %dma_wait3A_77 = tpu.memref_squeeze %dma_wait3A_76 : memref<1x128xi32, #tpu.memory_space<vmem>> -> memref<128xi32, #tpu.memory_space<vmem>>
    %dma_wait3A_78 = arith.constant 0 : i32
    %dma_wait3A_79 = arith.constant 0 : i32
    %dma_wait3A_80 = tpu.memref_slice %arg22[%dma_wait3A_78, %dma_wait3A_79] : memref<10240x96xf32, #tpu.memory_space<vmem_shared>> -> memref<10240x96xf32, #tpu.memory_space<vmem_shared>>
    tpu.wait_indirect_dma semaphore(%arg25 : memref<!tpu.dma_semaphore, #tpu.memory_space<semaphore_mem>>) src(%arg19 : memref<128x96xf32, #tpu.memory_space<vmem>>) dst(%dma_wait3A_80 : memref<10240x96xf32, #tpu.memory_space<vmem_shared>>)
    %barrier3A_81 = arith.constant 0 : index
    tpu.barrier barrier_id(%barrier3A_81)
    %mul3A_82 = arith.constant 640 : i32
    %mul3A_83 = arith.muli %arg1, %mul3A_82 : i32
    %mul3A_84 = arith.constant 640 : i32
    %mul3A_85 = arith.muli %arg1, %mul3A_84 : i32
    %run_scoped3A_86 = arith.constant 1 : i32
    "tpu.region"() ({
      %run_scoped3A_130 = tpu.sem_alloc : memref<!tpu.dma_semaphore, #tpu.memory_space<semaphore_mem>>
      %dma_start3A_131 = arith.constant 0 : i32
      %dma_start3A_132 = tpu.memref_slice %arg15[%run_scoped3A_86, %arg0, %mul3A_85, %dma_start3A_131] : memref<3x2x10240x96xf32, #tpu.memory_space<hbm>> -> memref<1x1x640x96xf32, #tpu.memory_space<hbm>>
      %dma_start3A_133 = tpu.memref_squeeze %dma_start3A_132 : memref<1x1x640x96xf32, #tpu.memory_space<hbm>> -> memref<640x96xf32, #tpu.memory_space<hbm>>
      %dma_start3A_134 = arith.constant 0 : i32
      %dma_start3A_135 = tpu.memref_slice %arg22[%mul3A_83, %dma_start3A_134] : memref<10240x96xf32, #tpu.memory_space<vmem_shared>> -> memref<640x96xf32, #tpu.memory_space<vmem_shared>>
      tpu.enqueue_dma source(%dma_start3A_135 : memref<640x96xf32, #tpu.memory_space<vmem_shared>>) target(%dma_start3A_133 : memref<640x96xf32, #tpu.memory_space<hbm>>) target_semaphore(%run_scoped3A_130 : memref<!tpu.dma_semaphore, #tpu.memory_space<semaphore_mem>>)
      %dma_wait3A_136 = arith.constant 0 : i32
      %dma_wait3A_137 = tpu.memref_slice %arg15[%run_scoped3A_86, %arg0, %mul3A_85, %dma_wait3A_136] : memref<3x2x10240x96xf32, #tpu.memory_space<hbm>> -> memref<1x1x640x96xf32, #tpu.memory_space<hbm>>
      %dma_wait3A_138 = tpu.memref_squeeze %dma_wait3A_137 : memref<1x1x640x96xf32, #tpu.memory_space<hbm>> -> memref<640x96xf32, #tpu.memory_space<hbm>>
      %dma_wait3A_139 = arith.constant 0 : i32
      %dma_wait3A_140 = tpu.memref_slice %arg22[%mul3A_83, %dma_wait3A_139] : memref<10240x96xf32, #tpu.memory_space<vmem_shared>> -> memref<640x96xf32, #tpu.memory_space<vmem_shared>>
      tpu.wait_dma2 semaphore(%run_scoped3A_130 : memref<!tpu.dma_semaphore, #tpu.memory_space<semaphore_mem>>) src(%dma_wait3A_140 : memref<640x96xf32, #tpu.memory_space<vmem_shared>>) dst(%dma_wait3A_138 : memref<640x96xf32, #tpu.memory_space<hbm>>)
      tpu.yield
    }) : () -> ()
    %mul3A_87 = arith.constant 640 : i32
    %mul3A_88 = arith.muli %arg1, %mul3A_87 : i32
    %mul3A_89 = arith.constant 640 : i32
    %mul3A_90 = arith.muli %arg1, %mul3A_89 : i32
    "tpu.region"() ({
      %run_scoped3A_130 = tpu.sem_alloc : memref<!tpu.dma_semaphore, #tpu.memory_space<semaphore_mem>>
      %dma_start3A_131 = arith.constant 0 : i32
      %dma_start3A_132 = tpu.memref_slice %arg22[%mul3A_90, %dma_start3A_131] : memref<10240x96xf32, #tpu.memory_space<vmem_shared>> -> memref<640x96xf32, #tpu.memory_space<vmem_shared>>
      %dma_start3A_133 = arith.constant 0 : i32
      %dma_start3A_134 = tpu.memref_slice %arg14[%mul3A_88, %dma_start3A_133] : memref<10240x96xf32, #tpu.memory_space<hbm>> -> memref<640x96xf32, #tpu.memory_space<hbm>>
      tpu.enqueue_dma source(%dma_start3A_134 : memref<640x96xf32, #tpu.memory_space<hbm>>) target(%dma_start3A_132 : memref<640x96xf32, #tpu.memory_space<vmem_shared>>) target_semaphore(%run_scoped3A_130 : memref<!tpu.dma_semaphore, #tpu.memory_space<semaphore_mem>>)
      %dma_wait3A_135 = arith.constant 0 : i32
      %dma_wait3A_136 = tpu.memref_slice %arg22[%mul3A_90, %dma_wait3A_135] : memref<10240x96xf32, #tpu.memory_space<vmem_shared>> -> memref<640x96xf32, #tpu.memory_space<vmem_shared>>
      %dma_wait3A_137 = arith.constant 0 : i32
      %dma_wait3A_138 = tpu.memref_slice %arg14[%mul3A_88, %dma_wait3A_137] : memref<10240x96xf32, #tpu.memory_space<hbm>> -> memref<640x96xf32, #tpu.memory_space<hbm>>
      tpu.wait_dma2 semaphore(%run_scoped3A_130 : memref<!tpu.dma_semaphore, #tpu.memory_space<semaphore_mem>>) src(%dma_wait3A_138 : memref<640x96xf32, #tpu.memory_space<hbm>>) dst(%dma_wait3A_136 : memref<640x96xf32, #tpu.memory_space<vmem_shared>>)
      tpu.yield
    }) : () -> ()
    %barrier3A_91 = arith.constant 0 : index
    tpu.barrier barrier_id(%barrier3A_91)
    %mul3A_92 = arith.constant 40 : i32
    %mul3A_93 = arith.muli %add3A, %mul3A_92 : i32
    "tpu.region"() ({
      %run_scoped3A_130 = tpu.sem_alloc : memref<!tpu.dma_semaphore, #tpu.memory_space<semaphore_mem>>
      %dma_start3A_131 = arith.constant 0 : i32
      %dma_start3A_132 = tpu.memref_slice %arg12[%mul3A_93, %dma_start3A_131] : memref<1280x128xi32, #tpu.memory_space<hbm>> -> memref<40x128xi32, #tpu.memory_space<hbm>>
      %dma_start3A_133 = arith.constant 0 : i32
      %dma_start3A_134 = tpu.memref_slice %arg12[%mul3A_93, %dma_start3A_133] : memref<1280x128xi32, #tpu.memory_space<hbm>> -> memref<40x128xi32, #tpu.memory_space<hbm>>
      tpu.enqueue_dma source(%dma_start3A_134 : memref<40x128xi32, #tpu.memory_space<hbm>>) target(%arg16 : memref<40x128xi32, #tpu.memory_space<vmem>>) target_semaphore(%run_scoped3A_130 : memref<!tpu.dma_semaphore, #tpu.memory_space<semaphore_mem>>)
      %dma_wait3A_135 = arith.constant 0 : i32
      %dma_wait3A_136 = tpu.memref_slice %arg12[%mul3A_93, %dma_wait3A_135] : memref<1280x128xi32, #tpu.memory_space<hbm>> -> memref<40x128xi32, #tpu.memory_space<hbm>>
      %dma_wait3A_137 = arith.constant 0 : i32
      %dma_wait3A_138 = tpu.memref_slice %arg12[%mul3A_93, %dma_wait3A_137] : memref<1280x128xi32, #tpu.memory_space<hbm>> -> memref<40x128xi32, #tpu.memory_space<hbm>>
      tpu.wait_dma2 semaphore(%run_scoped3A_130 : memref<!tpu.dma_semaphore, #tpu.memory_space<semaphore_mem>>) src(%dma_wait3A_138 : memref<40x128xi32, #tpu.memory_space<hbm>>) dst(%arg16 : memref<40x128xi32, #tpu.memory_space<vmem>>)
      tpu.yield
    }) : () -> ()
    %mul3A_94 = arith.constant 40 : i32
    %mul3A_95 = arith.muli %add3A, %mul3A_94 : i32
    "tpu.region"() ({
      %run_scoped3A_130 = tpu.sem_alloc : memref<!tpu.dma_semaphore, #tpu.memory_space<semaphore_mem>>
      %dma_start3A_131 = arith.constant 0 : i32
      %dma_start3A_132 = tpu.memref_slice %arg13[%mul3A_95, %dma_start3A_131] : memref<1280x128xi32, #tpu.memory_space<hbm>> -> memref<40x128xi32, #tpu.memory_space<hbm>>
      %dma_start3A_133 = arith.constant 0 : i32
      %dma_start3A_134 = tpu.memref_slice %arg13[%mul3A_95, %dma_start3A_133] : memref<1280x128xi32, #tpu.memory_space<hbm>> -> memref<40x128xi32, #tpu.memory_space<hbm>>
      tpu.enqueue_dma source(%dma_start3A_134 : memref<40x128xi32, #tpu.memory_space<hbm>>) target(%arg17 : memref<40x128xi32, #tpu.memory_space<vmem>>) target_semaphore(%run_scoped3A_130 : memref<!tpu.dma_semaphore, #tpu.memory_space<semaphore_mem>>)
      %dma_wait3A_135 = arith.constant 0 : i32
      %dma_wait3A_136 = tpu.memref_slice %arg13[%mul3A_95, %dma_wait3A_135] : memref<1280x128xi32, #tpu.memory_space<hbm>> -> memref<40x128xi32, #tpu.memory_space<hbm>>
      %dma_wait3A_137 = arith.constant 0 : i32
      %dma_wait3A_138 = tpu.memref_slice %arg13[%mul3A_95, %dma_wait3A_137] : memref<1280x128xi32, #tpu.memory_space<hbm>> -> memref<40x128xi32, #tpu.memory_space<hbm>>
      tpu.wait_dma2 semaphore(%run_scoped3A_130 : memref<!tpu.dma_semaphore, #tpu.memory_space<semaphore_mem>>) src(%dma_wait3A_138 : memref<40x128xi32, #tpu.memory_space<hbm>>) dst(%arg17 : memref<40x128xi32, #tpu.memory_space<vmem>>)
      tpu.yield
    }) : () -> ()
    %dma_start3A_96 = arith.constant 0 : i32
    %dma_start3A_97 = arith.constant 0 : i32
    %dma_start3A_98 = tpu.memref_slice %arg16[%dma_start3A_96, %dma_start3A_97] : memref<40x128xi32, #tpu.memory_space<vmem>> -> memref<1x128xi32, #tpu.memory_space<vmem>>
    %dma_start3A_99 = tpu.memref_squeeze %dma_start3A_98 : memref<1x128xi32, #tpu.memory_space<vmem>> -> memref<128xi32, #tpu.memory_space<vmem>>
    %dma_start3A_100 = arith.constant 0 : i32
    %dma_start3A_101 = arith.constant 0 : i32
    %dma_start3A_102 = tpu.memref_slice %arg7[%dma_start3A_100, %dma_start3A_101] : memref<10240x16xf32, #tpu.memory_space<hbm>> -> memref<10240x16xf32, #tpu.memory_space<hbm>>
    tpu.enqueue_indirect_dma source(%dma_start3A_102 : memref<10240x16xf32, #tpu.memory_space<hbm>>) target(%arg20 : memref<128x16xf32, #tpu.memory_space<vmem>>) offsets(%dma_start3A_99 : memref<128xi32, #tpu.memory_space<vmem>>) semaphore(%arg23 : memref<!tpu.dma_semaphore, #tpu.memory_space<semaphore_mem>>)
    %dma_start3A_103 = arith.constant 0 : i32
    %dma_start3A_104 = arith.constant 0 : i32
    %dma_start3A_105 = tpu.memref_slice %arg17[%dma_start3A_103, %dma_start3A_104] : memref<40x128xi32, #tpu.memory_space<vmem>> -> memref<1x128xi32, #tpu.memory_space<vmem>>
    %dma_start3A_106 = tpu.memref_squeeze %dma_start3A_105 : memref<1x128xi32, #tpu.memory_space<vmem>> -> memref<128xi32, #tpu.memory_space<vmem>>
    %dma_start3A_107 = arith.constant 0 : i32
    %dma_start3A_108 = arith.constant 0 : i32
    %dma_start3A_109 = tpu.memref_slice %arg4[%dma_start3A_107, %dma_start3A_108] : memref<10240x96xf32, #tpu.memory_space<hbm>> -> memref<10240x96xf32, #tpu.memory_space<hbm>>
    tpu.enqueue_indirect_dma source(%dma_start3A_109 : memref<10240x96xf32, #tpu.memory_space<hbm>>) target(%arg18 : memref<128x96xf32, #tpu.memory_space<vmem>>) offsets(%dma_start3A_106 : memref<128xi32, #tpu.memory_space<vmem>>) semaphore(%arg24 : memref<!tpu.dma_semaphore, #tpu.memory_space<semaphore_mem>>)
    %scan3A_110 = arith.constant 0 : i32
    %scan3A_111 = arith.constant 0 : i32
    %scan3A_112 = arith.constant 20 : i32
    %scan3A_113 = arith.addi %scan3A_111, %scan3A_112 : i32
    %scan3A_114 = arith.constant 1 : i32
    scf.for %scan3A_130 = %scan3A_111 to %scan3A_113 step %scan3A_114  : i32 {
      %mul3A_131 = arith.constant 2 : i32
      %mul3A_132 = arith.muli %mul3A_131, %scan3A_130 : i32
      %add3A_133 = arith.constant 1 : i32
      %add3A_134 = arith.addi %mul3A_132, %add3A_133 : i32
      %dma_wait3A_135 = arith.constant 0 : i32
      %dma_wait3A_136 = tpu.memref_slice %arg16[%mul3A_132, %dma_wait3A_135] : memref<40x128xi32, #tpu.memory_space<vmem>> -> memref<1x128xi32, #tpu.memory_space<vmem>>
      %dma_wait3A_137 = tpu.memref_squeeze %dma_wait3A_136 : memref<1x128xi32, #tpu.memory_space<vmem>> -> memref<128xi32, #tpu.memory_space<vmem>>
      %dma_wait3A_138 = arith.constant 0 : i32
      %dma_wait3A_139 = arith.constant 0 : i32
      %dma_wait3A_140 = tpu.memref_slice %arg7[%dma_wait3A_138, %dma_wait3A_139] : memref<10240x16xf32, #tpu.memory_space<hbm>> -> memref<10240x16xf32, #tpu.memory_space<hbm>>
      tpu.wait_indirect_dma semaphore(%arg23 : memref<!tpu.dma_semaphore, #tpu.memory_space<semaphore_mem>>) src(%dma_wait3A_140 : memref<10240x16xf32, #tpu.memory_space<hbm>>) dst(%arg20 : memref<128x16xf32, #tpu.memory_space<vmem>>)
      %dma_wait3A_141 = arith.constant 0 : i32
      %dma_wait3A_142 = tpu.memref_slice %arg17[%mul3A_132, %dma_wait3A_141] : memref<40x128xi32, #tpu.memory_space<vmem>> -> memref<1x128xi32, #tpu.memory_space<vmem>>
      %dma_wait3A_143 = tpu.memref_squeeze %dma_wait3A_142 : memref<1x128xi32, #tpu.memory_space<vmem>> -> memref<128xi32, #tpu.memory_space<vmem>>
      %dma_wait3A_144 = arith.constant 0 : i32
      %dma_wait3A_145 = arith.constant 0 : i32
      %dma_wait3A_146 = tpu.memref_slice %arg4[%dma_wait3A_144, %dma_wait3A_145] : memref<10240x96xf32, #tpu.memory_space<hbm>> -> memref<10240x96xf32, #tpu.memory_space<hbm>>
      tpu.wait_indirect_dma semaphore(%arg24 : memref<!tpu.dma_semaphore, #tpu.memory_space<semaphore_mem>>) src(%dma_wait3A_146 : memref<10240x96xf32, #tpu.memory_space<hbm>>) dst(%arg18 : memref<128x96xf32, #tpu.memory_space<vmem>>)
      %gt3A = arith.constant 0 : i32
      %gt3A_147 = arith.cmpi sgt, %scan3A_130, %gt3A : i32
      %convert_element_type3A = arith.extui %gt3A_147 : i1 to i32
      %cond3A = arith.constant 0 : i32
      %cond3A_148 = arith.cmpi ne, %convert_element_type3A, %cond3A : i32
      scf.if %cond3A_148 {
        %sub3A = arith.constant 2 : i32
        %sub3A_208 = arith.subi %add3A_134, %sub3A : i32
        %dma_wait3A_209 = arith.constant 0 : i32
        %dma_wait3A_210 = tpu.memref_slice %arg16[%sub3A_208, %dma_wait3A_209] : memref<40x128xi32, #tpu.memory_space<vmem>> -> memref<1x128xi32, #tpu.memory_space<vmem>>
        %dma_wait3A_211 = tpu.memref_squeeze %dma_wait3A_210 : memref<1x128xi32, #tpu.memory_space<vmem>> -> memref<128xi32, #tpu.memory_space<vmem>>
        %dma_wait3A_212 = arith.constant 0 : i32
        %dma_wait3A_213 = arith.constant 0 : i32
        %dma_wait3A_214 = tpu.memref_slice %arg22[%dma_wait3A_212, %dma_wait3A_213] : memref<10240x96xf32, #tpu.memory_space<vmem_shared>> -> memref<10240x96xf32, #tpu.memory_space<vmem_shared>>
        tpu.wait_indirect_dma semaphore(%arg25 : memref<!tpu.dma_semaphore, #tpu.memory_space<semaphore_mem>>) src(%arg19 : memref<128x96xf32, #tpu.memory_space<vmem>>) dst(%dma_wait3A_214 : memref<10240x96xf32, #tpu.memory_space<vmem_shared>>)
      } else {
      }
      %dma_start3A_149 = arith.constant 0 : i32
      %dma_start3A_150 = tpu.memref_slice %arg16[%add3A_134, %dma_start3A_149] : memref<40x128xi32, #tpu.memory_space<vmem>> -> memref<1x128xi32, #tpu.memory_space<vmem>>
      %dma_start3A_151 = tpu.memref_squeeze %dma_start3A_150 : memref<1x128xi32, #tpu.memory_space<vmem>> -> memref<128xi32, #tpu.memory_space<vmem>>
      %dma_start3A_152 = arith.constant 0 : i32
      %dma_start3A_153 = arith.constant 0 : i32
      %dma_start3A_154 = tpu.memref_slice %arg7[%dma_start3A_152, %dma_start3A_153] : memref<10240x16xf32, #tpu.memory_space<hbm>> -> memref<10240x16xf32, #tpu.memory_space<hbm>>
      tpu.enqueue_indirect_dma source(%dma_start3A_154 : memref<10240x16xf32, #tpu.memory_space<hbm>>) target(%arg21 : memref<128x16xf32, #tpu.memory_space<vmem>>) offsets(%dma_start3A_151 : memref<128xi32, #tpu.memory_space<vmem>>) semaphore(%arg23 : memref<!tpu.dma_semaphore, #tpu.memory_space<semaphore_mem>>)
      %dma_start3A_155 = arith.constant 0 : i32
      %dma_start3A_156 = tpu.memref_slice %arg17[%add3A_134, %dma_start3A_155] : memref<40x128xi32, #tpu.memory_space<vmem>> -> memref<1x128xi32, #tpu.memory_space<vmem>>
      %dma_start3A_157 = tpu.memref_squeeze %dma_start3A_156 : memref<1x128xi32, #tpu.memory_space<vmem>> -> memref<128xi32, #tpu.memory_space<vmem>>
      %dma_start3A_158 = arith.constant 0 : i32
      %dma_start3A_159 = arith.constant 0 : i32
      %dma_start3A_160 = tpu.memref_slice %arg4[%dma_start3A_158, %dma_start3A_159] : memref<10240x96xf32, #tpu.memory_space<hbm>> -> memref<10240x96xf32, #tpu.memory_space<hbm>>
      tpu.enqueue_indirect_dma source(%dma_start3A_160 : memref<10240x96xf32, #tpu.memory_space<hbm>>) target(%arg19 : memref<128x96xf32, #tpu.memory_space<vmem>>) offsets(%dma_start3A_157 : memref<128xi32, #tpu.memory_space<vmem>>) semaphore(%arg24 : memref<!tpu.dma_semaphore, #tpu.memory_space<semaphore_mem>>)
      %scan3A_161 = arith.constant 0 : i32
      %scan3A_162 = arith.constant 0 : i32
      %scan3A_163 = arith.constant 128 : i32
      %scan3A_164 = arith.addi %scan3A_162, %scan3A_163 : i32
      %scan3A_165 = arith.constant 1 : i32
      scf.for %scan3A_208 = %scan3A_162 to %scan3A_164 step %scan3A_165  : i32 {
        %get3A = arith.index_cast %scan3A_208 : i32 to index
        %get3A_209 = arith.constant 0 : index
        %get3A_210 = tpu.vector_load %arg20[%get3A, %get3A_209] {strides = array<i32>} : memref<128x16xf32, #tpu.memory_space<vmem>>, vector<16xf32>,
        %get3A_211 = arith.index_cast %scan3A_208 : i32 to index
        %get3A_212 = arith.constant 80 : index
        %get3A_213 = tpu.vector_load %arg18[%get3A_211, %get3A_212] {strides = array<i32>} : memref<128x96xf32, #tpu.memory_space<vmem>>, vector<16xf32>,
        %add3A_214 = arith.addf %get3A_210, %get3A_213 : vector<16xf32>
        %jit3A_215 = arith.constant -1.000000e+30 : f32
        %broadcast_in_dim3A_216 = vector.broadcast %jit3A_215 : f32 to vector<16xf32>
        %select_n3A_217 = arith.select %lt3A_2, %add3A_214, %broadcast_in_dim3A_216 : vector<16xi1>, vector<16xf32>
        %reduce_max3A = arith.constant true
        %reduce_max3A_218 = vector.broadcast %reduce_max3A : i1 to vector<16xi1>
        %reduce_max3A_219 = tpu.scan <max>, %select_n3A_217 masked %reduce_max3A_218 : vector<16xf32>, vector<16xi1> -> vector<16xf32>
        %reduce_max3A_220 = vector.extract %reduce_max3A_219[15] : f32 from vector<16xf32>
        %sub3A = vector.broadcast %reduce_max3A_220 : f32 to vector<16xf32>
        %sub3A_221 = arith.subf %select_n3A_217, %sub3A : vector<16xf32>
        %exp3A = math.exp %sub3A_221 : vector<16xf32>
        %reduce_sum3A = arith.constant true
        %reduce_sum3A_222 = vector.broadcast %reduce_sum3A : i1 to vector<16xi1>
        %reduce_sum3A_223 = tpu.scan <sum>, %exp3A masked %reduce_sum3A_222 : vector<16xf32>, vector<16xi1> -> vector<16xf32>
        %reduce_sum3A_224 = vector.extract %reduce_sum3A_223[15] : f32 from vector<16xf32>
        %div3A = vector.broadcast %reduce_sum3A_224 : f32 to vector<16xf32>
        %div3A_225 = arith.divf %exp3A, %div3A : vector<16xf32>
        %get3A_226 = arith.index_cast %scan3A_208 : i32 to index
        %get3A_227 = arith.constant 0 : index
        %get3A_228 = tpu.vector_load %arg18[%get3A_226, %get3A_227] {strides = array<i32>} : memref<128x96xf32, #tpu.memory_space<vmem>>, vector<16xf32>,
        %slice3A = vector.extract_strided_slice %div3A_225 {offsets = [0], sizes = [1], strides = [1]} : vector<16xf32> to vector<1xf32>
        %squeeze3A = vector.extract %slice3A[0] : f32 from vector<1xf32>
        %mul3A_229 = vector.broadcast %squeeze3A : f32 to vector<16xf32>
        %mul3A_230 = arith.mulf %get3A_228, %mul3A_229 : vector<16xf32>
        %swap3A = arith.index_cast %scan3A_208 : i32 to index
        %swap3A_231 = arith.constant 0 : index
        %swap3A_232 = tpu.vector_load %arg18[%swap3A, %swap3A_231] {strides = array<i32>} : memref<128x96xf32, #tpu.memory_space<vmem>>, vector<16xf32>,
        tpu.vector_store %arg18[%swap3A, %swap3A_231], %mul3A_230 {strides = array<i32>} : memref<128x96xf32, #tpu.memory_space<vmem>>, vector<16xf32>,
        %get3A_233 = arith.index_cast %scan3A_208 : i32 to index
        %get3A_234 = arith.constant 16 : index
        %get3A_235 = tpu.vector_load %arg18[%get3A_233, %get3A_234] {strides = array<i32>} : memref<128x96xf32, #tpu.memory_space<vmem>>, vector<16xf32>,
        %slice3A_236 = vector.extract_strided_slice %div3A_225 {offsets = [1], sizes = [1], strides = [1]} : vector<16xf32> to vector<1xf32>
        %squeeze3A_237 = vector.extract %slice3A_236[0] : f32 from vector<1xf32>
        %mul3A_238 = vector.broadcast %squeeze3A_237 : f32 to vector<16xf32>
        %mul3A_239 = arith.mulf %get3A_235, %mul3A_238 : vector<16xf32>
        %swap3A_240 = arith.index_cast %scan3A_208 : i32 to index
        %swap3A_241 = arith.constant 16 : index
        %swap3A_242 = tpu.vector_load %arg18[%swap3A_240, %swap3A_241] {strides = array<i32>} : memref<128x96xf32, #tpu.memory_space<vmem>>, vector<16xf32>,
        tpu.vector_store %arg18[%swap3A_240, %swap3A_241], %mul3A_239 {strides = array<i32>} : memref<128x96xf32, #tpu.memory_space<vmem>>, vector<16xf32>,
        %get3A_243 = arith.index_cast %scan3A_208 : i32 to index
        %get3A_244 = arith.constant 32 : index
        %get3A_245 = tpu.vector_load %arg18[%get3A_243, %get3A_244] {strides = array<i32>} : memref<128x96xf32, #tpu.memory_space<vmem>>, vector<16xf32>,
        %slice3A_246 = vector.extract_strided_slice %div3A_225 {offsets = [2], sizes = [1], strides = [1]} : vector<16xf32> to vector<1xf32>
        %squeeze3A_247 = vector.extract %slice3A_246[0] : f32 from vector<1xf32>
        %mul3A_248 = vector.broadcast %squeeze3A_247 : f32 to vector<16xf32>
        %mul3A_249 = arith.mulf %get3A_245, %mul3A_248 : vector<16xf32>
        %swap3A_250 = arith.index_cast %scan3A_208 : i32 to index
        %swap3A_251 = arith.constant 32 : index
        %swap3A_252 = tpu.vector_load %arg18[%swap3A_250, %swap3A_251] {strides = array<i32>} : memref<128x96xf32, #tpu.memory_space<vmem>>, vector<16xf32>,
        tpu.vector_store %arg18[%swap3A_250, %swap3A_251], %mul3A_249 {strides = array<i32>} : memref<128x96xf32, #tpu.memory_space<vmem>>, vector<16xf32>,
        %get3A_253 = arith.index_cast %scan3A_208 : i32 to index
        %get3A_254 = arith.constant 48 : index
        %get3A_255 = tpu.vector_load %arg18[%get3A_253, %get3A_254] {strides = array<i32>} : memref<128x96xf32, #tpu.memory_space<vmem>>, vector<16xf32>,
        %slice3A_256 = vector.extract_strided_slice %div3A_225 {offsets = [3], sizes = [1], strides = [1]} : vector<16xf32> to vector<1xf32>
        %squeeze3A_257 = vector.extract %slice3A_256[0] : f32 from vector<1xf32>
        %mul3A_258 = vector.broadcast %squeeze3A_257 : f32 to vector<16xf32>
        %mul3A_259 = arith.mulf %get3A_255, %mul3A_258 : vector<16xf32>
        %swap3A_260 = arith.index_cast %scan3A_208 : i32 to index
        %swap3A_261 = arith.constant 48 : index
        %swap3A_262 = tpu.vector_load %arg18[%swap3A_260, %swap3A_261] {strides = array<i32>} : memref<128x96xf32, #tpu.memory_space<vmem>>, vector<16xf32>,
        tpu.vector_store %arg18[%swap3A_260, %swap3A_261], %mul3A_259 {strides = array<i32>} : memref<128x96xf32, #tpu.memory_space<vmem>>, vector<16xf32>,
        %get3A_263 = arith.index_cast %scan3A_208 : i32 to index
        %get3A_264 = arith.constant 64 : index
        %get3A_265 = tpu.vector_load %arg18[%get3A_263, %get3A_264] {strides = array<i32>} : memref<128x96xf32, #tpu.memory_space<vmem>>, vector<16xf32>,
        %slice3A_266 = vector.extract_strided_slice %div3A_225 {offsets = [4], sizes = [1], strides = [1]} : vector<16xf32> to vector<1xf32>
        %squeeze3A_267 = vector.extract %slice3A_266[0] : f32 from vector<1xf32>
        %mul3A_268 = vector.broadcast %squeeze3A_267 : f32 to vector<16xf32>
        %mul3A_269 = arith.mulf %get3A_265, %mul3A_268 : vector<16xf32>
        %swap3A_270 = arith.index_cast %scan3A_208 : i32 to index
        %swap3A_271 = arith.constant 64 : index
        %swap3A_272 = tpu.vector_load %arg18[%swap3A_270, %swap3A_271] {strides = array<i32>} : memref<128x96xf32, #tpu.memory_space<vmem>>, vector<16xf32>,
        tpu.vector_store %arg18[%swap3A_270, %swap3A_271], %mul3A_269 {strides = array<i32>} : memref<128x96xf32, #tpu.memory_space<vmem>>, vector<16xf32>,
        %swap3A_273 = arith.index_cast %scan3A_208 : i32 to index
        %swap3A_274 = arith.constant 80 : index
        %swap3A_275 = tpu.vector_load %arg18[%swap3A_273, %swap3A_274] {strides = array<i32>} : memref<128x96xf32, #tpu.memory_space<vmem>>, vector<16xf32>,
        tpu.vector_store %arg18[%swap3A_273, %swap3A_274], %select_n3A {strides = array<i32>} : memref<128x96xf32, #tpu.memory_space<vmem>>, vector<16xf32>,
      }
      %scan3A_166 = arith.constant 128 : i32
      %dma_start3A_167 = arith.constant 0 : i32
      %dma_start3A_168 = tpu.memref_slice %arg16[%mul3A_132, %dma_start3A_167] : memref<40x128xi32, #tpu.memory_space<vmem>> -> memref<1x128xi32, #tpu.memory_space<vmem>>
      %dma_start3A_169 = tpu.memref_squeeze %dma_start3A_168 : memref<1x128xi32, #tpu.memory_space<vmem>> -> memref<128xi32, #tpu.memory_space<vmem>>
      %dma_start3A_170 = arith.constant 0 : i32
      %dma_start3A_171 = arith.constant 0 : i32
      %dma_start3A_172 = tpu.memref_slice %arg22[%dma_start3A_170, %dma_start3A_171] : memref<10240x96xf32, #tpu.memory_space<vmem_shared>> -> memref<10240x96xf32, #tpu.memory_space<vmem_shared>>
      tpu.enqueue_indirect_dma source(%arg18 : memref<128x96xf32, #tpu.memory_space<vmem>>) target(%dma_start3A_172 : memref<10240x96xf32, #tpu.memory_space<vmem_shared>>) offsets(%dma_start3A_169 : memref<128xi32, #tpu.memory_space<vmem>>) semaphore(%arg25 : memref<!tpu.dma_semaphore, #tpu.memory_space<semaphore_mem>>) {add = true}
      %dma_wait3A_173 = arith.constant 0 : i32
      %dma_wait3A_174 = tpu.memref_slice %arg16[%add3A_134, %dma_wait3A_173] : memref<40x128xi32, #tpu.memory_space<vmem>> -> memref<1x128xi32, #tpu.memory_space<vmem>>
      %dma_wait3A_175 = tpu.memref_squeeze %dma_wait3A_174 : memref<1x128xi32, #tpu.memory_space<vmem>> -> memref<128xi32, #tpu.memory_space<vmem>>
      %dma_wait3A_176 = arith.constant 0 : i32
      %dma_wait3A_177 = arith.constant 0 : i32
      %dma_wait3A_178 = tpu.memref_slice %arg7[%dma_wait3A_176, %dma_wait3A_177] : memref<10240x16xf32, #tpu.memory_space<hbm>> -> memref<10240x16xf32, #tpu.memory_space<hbm>>
      tpu.wait_indirect_dma semaphore(%arg23 : memref<!tpu.dma_semaphore, #tpu.memory_space<semaphore_mem>>) src(%dma_wait3A_178 : memref<10240x16xf32, #tpu.memory_space<hbm>>) dst(%arg21 : memref<128x16xf32, #tpu.memory_space<vmem>>)
      %dma_wait3A_179 = arith.constant 0 : i32
      %dma_wait3A_180 = tpu.memref_slice %arg17[%add3A_134, %dma_wait3A_179] : memref<40x128xi32, #tpu.memory_space<vmem>> -> memref<1x128xi32, #tpu.memory_space<vmem>>
      %dma_wait3A_181 = tpu.memref_squeeze %dma_wait3A_180 : memref<1x128xi32, #tpu.memory_space<vmem>> -> memref<128xi32, #tpu.memory_space<vmem>>
      %dma_wait3A_182 = arith.constant 0 : i32
      %dma_wait3A_183 = arith.constant 0 : i32
      %dma_wait3A_184 = tpu.memref_slice %arg4[%dma_wait3A_182, %dma_wait3A_183] : memref<10240x96xf32, #tpu.memory_space<hbm>> -> memref<10240x96xf32, #tpu.memory_space<hbm>>
      tpu.wait_indirect_dma semaphore(%arg24 : memref<!tpu.dma_semaphore, #tpu.memory_space<semaphore_mem>>) src(%dma_wait3A_184 : memref<10240x96xf32, #tpu.memory_space<hbm>>) dst(%arg19 : memref<128x96xf32, #tpu.memory_space<vmem>>)
      %scan3A_185 = arith.constant 0 : i32
      %scan3A_186 = arith.constant 0 : i32
      %scan3A_187 = arith.constant 128 : i32
      %scan3A_188 = arith.addi %scan3A_186, %scan3A_187 : i32
      %scan3A_189 = arith.constant 1 : i32
      scf.for %scan3A_208 = %scan3A_186 to %scan3A_188 step %scan3A_189  : i32 {
        %get3A = arith.index_cast %scan3A_208 : i32 to index
        %get3A_209 = arith.constant 0 : index
        %get3A_210 = tpu.vector_load %arg21[%get3A, %get3A_209] {strides = array<i32>} : memref<128x16xf32, #tpu.memory_space<vmem>>, vector<16xf32>,
        %get3A_211 = arith.index_cast %scan3A_208 : i32 to index
        %get3A_212 = arith.constant 80 : index
        %get3A_213 = tpu.vector_load %arg19[%get3A_211, %get3A_212] {strides = array<i32>} : memref<128x96xf32, #tpu.memory_space<vmem>>, vector<16xf32>,
        %add3A_214 = arith.addf %get3A_210, %get3A_213 : vector<16xf32>
        %jit3A_215 = arith.constant -1.000000e+30 : f32
        %broadcast_in_dim3A_216 = vector.broadcast %jit3A_215 : f32 to vector<16xf32>
        %select_n3A_217 = arith.select %lt3A_2, %add3A_214, %broadcast_in_dim3A_216 : vector<16xi1>, vector<16xf32>
        %reduce_max3A = arith.constant true
        %reduce_max3A_218 = vector.broadcast %reduce_max3A : i1 to vector<16xi1>
        %reduce_max3A_219 = tpu.scan <max>, %select_n3A_217 masked %reduce_max3A_218 : vector<16xf32>, vector<16xi1> -> vector<16xf32>
        %reduce_max3A_220 = vector.extract %reduce_max3A_219[15] : f32 from vector<16xf32>
        %sub3A = vector.broadcast %reduce_max3A_220 : f32 to vector<16xf32>
        %sub3A_221 = arith.subf %select_n3A_217, %sub3A : vector<16xf32>
        %exp3A = math.exp %sub3A_221 : vector<16xf32>
        %reduce_sum3A = arith.constant true
        %reduce_sum3A_222 = vector.broadcast %reduce_sum3A : i1 to vector<16xi1>
        %reduce_sum3A_223 = tpu.scan <sum>, %exp3A masked %reduce_sum3A_222 : vector<16xf32>, vector<16xi1> -> vector<16xf32>
        %reduce_sum3A_224 = vector.extract %reduce_sum3A_223[15] : f32 from vector<16xf32>
        %div3A = vector.broadcast %reduce_sum3A_224 : f32 to vector<16xf32>
        %div3A_225 = arith.divf %exp3A, %div3A : vector<16xf32>
        %get3A_226 = arith.index_cast %scan3A_208 : i32 to index
        %get3A_227 = arith.constant 0 : index
        %get3A_228 = tpu.vector_load %arg19[%get3A_226, %get3A_227] {strides = array<i32>} : memref<128x96xf32, #tpu.memory_space<vmem>>, vector<16xf32>,
        %slice3A = vector.extract_strided_slice %div3A_225 {offsets = [0], sizes = [1], strides = [1]} : vector<16xf32> to vector<1xf32>
        %squeeze3A = vector.extract %slice3A[0] : f32 from vector<1xf32>
        %mul3A_229 = vector.broadcast %squeeze3A : f32 to vector<16xf32>
        %mul3A_230 = arith.mulf %get3A_228, %mul3A_229 : vector<16xf32>
        %swap3A = arith.index_cast %scan3A_208 : i32 to index
        %swap3A_231 = arith.constant 0 : index
        %swap3A_232 = tpu.vector_load %arg19[%swap3A, %swap3A_231] {strides = array<i32>} : memref<128x96xf32, #tpu.memory_space<vmem>>, vector<16xf32>,
        tpu.vector_store %arg19[%swap3A, %swap3A_231], %mul3A_230 {strides = array<i32>} : memref<128x96xf32, #tpu.memory_space<vmem>>, vector<16xf32>,
        %get3A_233 = arith.index_cast %scan3A_208 : i32 to index
        %get3A_234 = arith.constant 16 : index
        %get3A_235 = tpu.vector_load %arg19[%get3A_233, %get3A_234] {strides = array<i32>} : memref<128x96xf32, #tpu.memory_space<vmem>>, vector<16xf32>,
        %slice3A_236 = vector.extract_strided_slice %div3A_225 {offsets = [1], sizes = [1], strides = [1]} : vector<16xf32> to vector<1xf32>
        %squeeze3A_237 = vector.extract %slice3A_236[0] : f32 from vector<1xf32>
        %mul3A_238 = vector.broadcast %squeeze3A_237 : f32 to vector<16xf32>
        %mul3A_239 = arith.mulf %get3A_235, %mul3A_238 : vector<16xf32>
        %swap3A_240 = arith.index_cast %scan3A_208 : i32 to index
        %swap3A_241 = arith.constant 16 : index
        %swap3A_242 = tpu.vector_load %arg19[%swap3A_240, %swap3A_241] {strides = array<i32>} : memref<128x96xf32, #tpu.memory_space<vmem>>, vector<16xf32>,
        tpu.vector_store %arg19[%swap3A_240, %swap3A_241], %mul3A_239 {strides = array<i32>} : memref<128x96xf32, #tpu.memory_space<vmem>>, vector<16xf32>,
        %get3A_243 = arith.index_cast %scan3A_208 : i32 to index
        %get3A_244 = arith.constant 32 : index
        %get3A_245 = tpu.vector_load %arg19[%get3A_243, %get3A_244] {strides = array<i32>} : memref<128x96xf32, #tpu.memory_space<vmem>>, vector<16xf32>,
        %slice3A_246 = vector.extract_strided_slice %div3A_225 {offsets = [2], sizes = [1], strides = [1]} : vector<16xf32> to vector<1xf32>
        %squeeze3A_247 = vector.extract %slice3A_246[0] : f32 from vector<1xf32>
        %mul3A_248 = vector.broadcast %squeeze3A_247 : f32 to vector<16xf32>
        %mul3A_249 = arith.mulf %get3A_245, %mul3A_248 : vector<16xf32>
        %swap3A_250 = arith.index_cast %scan3A_208 : i32 to index
        %swap3A_251 = arith.constant 32 : index
        %swap3A_252 = tpu.vector_load %arg19[%swap3A_250, %swap3A_251] {strides = array<i32>} : memref<128x96xf32, #tpu.memory_space<vmem>>, vector<16xf32>,
        tpu.vector_store %arg19[%swap3A_250, %swap3A_251], %mul3A_249 {strides = array<i32>} : memref<128x96xf32, #tpu.memory_space<vmem>>, vector<16xf32>,
        %get3A_253 = arith.index_cast %scan3A_208 : i32 to index
        %get3A_254 = arith.constant 48 : index
        %get3A_255 = tpu.vector_load %arg19[%get3A_253, %get3A_254] {strides = array<i32>} : memref<128x96xf32, #tpu.memory_space<vmem>>, vector<16xf32>,
        %slice3A_256 = vector.extract_strided_slice %div3A_225 {offsets = [3], sizes = [1], strides = [1]} : vector<16xf32> to vector<1xf32>
        %squeeze3A_257 = vector.extract %slice3A_256[0] : f32 from vector<1xf32>
        %mul3A_258 = vector.broadcast %squeeze3A_257 : f32 to vector<16xf32>
        %mul3A_259 = arith.mulf %get3A_255, %mul3A_258 : vector<16xf32>
        %swap3A_260 = arith.index_cast %scan3A_208 : i32 to index
        %swap3A_261 = arith.constant 48 : index
        %swap3A_262 = tpu.vector_load %arg19[%swap3A_260, %swap3A_261] {strides = array<i32>} : memref<128x96xf32, #tpu.memory_space<vmem>>, vector<16xf32>,
        tpu.vector_store %arg19[%swap3A_260, %swap3A_261], %mul3A_259 {strides = array<i32>} : memref<128x96xf32, #tpu.memory_space<vmem>>, vector<16xf32>,
        %get3A_263 = arith.index_cast %scan3A_208 : i32 to index
        %get3A_264 = arith.constant 64 : index
        %get3A_265 = tpu.vector_load %arg19[%get3A_263, %get3A_264] {strides = array<i32>} : memref<128x96xf32, #tpu.memory_space<vmem>>, vector<16xf32>,
        %slice3A_266 = vector.extract_strided_slice %div3A_225 {offsets = [4], sizes = [1], strides = [1]} : vector<16xf32> to vector<1xf32>
        %squeeze3A_267 = vector.extract %slice3A_266[0] : f32 from vector<1xf32>
        %mul3A_268 = vector.broadcast %squeeze3A_267 : f32 to vector<16xf32>
        %mul3A_269 = arith.mulf %get3A_265, %mul3A_268 : vector<16xf32>
        %swap3A_270 = arith.index_cast %scan3A_208 : i32 to index
        %swap3A_271 = arith.constant 64 : index
        %swap3A_272 = tpu.vector_load %arg19[%swap3A_270, %swap3A_271] {strides = array<i32>} : memref<128x96xf32, #tpu.memory_space<vmem>>, vector<16xf32>,
        tpu.vector_store %arg19[%swap3A_270, %swap3A_271], %mul3A_269 {strides = array<i32>} : memref<128x96xf32, #tpu.memory_space<vmem>>, vector<16xf32>,
        %swap3A_273 = arith.index_cast %scan3A_208 : i32 to index
        %swap3A_274 = arith.constant 80 : index
        %swap3A_275 = tpu.vector_load %arg19[%swap3A_273, %swap3A_274] {strides = array<i32>} : memref<128x96xf32, #tpu.memory_space<vmem>>, vector<16xf32>,
        tpu.vector_store %arg19[%swap3A_273, %swap3A_274], %select_n3A {strides = array<i32>} : memref<128x96xf32, #tpu.memory_space<vmem>>, vector<16xf32>,
      }
      %scan3A_190 = arith.constant 128 : i32
      %dma_wait3A_191 = arith.constant 0 : i32
      %dma_wait3A_192 = tpu.memref_slice %arg16[%mul3A_132, %dma_wait3A_191] : memref<40x128xi32, #tpu.memory_space<vmem>> -> memref<1x128xi32, #tpu.memory_space<vmem>>
      %dma_wait3A_193 = tpu.memref_squeeze %dma_wait3A_192 : memref<1x128xi32, #tpu.memory_space<vmem>> -> memref<128xi32, #tpu.memory_space<vmem>>
      %dma_wait3A_194 = arith.constant 0 : i32
      %dma_wait3A_195 = arith.constant 0 : i32
      %dma_wait3A_196 = tpu.memref_slice %arg22[%dma_wait3A_194, %dma_wait3A_195] : memref<10240x96xf32, #tpu.memory_space<vmem_shared>> -> memref<10240x96xf32, #tpu.memory_space<vmem_shared>>
      tpu.wait_indirect_dma semaphore(%arg25 : memref<!tpu.dma_semaphore, #tpu.memory_space<semaphore_mem>>) src(%arg18 : memref<128x96xf32, #tpu.memory_space<vmem>>) dst(%dma_wait3A_196 : memref<10240x96xf32, #tpu.memory_space<vmem_shared>>)
      %lt3A_197 = arith.constant 19 : i32
      %lt3A_198 = arith.cmpi slt, %scan3A_130, %lt3A_197 : i32
      %convert_element_type3A_199 = arith.extui %lt3A_198 : i1 to i32
      %cond3A_200 = arith.constant 0 : i32
      %cond3A_201 = arith.cmpi ne, %convert_element_type3A_199, %cond3A_200 : i32
      scf.if %cond3A_201 {
        %add3A_208 = arith.constant 2 : i32
        %add3A_209 = arith.addi %mul3A_132, %add3A_208 : i32
        %dma_start3A_210 = arith.constant 0 : i32
        %dma_start3A_211 = tpu.memref_slice %arg16[%add3A_209, %dma_start3A_210] : memref<40x128xi32, #tpu.memory_space<vmem>> -> memref<1x128xi32, #tpu.memory_space<vmem>>
        %dma_start3A_212 = tpu.memref_squeeze %dma_start3A_211 : memref<1x128xi32, #tpu.memory_space<vmem>> -> memref<128xi32, #tpu.memory_space<vmem>>
        %dma_start3A_213 = arith.constant 0 : i32
        %dma_start3A_214 = arith.constant 0 : i32
        %dma_start3A_215 = tpu.memref_slice %arg7[%dma_start3A_213, %dma_start3A_214] : memref<10240x16xf32, #tpu.memory_space<hbm>> -> memref<10240x16xf32, #tpu.memory_space<hbm>>
        tpu.enqueue_indirect_dma source(%dma_start3A_215 : memref<10240x16xf32, #tpu.memory_space<hbm>>) target(%arg20 : memref<128x16xf32, #tpu.memory_space<vmem>>) offsets(%dma_start3A_212 : memref<128xi32, #tpu.memory_space<vmem>>) semaphore(%arg23 : memref<!tpu.dma_semaphore, #tpu.memory_space<semaphore_mem>>)
        %dma_start3A_216 = arith.constant 0 : i32
        %dma_start3A_217 = tpu.memref_slice %arg17[%add3A_209, %dma_start3A_216] : memref<40x128xi32, #tpu.memory_space<vmem>> -> memref<1x128xi32, #tpu.memory_space<vmem>>
        %dma_start3A_218 = tpu.memref_squeeze %dma_start3A_217 : memref<1x128xi32, #tpu.memory_space<vmem>> -> memref<128xi32, #tpu.memory_space<vmem>>
        %dma_start3A_219 = arith.constant 0 : i32
        %dma_start3A_220 = arith.constant 0 : i32
        %dma_start3A_221 = tpu.memref_slice %arg4[%dma_start3A_219, %dma_start3A_220] : memref<10240x96xf32, #tpu.memory_space<hbm>> -> memref<10240x96xf32, #tpu.memory_space<hbm>>
        tpu.enqueue_indirect_dma source(%dma_start3A_221 : memref<10240x96xf32, #tpu.memory_space<hbm>>) target(%arg18 : memref<128x96xf32, #tpu.memory_space<vmem>>) offsets(%dma_start3A_218 : memref<128xi32, #tpu.memory_space<vmem>>) semaphore(%arg24 : memref<!tpu.dma_semaphore, #tpu.memory_space<semaphore_mem>>)
      } else {
      }
      %dma_start3A_202 = arith.constant 0 : i32
      %dma_start3A_203 = tpu.memref_slice %arg16[%add3A_134, %dma_start3A_202] : memref<40x128xi32, #tpu.memory_space<vmem>> -> memref<1x128xi32, #tpu.memory_space<vmem>>
      %dma_start3A_204 = tpu.memref_squeeze %dma_start3A_203 : memref<1x128xi32, #tpu.memory_space<vmem>> -> memref<128xi32, #tpu.memory_space<vmem>>
      %dma_start3A_205 = arith.constant 0 : i32
      %dma_start3A_206 = arith.constant 0 : i32
      %dma_start3A_207 = tpu.memref_slice %arg22[%dma_start3A_205, %dma_start3A_206] : memref<10240x96xf32, #tpu.memory_space<vmem_shared>> -> memref<10240x96xf32, #tpu.memory_space<vmem_shared>>
      tpu.enqueue_indirect_dma source(%arg19 : memref<128x96xf32, #tpu.memory_space<vmem>>) target(%dma_start3A_207 : memref<10240x96xf32, #tpu.memory_space<vmem_shared>>) offsets(%dma_start3A_204 : memref<128xi32, #tpu.memory_space<vmem>>) semaphore(%arg25 : memref<!tpu.dma_semaphore, #tpu.memory_space<semaphore_mem>>) {add = true}
    }
    %scan3A_115 = arith.constant 20 : i32
    %dma_wait3A_116 = arith.constant 39 : i32
    %dma_wait3A_117 = arith.constant 0 : i32
    %dma_wait3A_118 = tpu.memref_slice %arg16[%dma_wait3A_116, %dma_wait3A_117] : memref<40x128xi32, #tpu.memory_space<vmem>> -> memref<1x128xi32, #tpu.memory_space<vmem>>
    %dma_wait3A_119 = tpu.memref_squeeze %dma_wait3A_118 : memref<1x128xi32, #tpu.memory_space<vmem>> -> memref<128xi32, #tpu.memory_space<vmem>>
    %dma_wait3A_120 = arith.constant 0 : i32
    %dma_wait3A_121 = arith.constant 0 : i32
    %dma_wait3A_122 = tpu.memref_slice %arg22[%dma_wait3A_120, %dma_wait3A_121] : memref<10240x96xf32, #tpu.memory_space<vmem_shared>> -> memref<10240x96xf32, #tpu.memory_space<vmem_shared>>
    tpu.wait_indirect_dma semaphore(%arg25 : memref<!tpu.dma_semaphore, #tpu.memory_space<semaphore_mem>>) src(%arg19 : memref<128x96xf32, #tpu.memory_space<vmem>>) dst(%dma_wait3A_122 : memref<10240x96xf32, #tpu.memory_space<vmem_shared>>)
    %barrier3A_123 = arith.constant 0 : index
    tpu.barrier barrier_id(%barrier3A_123)
    %mul3A_124 = arith.constant 640 : i32
    %mul3A_125 = arith.muli %arg1, %mul3A_124 : i32
    %mul3A_126 = arith.constant 640 : i32
    %mul3A_127 = arith.muli %arg1, %mul3A_126 : i32
    %run_scoped3A_128 = arith.constant 2 : i32
    "tpu.region"() ({
      %run_scoped3A_130 = tpu.sem_alloc : memref<!tpu.dma_semaphore, #tpu.memory_space<semaphore_mem>>
      %dma_start3A_131 = arith.constant 0 : i32
      %dma_start3A_132 = tpu.memref_slice %arg15[%run_scoped3A_128, %arg0, %mul3A_127, %dma_start3A_131] : memref<3x2x10240x96xf32, #tpu.memory_space<hbm>> -> memref<1x1x640x96xf32, #tpu.memory_space<hbm>>
      %dma_start3A_133 = tpu.memref_squeeze %dma_start3A_132 : memref<1x1x640x96xf32, #tpu.memory_space<hbm>> -> memref<640x96xf32, #tpu.memory_space<hbm>>
      %dma_start3A_134 = arith.constant 0 : i32
      %dma_start3A_135 = tpu.memref_slice %arg22[%mul3A_125, %dma_start3A_134] : memref<10240x96xf32, #tpu.memory_space<vmem_shared>> -> memref<640x96xf32, #tpu.memory_space<vmem_shared>>
      tpu.enqueue_dma source(%dma_start3A_135 : memref<640x96xf32, #tpu.memory_space<vmem_shared>>) target(%dma_start3A_133 : memref<640x96xf32, #tpu.memory_space<hbm>>) target_semaphore(%run_scoped3A_130 : memref<!tpu.dma_semaphore, #tpu.memory_space<semaphore_mem>>)
      %dma_wait3A_136 = arith.constant 0 : i32
      %dma_wait3A_137 = tpu.memref_slice %arg15[%run_scoped3A_128, %arg0, %mul3A_127, %dma_wait3A_136] : memref<3x2x10240x96xf32, #tpu.memory_space<hbm>> -> memref<1x1x640x96xf32, #tpu.memory_space<hbm>>
      %dma_wait3A_138 = tpu.memref_squeeze %dma_wait3A_137 : memref<1x1x640x96xf32, #tpu.memory_space<hbm>> -> memref<640x96xf32, #tpu.memory_space<hbm>>
      %dma_wait3A_139 = arith.constant 0 : i32
      %dma_wait3A_140 = tpu.memref_slice %arg22[%mul3A_125, %dma_wait3A_139] : memref<10240x96xf32, #tpu.memory_space<vmem_shared>> -> memref<640x96xf32, #tpu.memory_space<vmem_shared>>
      tpu.wait_dma2 semaphore(%run_scoped3A_130 : memref<!tpu.dma_semaphore, #tpu.memory_space<semaphore_mem>>) src(%dma_wait3A_140 : memref<640x96xf32, #tpu.memory_space<vmem_shared>>) dst(%dma_wait3A_138 : memref<640x96xf32, #tpu.memory_space<hbm>>)
      tpu.yield
    }) : () -> ()
    %barrier3A_129 = arith.constant 0 : index
    tpu.barrier barrier_id(%barrier3A_129)
    return
  }
}

#map = affine_map<(d0, d1) -> (0, 0)>
#map1 = affine_map<(d0, d1) -> (0, 0, 0)>
module attributes {stable_mosaic.version = 14 : i64} {
  func.func @_sc_phase1(%arg0: i32, %arg1: i32, %arg2: memref<10240x80xf32, #tpu.memory_space<hbm>>, %arg3: memref<10240x80xf32, #tpu.memory_space<hbm>>, %arg4: memref<10240x80xf32, #tpu.memory_space<hbm>>, %arg5: memref<1280x128xi32, #tpu.memory_space<hbm>>, %arg6: memref<1280x128xi32, #tpu.memory_space<hbm>>, %arg7: memref<1280x128xi32, #tpu.memory_space<hbm>>, %arg8: memref<1280x128xi32, #tpu.memory_space<hbm>>, %arg9: memref<1280x128xi32, #tpu.memory_space<hbm>>, %arg10: memref<1280x128xi32, #tpu.memory_space<hbm>>, %arg11: memref<10240x80xf32, #tpu.memory_space<hbm>>, %arg12: memref<2x10240x80xf32, #tpu.memory_space<hbm>>, %arg13: memref<40x128xi32, #tpu.memory_space<vmem>>, %arg14: memref<40x128xi32, #tpu.memory_space<vmem>>, %arg15: memref<128x80xf32, #tpu.memory_space<vmem>>, %arg16: memref<128x80xf32, #tpu.memory_space<vmem>>, %arg17: memref<10240x80xf32, #tpu.memory_space<vmem_shared>>, %arg18: memref<!tpu.dma_semaphore, #tpu.memory_space<semaphore_mem>>, %arg19: memref<!tpu.dma_semaphore, #tpu.memory_space<semaphore_mem>>) attributes {dimension_semantics = [#tpu.dimension_semantics<core_parallel>, #tpu.dimension_semantics<subcore_parallel>], iteration_bounds = array<i64: 2, 16>, scalar_prefetch = 0 : i64, scratch_operands = 7 : i64, tpu.core_type = #tpu.core_type<sc_vector_subcore>, window_params = [{transform_indices = #map}, {transform_indices = #map}, {transform_indices = #map}, {transform_indices = #map}, {transform_indices = #map}, {transform_indices = #map}, {transform_indices = #map}, {transform_indices = #map}, {transform_indices = #map}, {transform_indices = #map}, {transform_indices = #map1}]} {
    %mul3A = arith.constant 2 : i32
    %mul3A_0 = arith.muli %arg1, %mul3A : i32
    %add3A = arith.addi %mul3A_0, %arg0 : i32
    %mul3A_1 = arith.constant 640 : i32
    %mul3A_2 = arith.muli %arg1, %mul3A_1 : i32
    %mul3A_3 = arith.constant 640 : i32
    %mul3A_4 = arith.muli %arg1, %mul3A_3 : i32
    "tpu.region"() ({
      %run_scoped3A = tpu.sem_alloc : memref<!tpu.dma_semaphore, #tpu.memory_space<semaphore_mem>>
      %dma_start3A_79 = arith.constant 0 : i32
      %dma_start3A_80 = tpu.memref_slice %arg17[%mul3A_4, %dma_start3A_79] : memref<10240x80xf32, #tpu.memory_space<vmem_shared>> -> memref<640x80xf32, #tpu.memory_space<vmem_shared>>
      %dma_start3A_81 = arith.constant 0 : i32
      %dma_start3A_82 = tpu.memref_slice %arg11[%mul3A_2, %dma_start3A_81] : memref<10240x80xf32, #tpu.memory_space<hbm>> -> memref<640x80xf32, #tpu.memory_space<hbm>>
      tpu.enqueue_dma source(%dma_start3A_82 : memref<640x80xf32, #tpu.memory_space<hbm>>) target(%dma_start3A_80 : memref<640x80xf32, #tpu.memory_space<vmem_shared>>) target_semaphore(%run_scoped3A : memref<!tpu.dma_semaphore, #tpu.memory_space<semaphore_mem>>)
      %dma_wait3A_83 = arith.constant 0 : i32
      %dma_wait3A_84 = tpu.memref_slice %arg17[%mul3A_4, %dma_wait3A_83] : memref<10240x80xf32, #tpu.memory_space<vmem_shared>> -> memref<640x80xf32, #tpu.memory_space<vmem_shared>>
      %dma_wait3A_85 = arith.constant 0 : i32
      %dma_wait3A_86 = tpu.memref_slice %arg11[%mul3A_2, %dma_wait3A_85] : memref<10240x80xf32, #tpu.memory_space<hbm>> -> memref<640x80xf32, #tpu.memory_space<hbm>>
      tpu.wait_dma2 semaphore(%run_scoped3A : memref<!tpu.dma_semaphore, #tpu.memory_space<semaphore_mem>>) src(%dma_wait3A_86 : memref<640x80xf32, #tpu.memory_space<hbm>>) dst(%dma_wait3A_84 : memref<640x80xf32, #tpu.memory_space<vmem_shared>>)
      tpu.yield
    }) : () -> ()
    %barrier3A = arith.constant 0 : index
    tpu.barrier barrier_id(%barrier3A)
    %mul3A_5 = arith.constant 40 : i32
    %mul3A_6 = arith.muli %add3A, %mul3A_5 : i32
    "tpu.region"() ({
      %run_scoped3A = tpu.sem_alloc : memref<!tpu.dma_semaphore, #tpu.memory_space<semaphore_mem>>
      %dma_start3A_79 = arith.constant 0 : i32
      %dma_start3A_80 = tpu.memref_slice %arg5[%mul3A_6, %dma_start3A_79] : memref<1280x128xi32, #tpu.memory_space<hbm>> -> memref<40x128xi32, #tpu.memory_space<hbm>>
      %dma_start3A_81 = arith.constant 0 : i32
      %dma_start3A_82 = tpu.memref_slice %arg5[%mul3A_6, %dma_start3A_81] : memref<1280x128xi32, #tpu.memory_space<hbm>> -> memref<40x128xi32, #tpu.memory_space<hbm>>
      tpu.enqueue_dma source(%dma_start3A_82 : memref<40x128xi32, #tpu.memory_space<hbm>>) target(%arg13 : memref<40x128xi32, #tpu.memory_space<vmem>>) target_semaphore(%run_scoped3A : memref<!tpu.dma_semaphore, #tpu.memory_space<semaphore_mem>>)
      %dma_wait3A_83 = arith.constant 0 : i32
      %dma_wait3A_84 = tpu.memref_slice %arg5[%mul3A_6, %dma_wait3A_83] : memref<1280x128xi32, #tpu.memory_space<hbm>> -> memref<40x128xi32, #tpu.memory_space<hbm>>
      %dma_wait3A_85 = arith.constant 0 : i32
      %dma_wait3A_86 = tpu.memref_slice %arg5[%mul3A_6, %dma_wait3A_85] : memref<1280x128xi32, #tpu.memory_space<hbm>> -> memref<40x128xi32, #tpu.memory_space<hbm>>
      tpu.wait_dma2 semaphore(%run_scoped3A : memref<!tpu.dma_semaphore, #tpu.memory_space<semaphore_mem>>) src(%dma_wait3A_86 : memref<40x128xi32, #tpu.memory_space<hbm>>) dst(%arg13 : memref<40x128xi32, #tpu.memory_space<vmem>>)
      tpu.yield
    }) : () -> ()
    %mul3A_7 = arith.constant 40 : i32
    %mul3A_8 = arith.muli %add3A, %mul3A_7 : i32
    "tpu.region"() ({
      %run_scoped3A = tpu.sem_alloc : memref<!tpu.dma_semaphore, #tpu.memory_space<semaphore_mem>>
      %dma_start3A_79 = arith.constant 0 : i32
      %dma_start3A_80 = tpu.memref_slice %arg6[%mul3A_8, %dma_start3A_79] : memref<1280x128xi32, #tpu.memory_space<hbm>> -> memref<40x128xi32, #tpu.memory_space<hbm>>
      %dma_start3A_81 = arith.constant 0 : i32
      %dma_start3A_82 = tpu.memref_slice %arg6[%mul3A_8, %dma_start3A_81] : memref<1280x128xi32, #tpu.memory_space<hbm>> -> memref<40x128xi32, #tpu.memory_space<hbm>>
      tpu.enqueue_dma source(%dma_start3A_82 : memref<40x128xi32, #tpu.memory_space<hbm>>) target(%arg14 : memref<40x128xi32, #tpu.memory_space<vmem>>) target_semaphore(%run_scoped3A : memref<!tpu.dma_semaphore, #tpu.memory_space<semaphore_mem>>)
      %dma_wait3A_83 = arith.constant 0 : i32
      %dma_wait3A_84 = tpu.memref_slice %arg6[%mul3A_8, %dma_wait3A_83] : memref<1280x128xi32, #tpu.memory_space<hbm>> -> memref<40x128xi32, #tpu.memory_space<hbm>>
      %dma_wait3A_85 = arith.constant 0 : i32
      %dma_wait3A_86 = tpu.memref_slice %arg6[%mul3A_8, %dma_wait3A_85] : memref<1280x128xi32, #tpu.memory_space<hbm>> -> memref<40x128xi32, #tpu.memory_space<hbm>>
      tpu.wait_dma2 semaphore(%run_scoped3A : memref<!tpu.dma_semaphore, #tpu.memory_space<semaphore_mem>>) src(%dma_wait3A_86 : memref<40x128xi32, #tpu.memory_space<hbm>>) dst(%arg14 : memref<40x128xi32, #tpu.memory_space<vmem>>)
      tpu.yield
    }) : () -> ()
    %dma_start3A = arith.constant 0 : i32
    %dma_start3A_9 = arith.constant 0 : i32
    %dma_start3A_10 = tpu.memref_slice %arg13[%dma_start3A, %dma_start3A_9] : memref<40x128xi32, #tpu.memory_space<vmem>> -> memref<1x128xi32, #tpu.memory_space<vmem>>
    %dma_start3A_11 = tpu.memref_squeeze %dma_start3A_10 : memref<1x128xi32, #tpu.memory_space<vmem>> -> memref<128xi32, #tpu.memory_space<vmem>>
    %dma_start3A_12 = arith.constant 0 : i32
    %dma_start3A_13 = arith.constant 0 : i32
    %dma_start3A_14 = tpu.memref_slice %arg2[%dma_start3A_12, %dma_start3A_13] : memref<10240x80xf32, #tpu.memory_space<hbm>> -> memref<10240x80xf32, #tpu.memory_space<hbm>>
    tpu.enqueue_indirect_dma source(%dma_start3A_14 : memref<10240x80xf32, #tpu.memory_space<hbm>>) target(%arg15 : memref<128x80xf32, #tpu.memory_space<vmem>>) offsets(%dma_start3A_11 : memref<128xi32, #tpu.memory_space<vmem>>) semaphore(%arg18 : memref<!tpu.dma_semaphore, #tpu.memory_space<semaphore_mem>>)
    %scan3A = arith.constant 0 : i32
    %scan3A_15 = arith.constant 0 : i32
    %scan3A_16 = arith.constant 20 : i32
    %scan3A_17 = arith.addi %scan3A_15, %scan3A_16 : i32
    %scan3A_18 = arith.constant 1 : i32
    scf.for %scan3A_79 = %scan3A_15 to %scan3A_17 step %scan3A_18  : i32 {
      %mul3A_80 = arith.constant 2 : i32
      %mul3A_81 = arith.muli %mul3A_80, %scan3A_79 : i32
      %add3A_82 = arith.constant 1 : i32
      %add3A_83 = arith.addi %mul3A_81, %add3A_82 : i32
      %dma_wait3A_84 = arith.constant 0 : i32
      %dma_wait3A_85 = tpu.memref_slice %arg13[%mul3A_81, %dma_wait3A_84] : memref<40x128xi32, #tpu.memory_space<vmem>> -> memref<1x128xi32, #tpu.memory_space<vmem>>
      %dma_wait3A_86 = tpu.memref_squeeze %dma_wait3A_85 : memref<1x128xi32, #tpu.memory_space<vmem>> -> memref<128xi32, #tpu.memory_space<vmem>>
      %dma_wait3A_87 = arith.constant 0 : i32
      %dma_wait3A_88 = arith.constant 0 : i32
      %dma_wait3A_89 = tpu.memref_slice %arg2[%dma_wait3A_87, %dma_wait3A_88] : memref<10240x80xf32, #tpu.memory_space<hbm>> -> memref<10240x80xf32, #tpu.memory_space<hbm>>
      tpu.wait_indirect_dma semaphore(%arg18 : memref<!tpu.dma_semaphore, #tpu.memory_space<semaphore_mem>>) src(%dma_wait3A_89 : memref<10240x80xf32, #tpu.memory_space<hbm>>) dst(%arg15 : memref<128x80xf32, #tpu.memory_space<vmem>>)
      %gt3A = arith.constant 0 : i32
      %gt3A_90 = arith.cmpi sgt, %scan3A_79, %gt3A : i32
      %convert_element_type3A = arith.extui %gt3A_90 : i1 to i32
      %cond3A = arith.constant 0 : i32
      %cond3A_91 = arith.cmpi ne, %convert_element_type3A, %cond3A : i32
      scf.if %cond3A_91 {
        %sub3A = arith.constant 2 : i32
        %sub3A_126 = arith.subi %add3A_83, %sub3A : i32
        %dma_wait3A_127 = arith.constant 0 : i32
        %dma_wait3A_128 = tpu.memref_slice %arg14[%sub3A_126, %dma_wait3A_127] : memref<40x128xi32, #tpu.memory_space<vmem>> -> memref<1x128xi32, #tpu.memory_space<vmem>>
        %dma_wait3A_129 = tpu.memref_squeeze %dma_wait3A_128 : memref<1x128xi32, #tpu.memory_space<vmem>> -> memref<128xi32, #tpu.memory_space<vmem>>
        %dma_wait3A_130 = arith.constant 0 : i32
        %dma_wait3A_131 = arith.constant 0 : i32
        %dma_wait3A_132 = tpu.memref_slice %arg17[%dma_wait3A_130, %dma_wait3A_131] : memref<10240x80xf32, #tpu.memory_space<vmem_shared>> -> memref<10240x80xf32, #tpu.memory_space<vmem_shared>>
        tpu.wait_indirect_dma semaphore(%arg19 : memref<!tpu.dma_semaphore, #tpu.memory_space<semaphore_mem>>) src(%arg16 : memref<128x80xf32, #tpu.memory_space<vmem>>) dst(%dma_wait3A_132 : memref<10240x80xf32, #tpu.memory_space<vmem_shared>>)
      } else {
      }
      %dma_start3A_92 = arith.constant 0 : i32
      %dma_start3A_93 = tpu.memref_slice %arg13[%add3A_83, %dma_start3A_92] : memref<40x128xi32, #tpu.memory_space<vmem>> -> memref<1x128xi32, #tpu.memory_space<vmem>>
      %dma_start3A_94 = tpu.memref_squeeze %dma_start3A_93 : memref<1x128xi32, #tpu.memory_space<vmem>> -> memref<128xi32, #tpu.memory_space<vmem>>
      %dma_start3A_95 = arith.constant 0 : i32
      %dma_start3A_96 = arith.constant 0 : i32
      %dma_start3A_97 = tpu.memref_slice %arg2[%dma_start3A_95, %dma_start3A_96] : memref<10240x80xf32, #tpu.memory_space<hbm>> -> memref<10240x80xf32, #tpu.memory_space<hbm>>
      tpu.enqueue_indirect_dma source(%dma_start3A_97 : memref<10240x80xf32, #tpu.memory_space<hbm>>) target(%arg16 : memref<128x80xf32, #tpu.memory_space<vmem>>) offsets(%dma_start3A_94 : memref<128xi32, #tpu.memory_space<vmem>>) semaphore(%arg18 : memref<!tpu.dma_semaphore, #tpu.memory_space<semaphore_mem>>)
      %dma_start3A_98 = arith.constant 0 : i32
      %dma_start3A_99 = tpu.memref_slice %arg14[%mul3A_81, %dma_start3A_98] : memref<40x128xi32, #tpu.memory_space<vmem>> -> memref<1x128xi32, #tpu.memory_space<vmem>>
      %dma_start3A_100 = tpu.memref_squeeze %dma_start3A_99 : memref<1x128xi32, #tpu.memory_space<vmem>> -> memref<128xi32, #tpu.memory_space<vmem>>
      %dma_start3A_101 = arith.constant 0 : i32
      %dma_start3A_102 = arith.constant 0 : i32
      %dma_start3A_103 = tpu.memref_slice %arg17[%dma_start3A_101, %dma_start3A_102] : memref<10240x80xf32, #tpu.memory_space<vmem_shared>> -> memref<10240x80xf32, #tpu.memory_space<vmem_shared>>
      tpu.enqueue_indirect_dma source(%arg15 : memref<128x80xf32, #tpu.memory_space<vmem>>) target(%dma_start3A_103 : memref<10240x80xf32, #tpu.memory_space<vmem_shared>>) offsets(%dma_start3A_100 : memref<128xi32, #tpu.memory_space<vmem>>) semaphore(%arg19 : memref<!tpu.dma_semaphore, #tpu.memory_space<semaphore_mem>>) {add = true}
      %dma_wait3A_104 = arith.constant 0 : i32
      %dma_wait3A_105 = tpu.memref_slice %arg13[%add3A_83, %dma_wait3A_104] : memref<40x128xi32, #tpu.memory_space<vmem>> -> memref<1x128xi32, #tpu.memory_space<vmem>>
      %dma_wait3A_106 = tpu.memref_squeeze %dma_wait3A_105 : memref<1x128xi32, #tpu.memory_space<vmem>> -> memref<128xi32, #tpu.memory_space<vmem>>
      %dma_wait3A_107 = arith.constant 0 : i32
      %dma_wait3A_108 = arith.constant 0 : i32
      %dma_wait3A_109 = tpu.memref_slice %arg2[%dma_wait3A_107, %dma_wait3A_108] : memref<10240x80xf32, #tpu.memory_space<hbm>> -> memref<10240x80xf32, #tpu.memory_space<hbm>>
      tpu.wait_indirect_dma semaphore(%arg18 : memref<!tpu.dma_semaphore, #tpu.memory_space<semaphore_mem>>) src(%dma_wait3A_109 : memref<10240x80xf32, #tpu.memory_space<hbm>>) dst(%arg16 : memref<128x80xf32, #tpu.memory_space<vmem>>)
      %dma_wait3A_110 = arith.constant 0 : i32
      %dma_wait3A_111 = tpu.memref_slice %arg14[%mul3A_81, %dma_wait3A_110] : memref<40x128xi32, #tpu.memory_space<vmem>> -> memref<1x128xi32, #tpu.memory_space<vmem>>
      %dma_wait3A_112 = tpu.memref_squeeze %dma_wait3A_111 : memref<1x128xi32, #tpu.memory_space<vmem>> -> memref<128xi32, #tpu.memory_space<vmem>>
      %dma_wait3A_113 = arith.constant 0 : i32
      %dma_wait3A_114 = arith.constant 0 : i32
      %dma_wait3A_115 = tpu.memref_slice %arg17[%dma_wait3A_113, %dma_wait3A_114] : memref<10240x80xf32, #tpu.memory_space<vmem_shared>> -> memref<10240x80xf32, #tpu.memory_space<vmem_shared>>
      tpu.wait_indirect_dma semaphore(%arg19 : memref<!tpu.dma_semaphore, #tpu.memory_space<semaphore_mem>>) src(%arg15 : memref<128x80xf32, #tpu.memory_space<vmem>>) dst(%dma_wait3A_115 : memref<10240x80xf32, #tpu.memory_space<vmem_shared>>)
      %lt3A = arith.constant 19 : i32
      %lt3A_116 = arith.cmpi slt, %scan3A_79, %lt3A : i32
      %convert_element_type3A_117 = arith.extui %lt3A_116 : i1 to i32
      %cond3A_118 = arith.constant 0 : i32
      %cond3A_119 = arith.cmpi ne, %convert_element_type3A_117, %cond3A_118 : i32
      scf.if %cond3A_119 {
        %add3A_126 = arith.constant 2 : i32
        %add3A_127 = arith.addi %mul3A_81, %add3A_126 : i32
        %dma_start3A_128 = arith.constant 0 : i32
        %dma_start3A_129 = tpu.memref_slice %arg13[%add3A_127, %dma_start3A_128] : memref<40x128xi32, #tpu.memory_space<vmem>> -> memref<1x128xi32, #tpu.memory_space<vmem>>
        %dma_start3A_130 = tpu.memref_squeeze %dma_start3A_129 : memref<1x128xi32, #tpu.memory_space<vmem>> -> memref<128xi32, #tpu.memory_space<vmem>>
        %dma_start3A_131 = arith.constant 0 : i32
        %dma_start3A_132 = arith.constant 0 : i32
        %dma_start3A_133 = tpu.memref_slice %arg2[%dma_start3A_131, %dma_start3A_132] : memref<10240x80xf32, #tpu.memory_space<hbm>> -> memref<10240x80xf32, #tpu.memory_space<hbm>>
        tpu.enqueue_indirect_dma source(%dma_start3A_133 : memref<10240x80xf32, #tpu.memory_space<hbm>>) target(%arg15 : memref<128x80xf32, #tpu.memory_space<vmem>>) offsets(%dma_start3A_130 : memref<128xi32, #tpu.memory_space<vmem>>) semaphore(%arg18 : memref<!tpu.dma_semaphore, #tpu.memory_space<semaphore_mem>>)
      } else {
      }
      %dma_start3A_120 = arith.constant 0 : i32
      %dma_start3A_121 = tpu.memref_slice %arg14[%add3A_83, %dma_start3A_120] : memref<40x128xi32, #tpu.memory_space<vmem>> -> memref<1x128xi32, #tpu.memory_space<vmem>>
      %dma_start3A_122 = tpu.memref_squeeze %dma_start3A_121 : memref<1x128xi32, #tpu.memory_space<vmem>> -> memref<128xi32, #tpu.memory_space<vmem>>
      %dma_start3A_123 = arith.constant 0 : i32
      %dma_start3A_124 = arith.constant 0 : i32
      %dma_start3A_125 = tpu.memref_slice %arg17[%dma_start3A_123, %dma_start3A_124] : memref<10240x80xf32, #tpu.memory_space<vmem_shared>> -> memref<10240x80xf32, #tpu.memory_space<vmem_shared>>
      tpu.enqueue_indirect_dma source(%arg16 : memref<128x80xf32, #tpu.memory_space<vmem>>) target(%dma_start3A_125 : memref<10240x80xf32, #tpu.memory_space<vmem_shared>>) offsets(%dma_start3A_122 : memref<128xi32, #tpu.memory_space<vmem>>) semaphore(%arg19 : memref<!tpu.dma_semaphore, #tpu.memory_space<semaphore_mem>>) {add = true}
    }
    %scan3A_19 = arith.constant 20 : i32
    %dma_wait3A = arith.constant 39 : i32
    %dma_wait3A_20 = arith.constant 0 : i32
    %dma_wait3A_21 = tpu.memref_slice %arg14[%dma_wait3A, %dma_wait3A_20] : memref<40x128xi32, #tpu.memory_space<vmem>> -> memref<1x128xi32, #tpu.memory_space<vmem>>
    %dma_wait3A_22 = tpu.memref_squeeze %dma_wait3A_21 : memref<1x128xi32, #tpu.memory_space<vmem>> -> memref<128xi32, #tpu.memory_space<vmem>>
    %dma_wait3A_23 = arith.constant 0 : i32
    %dma_wait3A_24 = arith.constant 0 : i32
    %dma_wait3A_25 = tpu.memref_slice %arg17[%dma_wait3A_23, %dma_wait3A_24] : memref<10240x80xf32, #tpu.memory_space<vmem_shared>> -> memref<10240x80xf32, #tpu.memory_space<vmem_shared>>
    tpu.wait_indirect_dma semaphore(%arg19 : memref<!tpu.dma_semaphore, #tpu.memory_space<semaphore_mem>>) src(%arg16 : memref<128x80xf32, #tpu.memory_space<vmem>>) dst(%dma_wait3A_25 : memref<10240x80xf32, #tpu.memory_space<vmem_shared>>)
    %mul3A_26 = arith.constant 40 : i32
    %mul3A_27 = arith.muli %add3A, %mul3A_26 : i32
    "tpu.region"() ({
      %run_scoped3A = tpu.sem_alloc : memref<!tpu.dma_semaphore, #tpu.memory_space<semaphore_mem>>
      %dma_start3A_79 = arith.constant 0 : i32
      %dma_start3A_80 = tpu.memref_slice %arg7[%mul3A_27, %dma_start3A_79] : memref<1280x128xi32, #tpu.memory_space<hbm>> -> memref<40x128xi32, #tpu.memory_space<hbm>>
      %dma_start3A_81 = arith.constant 0 : i32
      %dma_start3A_82 = tpu.memref_slice %arg7[%mul3A_27, %dma_start3A_81] : memref<1280x128xi32, #tpu.memory_space<hbm>> -> memref<40x128xi32, #tpu.memory_space<hbm>>
      tpu.enqueue_dma source(%dma_start3A_82 : memref<40x128xi32, #tpu.memory_space<hbm>>) target(%arg13 : memref<40x128xi32, #tpu.memory_space<vmem>>) target_semaphore(%run_scoped3A : memref<!tpu.dma_semaphore, #tpu.memory_space<semaphore_mem>>)
      %dma_wait3A_83 = arith.constant 0 : i32
      %dma_wait3A_84 = tpu.memref_slice %arg7[%mul3A_27, %dma_wait3A_83] : memref<1280x128xi32, #tpu.memory_space<hbm>> -> memref<40x128xi32, #tpu.memory_space<hbm>>
      %dma_wait3A_85 = arith.constant 0 : i32
      %dma_wait3A_86 = tpu.memref_slice %arg7[%mul3A_27, %dma_wait3A_85] : memref<1280x128xi32, #tpu.memory_space<hbm>> -> memref<40x128xi32, #tpu.memory_space<hbm>>
      tpu.wait_dma2 semaphore(%run_scoped3A : memref<!tpu.dma_semaphore, #tpu.memory_space<semaphore_mem>>) src(%dma_wait3A_86 : memref<40x128xi32, #tpu.memory_space<hbm>>) dst(%arg13 : memref<40x128xi32, #tpu.memory_space<vmem>>)
      tpu.yield
    }) : () -> ()
    %mul3A_28 = arith.constant 40 : i32
    %mul3A_29 = arith.muli %add3A, %mul3A_28 : i32
    "tpu.region"() ({
      %run_scoped3A = tpu.sem_alloc : memref<!tpu.dma_semaphore, #tpu.memory_space<semaphore_mem>>
      %dma_start3A_79 = arith.constant 0 : i32
      %dma_start3A_80 = tpu.memref_slice %arg8[%mul3A_29, %dma_start3A_79] : memref<1280x128xi32, #tpu.memory_space<hbm>> -> memref<40x128xi32, #tpu.memory_space<hbm>>
      %dma_start3A_81 = arith.constant 0 : i32
      %dma_start3A_82 = tpu.memref_slice %arg8[%mul3A_29, %dma_start3A_81] : memref<1280x128xi32, #tpu.memory_space<hbm>> -> memref<40x128xi32, #tpu.memory_space<hbm>>
      tpu.enqueue_dma source(%dma_start3A_82 : memref<40x128xi32, #tpu.memory_space<hbm>>) target(%arg14 : memref<40x128xi32, #tpu.memory_space<vmem>>) target_semaphore(%run_scoped3A : memref<!tpu.dma_semaphore, #tpu.memory_space<semaphore_mem>>)
      %dma_wait3A_83 = arith.constant 0 : i32
      %dma_wait3A_84 = tpu.memref_slice %arg8[%mul3A_29, %dma_wait3A_83] : memref<1280x128xi32, #tpu.memory_space<hbm>> -> memref<40x128xi32, #tpu.memory_space<hbm>>
      %dma_wait3A_85 = arith.constant 0 : i32
      %dma_wait3A_86 = tpu.memref_slice %arg8[%mul3A_29, %dma_wait3A_85] : memref<1280x128xi32, #tpu.memory_space<hbm>> -> memref<40x128xi32, #tpu.memory_space<hbm>>
      tpu.wait_dma2 semaphore(%run_scoped3A : memref<!tpu.dma_semaphore, #tpu.memory_space<semaphore_mem>>) src(%dma_wait3A_86 : memref<40x128xi32, #tpu.memory_space<hbm>>) dst(%arg14 : memref<40x128xi32, #tpu.memory_space<vmem>>)
      tpu.yield
    }) : () -> ()
    %dma_start3A_30 = arith.constant 0 : i32
    %dma_start3A_31 = arith.constant 0 : i32
    %dma_start3A_32 = tpu.memref_slice %arg13[%dma_start3A_30, %dma_start3A_31] : memref<40x128xi32, #tpu.memory_space<vmem>> -> memref<1x128xi32, #tpu.memory_space<vmem>>
    %dma_start3A_33 = tpu.memref_squeeze %dma_start3A_32 : memref<1x128xi32, #tpu.memory_space<vmem>> -> memref<128xi32, #tpu.memory_space<vmem>>
    %dma_start3A_34 = arith.constant 0 : i32
    %dma_start3A_35 = arith.constant 0 : i32
    %dma_start3A_36 = tpu.memref_slice %arg3[%dma_start3A_34, %dma_start3A_35] : memref<10240x80xf32, #tpu.memory_space<hbm>> -> memref<10240x80xf32, #tpu.memory_space<hbm>>
    tpu.enqueue_indirect_dma source(%dma_start3A_36 : memref<10240x80xf32, #tpu.memory_space<hbm>>) target(%arg15 : memref<128x80xf32, #tpu.memory_space<vmem>>) offsets(%dma_start3A_33 : memref<128xi32, #tpu.memory_space<vmem>>) semaphore(%arg18 : memref<!tpu.dma_semaphore, #tpu.memory_space<semaphore_mem>>)
    %scan3A_37 = arith.constant 0 : i32
    %scan3A_38 = arith.constant 0 : i32
    %scan3A_39 = arith.constant 20 : i32
    %scan3A_40 = arith.addi %scan3A_38, %scan3A_39 : i32
    %scan3A_41 = arith.constant 1 : i32
    scf.for %scan3A_79 = %scan3A_38 to %scan3A_40 step %scan3A_41  : i32 {
      %mul3A_80 = arith.constant 2 : i32
      %mul3A_81 = arith.muli %mul3A_80, %scan3A_79 : i32
      %add3A_82 = arith.constant 1 : i32
      %add3A_83 = arith.addi %mul3A_81, %add3A_82 : i32
      %dma_wait3A_84 = arith.constant 0 : i32
      %dma_wait3A_85 = tpu.memref_slice %arg13[%mul3A_81, %dma_wait3A_84] : memref<40x128xi32, #tpu.memory_space<vmem>> -> memref<1x128xi32, #tpu.memory_space<vmem>>
      %dma_wait3A_86 = tpu.memref_squeeze %dma_wait3A_85 : memref<1x128xi32, #tpu.memory_space<vmem>> -> memref<128xi32, #tpu.memory_space<vmem>>
      %dma_wait3A_87 = arith.constant 0 : i32
      %dma_wait3A_88 = arith.constant 0 : i32
      %dma_wait3A_89 = tpu.memref_slice %arg3[%dma_wait3A_87, %dma_wait3A_88] : memref<10240x80xf32, #tpu.memory_space<hbm>> -> memref<10240x80xf32, #tpu.memory_space<hbm>>
      tpu.wait_indirect_dma semaphore(%arg18 : memref<!tpu.dma_semaphore, #tpu.memory_space<semaphore_mem>>) src(%dma_wait3A_89 : memref<10240x80xf32, #tpu.memory_space<hbm>>) dst(%arg15 : memref<128x80xf32, #tpu.memory_space<vmem>>)
      %gt3A = arith.constant 0 : i32
      %gt3A_90 = arith.cmpi sgt, %scan3A_79, %gt3A : i32
      %convert_element_type3A = arith.extui %gt3A_90 : i1 to i32
      %cond3A = arith.constant 0 : i32
      %cond3A_91 = arith.cmpi ne, %convert_element_type3A, %cond3A : i32
      scf.if %cond3A_91 {
        %sub3A = arith.constant 2 : i32
        %sub3A_126 = arith.subi %add3A_83, %sub3A : i32
        %dma_wait3A_127 = arith.constant 0 : i32
        %dma_wait3A_128 = tpu.memref_slice %arg14[%sub3A_126, %dma_wait3A_127] : memref<40x128xi32, #tpu.memory_space<vmem>> -> memref<1x128xi32, #tpu.memory_space<vmem>>
        %dma_wait3A_129 = tpu.memref_squeeze %dma_wait3A_128 : memref<1x128xi32, #tpu.memory_space<vmem>> -> memref<128xi32, #tpu.memory_space<vmem>>
        %dma_wait3A_130 = arith.constant 0 : i32
        %dma_wait3A_131 = arith.constant 0 : i32
        %dma_wait3A_132 = tpu.memref_slice %arg17[%dma_wait3A_130, %dma_wait3A_131] : memref<10240x80xf32, #tpu.memory_space<vmem_shared>> -> memref<10240x80xf32, #tpu.memory_space<vmem_shared>>
        tpu.wait_indirect_dma semaphore(%arg19 : memref<!tpu.dma_semaphore, #tpu.memory_space<semaphore_mem>>) src(%arg16 : memref<128x80xf32, #tpu.memory_space<vmem>>) dst(%dma_wait3A_132 : memref<10240x80xf32, #tpu.memory_space<vmem_shared>>)
      } else {
      }
      %dma_start3A_92 = arith.constant 0 : i32
      %dma_start3A_93 = tpu.memref_slice %arg13[%add3A_83, %dma_start3A_92] : memref<40x128xi32, #tpu.memory_space<vmem>> -> memref<1x128xi32, #tpu.memory_space<vmem>>
      %dma_start3A_94 = tpu.memref_squeeze %dma_start3A_93 : memref<1x128xi32, #tpu.memory_space<vmem>> -> memref<128xi32, #tpu.memory_space<vmem>>
      %dma_start3A_95 = arith.constant 0 : i32
      %dma_start3A_96 = arith.constant 0 : i32
      %dma_start3A_97 = tpu.memref_slice %arg3[%dma_start3A_95, %dma_start3A_96] : memref<10240x80xf32, #tpu.memory_space<hbm>> -> memref<10240x80xf32, #tpu.memory_space<hbm>>
      tpu.enqueue_indirect_dma source(%dma_start3A_97 : memref<10240x80xf32, #tpu.memory_space<hbm>>) target(%arg16 : memref<128x80xf32, #tpu.memory_space<vmem>>) offsets(%dma_start3A_94 : memref<128xi32, #tpu.memory_space<vmem>>) semaphore(%arg18 : memref<!tpu.dma_semaphore, #tpu.memory_space<semaphore_mem>>)
      %dma_start3A_98 = arith.constant 0 : i32
      %dma_start3A_99 = tpu.memref_slice %arg14[%mul3A_81, %dma_start3A_98] : memref<40x128xi32, #tpu.memory_space<vmem>> -> memref<1x128xi32, #tpu.memory_space<vmem>>
      %dma_start3A_100 = tpu.memref_squeeze %dma_start3A_99 : memref<1x128xi32, #tpu.memory_space<vmem>> -> memref<128xi32, #tpu.memory_space<vmem>>
      %dma_start3A_101 = arith.constant 0 : i32
      %dma_start3A_102 = arith.constant 0 : i32
      %dma_start3A_103 = tpu.memref_slice %arg17[%dma_start3A_101, %dma_start3A_102] : memref<10240x80xf32, #tpu.memory_space<vmem_shared>> -> memref<10240x80xf32, #tpu.memory_space<vmem_shared>>
      tpu.enqueue_indirect_dma source(%arg15 : memref<128x80xf32, #tpu.memory_space<vmem>>) target(%dma_start3A_103 : memref<10240x80xf32, #tpu.memory_space<vmem_shared>>) offsets(%dma_start3A_100 : memref<128xi32, #tpu.memory_space<vmem>>) semaphore(%arg19 : memref<!tpu.dma_semaphore, #tpu.memory_space<semaphore_mem>>) {add = true}
      %dma_wait3A_104 = arith.constant 0 : i32
      %dma_wait3A_105 = tpu.memref_slice %arg13[%add3A_83, %dma_wait3A_104] : memref<40x128xi32, #tpu.memory_space<vmem>> -> memref<1x128xi32, #tpu.memory_space<vmem>>
      %dma_wait3A_106 = tpu.memref_squeeze %dma_wait3A_105 : memref<1x128xi32, #tpu.memory_space<vmem>> -> memref<128xi32, #tpu.memory_space<vmem>>
      %dma_wait3A_107 = arith.constant 0 : i32
      %dma_wait3A_108 = arith.constant 0 : i32
      %dma_wait3A_109 = tpu.memref_slice %arg3[%dma_wait3A_107, %dma_wait3A_108] : memref<10240x80xf32, #tpu.memory_space<hbm>> -> memref<10240x80xf32, #tpu.memory_space<hbm>>
      tpu.wait_indirect_dma semaphore(%arg18 : memref<!tpu.dma_semaphore, #tpu.memory_space<semaphore_mem>>) src(%dma_wait3A_109 : memref<10240x80xf32, #tpu.memory_space<hbm>>) dst(%arg16 : memref<128x80xf32, #tpu.memory_space<vmem>>)
      %dma_wait3A_110 = arith.constant 0 : i32
      %dma_wait3A_111 = tpu.memref_slice %arg14[%mul3A_81, %dma_wait3A_110] : memref<40x128xi32, #tpu.memory_space<vmem>> -> memref<1x128xi32, #tpu.memory_space<vmem>>
      %dma_wait3A_112 = tpu.memref_squeeze %dma_wait3A_111 : memref<1x128xi32, #tpu.memory_space<vmem>> -> memref<128xi32, #tpu.memory_space<vmem>>
      %dma_wait3A_113 = arith.constant 0 : i32
      %dma_wait3A_114 = arith.constant 0 : i32
      %dma_wait3A_115 = tpu.memref_slice %arg17[%dma_wait3A_113, %dma_wait3A_114] : memref<10240x80xf32, #tpu.memory_space<vmem_shared>> -> memref<10240x80xf32, #tpu.memory_space<vmem_shared>>
      tpu.wait_indirect_dma semaphore(%arg19 : memref<!tpu.dma_semaphore, #tpu.memory_space<semaphore_mem>>) src(%arg15 : memref<128x80xf32, #tpu.memory_space<vmem>>) dst(%dma_wait3A_115 : memref<10240x80xf32, #tpu.memory_space<vmem_shared>>)
      %lt3A = arith.constant 19 : i32
      %lt3A_116 = arith.cmpi slt, %scan3A_79, %lt3A : i32
      %convert_element_type3A_117 = arith.extui %lt3A_116 : i1 to i32
      %cond3A_118 = arith.constant 0 : i32
      %cond3A_119 = arith.cmpi ne, %convert_element_type3A_117, %cond3A_118 : i32
      scf.if %cond3A_119 {
        %add3A_126 = arith.constant 2 : i32
        %add3A_127 = arith.addi %mul3A_81, %add3A_126 : i32
        %dma_start3A_128 = arith.constant 0 : i32
        %dma_start3A_129 = tpu.memref_slice %arg13[%add3A_127, %dma_start3A_128] : memref<40x128xi32, #tpu.memory_space<vmem>> -> memref<1x128xi32, #tpu.memory_space<vmem>>
        %dma_start3A_130 = tpu.memref_squeeze %dma_start3A_129 : memref<1x128xi32, #tpu.memory_space<vmem>> -> memref<128xi32, #tpu.memory_space<vmem>>
        %dma_start3A_131 = arith.constant 0 : i32
        %dma_start3A_132 = arith.constant 0 : i32
        %dma_start3A_133 = tpu.memref_slice %arg3[%dma_start3A_131, %dma_start3A_132] : memref<10240x80xf32, #tpu.memory_space<hbm>> -> memref<10240x80xf32, #tpu.memory_space<hbm>>
        tpu.enqueue_indirect_dma source(%dma_start3A_133 : memref<10240x80xf32, #tpu.memory_space<hbm>>) target(%arg15 : memref<128x80xf32, #tpu.memory_space<vmem>>) offsets(%dma_start3A_130 : memref<128xi32, #tpu.memory_space<vmem>>) semaphore(%arg18 : memref<!tpu.dma_semaphore, #tpu.memory_space<semaphore_mem>>)
      } else {
      }
      %dma_start3A_120 = arith.constant 0 : i32
      %dma_start3A_121 = tpu.memref_slice %arg14[%add3A_83, %dma_start3A_120] : memref<40x128xi32, #tpu.memory_space<vmem>> -> memref<1x128xi32, #tpu.memory_space<vmem>>
      %dma_start3A_122 = tpu.memref_squeeze %dma_start3A_121 : memref<1x128xi32, #tpu.memory_space<vmem>> -> memref<128xi32, #tpu.memory_space<vmem>>
      %dma_start3A_123 = arith.constant 0 : i32
      %dma_start3A_124 = arith.constant 0 : i32
      %dma_start3A_125 = tpu.memref_slice %arg17[%dma_start3A_123, %dma_start3A_124] : memref<10240x80xf32, #tpu.memory_space<vmem_shared>> -> memref<10240x80xf32, #tpu.memory_space<vmem_shared>>
      tpu.enqueue_indirect_dma source(%arg16 : memref<128x80xf32, #tpu.memory_space<vmem>>) target(%dma_start3A_125 : memref<10240x80xf32, #tpu.memory_space<vmem_shared>>) offsets(%dma_start3A_122 : memref<128xi32, #tpu.memory_space<vmem>>) semaphore(%arg19 : memref<!tpu.dma_semaphore, #tpu.memory_space<semaphore_mem>>) {add = true}
    }
    %scan3A_42 = arith.constant 20 : i32
    %dma_wait3A_43 = arith.constant 39 : i32
    %dma_wait3A_44 = arith.constant 0 : i32
    %dma_wait3A_45 = tpu.memref_slice %arg14[%dma_wait3A_43, %dma_wait3A_44] : memref<40x128xi32, #tpu.memory_space<vmem>> -> memref<1x128xi32, #tpu.memory_space<vmem>>
    %dma_wait3A_46 = tpu.memref_squeeze %dma_wait3A_45 : memref<1x128xi32, #tpu.memory_space<vmem>> -> memref<128xi32, #tpu.memory_space<vmem>>
    %dma_wait3A_47 = arith.constant 0 : i32
    %dma_wait3A_48 = arith.constant 0 : i32
    %dma_wait3A_49 = tpu.memref_slice %arg17[%dma_wait3A_47, %dma_wait3A_48] : memref<10240x80xf32, #tpu.memory_space<vmem_shared>> -> memref<10240x80xf32, #tpu.memory_space<vmem_shared>>
    tpu.wait_indirect_dma semaphore(%arg19 : memref<!tpu.dma_semaphore, #tpu.memory_space<semaphore_mem>>) src(%arg16 : memref<128x80xf32, #tpu.memory_space<vmem>>) dst(%dma_wait3A_49 : memref<10240x80xf32, #tpu.memory_space<vmem_shared>>)
    %mul3A_50 = arith.constant 40 : i32
    %mul3A_51 = arith.muli %add3A, %mul3A_50 : i32
    "tpu.region"() ({
      %run_scoped3A = tpu.sem_alloc : memref<!tpu.dma_semaphore, #tpu.memory_space<semaphore_mem>>
      %dma_start3A_79 = arith.constant 0 : i32
      %dma_start3A_80 = tpu.memref_slice %arg9[%mul3A_51, %dma_start3A_79] : memref<1280x128xi32, #tpu.memory_space<hbm>> -> memref<40x128xi32, #tpu.memory_space<hbm>>
      %dma_start3A_81 = arith.constant 0 : i32
      %dma_start3A_82 = tpu.memref_slice %arg9[%mul3A_51, %dma_start3A_81] : memref<1280x128xi32, #tpu.memory_space<hbm>> -> memref<40x128xi32, #tpu.memory_space<hbm>>
      tpu.enqueue_dma source(%dma_start3A_82 : memref<40x128xi32, #tpu.memory_space<hbm>>) target(%arg13 : memref<40x128xi32, #tpu.memory_space<vmem>>) target_semaphore(%run_scoped3A : memref<!tpu.dma_semaphore, #tpu.memory_space<semaphore_mem>>)
      %dma_wait3A_83 = arith.constant 0 : i32
      %dma_wait3A_84 = tpu.memref_slice %arg9[%mul3A_51, %dma_wait3A_83] : memref<1280x128xi32, #tpu.memory_space<hbm>> -> memref<40x128xi32, #tpu.memory_space<hbm>>
      %dma_wait3A_85 = arith.constant 0 : i32
      %dma_wait3A_86 = tpu.memref_slice %arg9[%mul3A_51, %dma_wait3A_85] : memref<1280x128xi32, #tpu.memory_space<hbm>> -> memref<40x128xi32, #tpu.memory_space<hbm>>
      tpu.wait_dma2 semaphore(%run_scoped3A : memref<!tpu.dma_semaphore, #tpu.memory_space<semaphore_mem>>) src(%dma_wait3A_86 : memref<40x128xi32, #tpu.memory_space<hbm>>) dst(%arg13 : memref<40x128xi32, #tpu.memory_space<vmem>>)
      tpu.yield
    }) : () -> ()
    %mul3A_52 = arith.constant 40 : i32
    %mul3A_53 = arith.muli %add3A, %mul3A_52 : i32
    "tpu.region"() ({
      %run_scoped3A = tpu.sem_alloc : memref<!tpu.dma_semaphore, #tpu.memory_space<semaphore_mem>>
      %dma_start3A_79 = arith.constant 0 : i32
      %dma_start3A_80 = tpu.memref_slice %arg10[%mul3A_53, %dma_start3A_79] : memref<1280x128xi32, #tpu.memory_space<hbm>> -> memref<40x128xi32, #tpu.memory_space<hbm>>
      %dma_start3A_81 = arith.constant 0 : i32
      %dma_start3A_82 = tpu.memref_slice %arg10[%mul3A_53, %dma_start3A_81] : memref<1280x128xi32, #tpu.memory_space<hbm>> -> memref<40x128xi32, #tpu.memory_space<hbm>>
      tpu.enqueue_dma source(%dma_start3A_82 : memref<40x128xi32, #tpu.memory_space<hbm>>) target(%arg14 : memref<40x128xi32, #tpu.memory_space<vmem>>) target_semaphore(%run_scoped3A : memref<!tpu.dma_semaphore, #tpu.memory_space<semaphore_mem>>)
      %dma_wait3A_83 = arith.constant 0 : i32
      %dma_wait3A_84 = tpu.memref_slice %arg10[%mul3A_53, %dma_wait3A_83] : memref<1280x128xi32, #tpu.memory_space<hbm>> -> memref<40x128xi32, #tpu.memory_space<hbm>>
      %dma_wait3A_85 = arith.constant 0 : i32
      %dma_wait3A_86 = tpu.memref_slice %arg10[%mul3A_53, %dma_wait3A_85] : memref<1280x128xi32, #tpu.memory_space<hbm>> -> memref<40x128xi32, #tpu.memory_space<hbm>>
      tpu.wait_dma2 semaphore(%run_scoped3A : memref<!tpu.dma_semaphore, #tpu.memory_space<semaphore_mem>>) src(%dma_wait3A_86 : memref<40x128xi32, #tpu.memory_space<hbm>>) dst(%arg14 : memref<40x128xi32, #tpu.memory_space<vmem>>)
      tpu.yield
    }) : () -> ()
    %dma_start3A_54 = arith.constant 0 : i32
    %dma_start3A_55 = arith.constant 0 : i32
    %dma_start3A_56 = tpu.memref_slice %arg13[%dma_start3A_54, %dma_start3A_55] : memref<40x128xi32, #tpu.memory_space<vmem>> -> memref<1x128xi32, #tpu.memory_space<vmem>>
    %dma_start3A_57 = tpu.memref_squeeze %dma_start3A_56 : memref<1x128xi32, #tpu.memory_space<vmem>> -> memref<128xi32, #tpu.memory_space<vmem>>
    %dma_start3A_58 = arith.constant 0 : i32
    %dma_start3A_59 = arith.constant 0 : i32
    %dma_start3A_60 = tpu.memref_slice %arg4[%dma_start3A_58, %dma_start3A_59] : memref<10240x80xf32, #tpu.memory_space<hbm>> -> memref<10240x80xf32, #tpu.memory_space<hbm>>
    tpu.enqueue_indirect_dma source(%dma_start3A_60 : memref<10240x80xf32, #tpu.memory_space<hbm>>) target(%arg15 : memref<128x80xf32, #tpu.memory_space<vmem>>) offsets(%dma_start3A_57 : memref<128xi32, #tpu.memory_space<vmem>>) semaphore(%arg18 : memref<!tpu.dma_semaphore, #tpu.memory_space<semaphore_mem>>)
    %scan3A_61 = arith.constant 0 : i32
    %scan3A_62 = arith.constant 0 : i32
    %scan3A_63 = arith.constant 20 : i32
    %scan3A_64 = arith.addi %scan3A_62, %scan3A_63 : i32
    %scan3A_65 = arith.constant 1 : i32
    scf.for %scan3A_79 = %scan3A_62 to %scan3A_64 step %scan3A_65  : i32 {
      %mul3A_80 = arith.constant 2 : i32
      %mul3A_81 = arith.muli %mul3A_80, %scan3A_79 : i32
      %add3A_82 = arith.constant 1 : i32
      %add3A_83 = arith.addi %mul3A_81, %add3A_82 : i32
      %dma_wait3A_84 = arith.constant 0 : i32
      %dma_wait3A_85 = tpu.memref_slice %arg13[%mul3A_81, %dma_wait3A_84] : memref<40x128xi32, #tpu.memory_space<vmem>> -> memref<1x128xi32, #tpu.memory_space<vmem>>
      %dma_wait3A_86 = tpu.memref_squeeze %dma_wait3A_85 : memref<1x128xi32, #tpu.memory_space<vmem>> -> memref<128xi32, #tpu.memory_space<vmem>>
      %dma_wait3A_87 = arith.constant 0 : i32
      %dma_wait3A_88 = arith.constant 0 : i32
      %dma_wait3A_89 = tpu.memref_slice %arg4[%dma_wait3A_87, %dma_wait3A_88] : memref<10240x80xf32, #tpu.memory_space<hbm>> -> memref<10240x80xf32, #tpu.memory_space<hbm>>
      tpu.wait_indirect_dma semaphore(%arg18 : memref<!tpu.dma_semaphore, #tpu.memory_space<semaphore_mem>>) src(%dma_wait3A_89 : memref<10240x80xf32, #tpu.memory_space<hbm>>) dst(%arg15 : memref<128x80xf32, #tpu.memory_space<vmem>>)
      %gt3A = arith.constant 0 : i32
      %gt3A_90 = arith.cmpi sgt, %scan3A_79, %gt3A : i32
      %convert_element_type3A = arith.extui %gt3A_90 : i1 to i32
      %cond3A = arith.constant 0 : i32
      %cond3A_91 = arith.cmpi ne, %convert_element_type3A, %cond3A : i32
      scf.if %cond3A_91 {
        %sub3A = arith.constant 2 : i32
        %sub3A_126 = arith.subi %add3A_83, %sub3A : i32
        %dma_wait3A_127 = arith.constant 0 : i32
        %dma_wait3A_128 = tpu.memref_slice %arg14[%sub3A_126, %dma_wait3A_127] : memref<40x128xi32, #tpu.memory_space<vmem>> -> memref<1x128xi32, #tpu.memory_space<vmem>>
        %dma_wait3A_129 = tpu.memref_squeeze %dma_wait3A_128 : memref<1x128xi32, #tpu.memory_space<vmem>> -> memref<128xi32, #tpu.memory_space<vmem>>
        %dma_wait3A_130 = arith.constant 0 : i32
        %dma_wait3A_131 = arith.constant 0 : i32
        %dma_wait3A_132 = tpu.memref_slice %arg17[%dma_wait3A_130, %dma_wait3A_131] : memref<10240x80xf32, #tpu.memory_space<vmem_shared>> -> memref<10240x80xf32, #tpu.memory_space<vmem_shared>>
        tpu.wait_indirect_dma semaphore(%arg19 : memref<!tpu.dma_semaphore, #tpu.memory_space<semaphore_mem>>) src(%arg16 : memref<128x80xf32, #tpu.memory_space<vmem>>) dst(%dma_wait3A_132 : memref<10240x80xf32, #tpu.memory_space<vmem_shared>>)
      } else {
      }
      %dma_start3A_92 = arith.constant 0 : i32
      %dma_start3A_93 = tpu.memref_slice %arg13[%add3A_83, %dma_start3A_92] : memref<40x128xi32, #tpu.memory_space<vmem>> -> memref<1x128xi32, #tpu.memory_space<vmem>>
      %dma_start3A_94 = tpu.memref_squeeze %dma_start3A_93 : memref<1x128xi32, #tpu.memory_space<vmem>> -> memref<128xi32, #tpu.memory_space<vmem>>
      %dma_start3A_95 = arith.constant 0 : i32
      %dma_start3A_96 = arith.constant 0 : i32
      %dma_start3A_97 = tpu.memref_slice %arg4[%dma_start3A_95, %dma_start3A_96] : memref<10240x80xf32, #tpu.memory_space<hbm>> -> memref<10240x80xf32, #tpu.memory_space<hbm>>
      tpu.enqueue_indirect_dma source(%dma_start3A_97 : memref<10240x80xf32, #tpu.memory_space<hbm>>) target(%arg16 : memref<128x80xf32, #tpu.memory_space<vmem>>) offsets(%dma_start3A_94 : memref<128xi32, #tpu.memory_space<vmem>>) semaphore(%arg18 : memref<!tpu.dma_semaphore, #tpu.memory_space<semaphore_mem>>)
      %dma_start3A_98 = arith.constant 0 : i32
      %dma_start3A_99 = tpu.memref_slice %arg14[%mul3A_81, %dma_start3A_98] : memref<40x128xi32, #tpu.memory_space<vmem>> -> memref<1x128xi32, #tpu.memory_space<vmem>>
      %dma_start3A_100 = tpu.memref_squeeze %dma_start3A_99 : memref<1x128xi32, #tpu.memory_space<vmem>> -> memref<128xi32, #tpu.memory_space<vmem>>
      %dma_start3A_101 = arith.constant 0 : i32
      %dma_start3A_102 = arith.constant 0 : i32
      %dma_start3A_103 = tpu.memref_slice %arg17[%dma_start3A_101, %dma_start3A_102] : memref<10240x80xf32, #tpu.memory_space<vmem_shared>> -> memref<10240x80xf32, #tpu.memory_space<vmem_shared>>
      tpu.enqueue_indirect_dma source(%arg15 : memref<128x80xf32, #tpu.memory_space<vmem>>) target(%dma_start3A_103 : memref<10240x80xf32, #tpu.memory_space<vmem_shared>>) offsets(%dma_start3A_100 : memref<128xi32, #tpu.memory_space<vmem>>) semaphore(%arg19 : memref<!tpu.dma_semaphore, #tpu.memory_space<semaphore_mem>>) {add = true}
      %dma_wait3A_104 = arith.constant 0 : i32
      %dma_wait3A_105 = tpu.memref_slice %arg13[%add3A_83, %dma_wait3A_104] : memref<40x128xi32, #tpu.memory_space<vmem>> -> memref<1x128xi32, #tpu.memory_space<vmem>>
      %dma_wait3A_106 = tpu.memref_squeeze %dma_wait3A_105 : memref<1x128xi32, #tpu.memory_space<vmem>> -> memref<128xi32, #tpu.memory_space<vmem>>
      %dma_wait3A_107 = arith.constant 0 : i32
      %dma_wait3A_108 = arith.constant 0 : i32
      %dma_wait3A_109 = tpu.memref_slice %arg4[%dma_wait3A_107, %dma_wait3A_108] : memref<10240x80xf32, #tpu.memory_space<hbm>> -> memref<10240x80xf32, #tpu.memory_space<hbm>>
      tpu.wait_indirect_dma semaphore(%arg18 : memref<!tpu.dma_semaphore, #tpu.memory_space<semaphore_mem>>) src(%dma_wait3A_109 : memref<10240x80xf32, #tpu.memory_space<hbm>>) dst(%arg16 : memref<128x80xf32, #tpu.memory_space<vmem>>)
      %dma_wait3A_110 = arith.constant 0 : i32
      %dma_wait3A_111 = tpu.memref_slice %arg14[%mul3A_81, %dma_wait3A_110] : memref<40x128xi32, #tpu.memory_space<vmem>> -> memref<1x128xi32, #tpu.memory_space<vmem>>
      %dma_wait3A_112 = tpu.memref_squeeze %dma_wait3A_111 : memref<1x128xi32, #tpu.memory_space<vmem>> -> memref<128xi32, #tpu.memory_space<vmem>>
      %dma_wait3A_113 = arith.constant 0 : i32
      %dma_wait3A_114 = arith.constant 0 : i32
      %dma_wait3A_115 = tpu.memref_slice %arg17[%dma_wait3A_113, %dma_wait3A_114] : memref<10240x80xf32, #tpu.memory_space<vmem_shared>> -> memref<10240x80xf32, #tpu.memory_space<vmem_shared>>
      tpu.wait_indirect_dma semaphore(%arg19 : memref<!tpu.dma_semaphore, #tpu.memory_space<semaphore_mem>>) src(%arg15 : memref<128x80xf32, #tpu.memory_space<vmem>>) dst(%dma_wait3A_115 : memref<10240x80xf32, #tpu.memory_space<vmem_shared>>)
      %lt3A = arith.constant 19 : i32
      %lt3A_116 = arith.cmpi slt, %scan3A_79, %lt3A : i32
      %convert_element_type3A_117 = arith.extui %lt3A_116 : i1 to i32
      %cond3A_118 = arith.constant 0 : i32
      %cond3A_119 = arith.cmpi ne, %convert_element_type3A_117, %cond3A_118 : i32
      scf.if %cond3A_119 {
        %add3A_126 = arith.constant 2 : i32
        %add3A_127 = arith.addi %mul3A_81, %add3A_126 : i32
        %dma_start3A_128 = arith.constant 0 : i32
        %dma_start3A_129 = tpu.memref_slice %arg13[%add3A_127, %dma_start3A_128] : memref<40x128xi32, #tpu.memory_space<vmem>> -> memref<1x128xi32, #tpu.memory_space<vmem>>
        %dma_start3A_130 = tpu.memref_squeeze %dma_start3A_129 : memref<1x128xi32, #tpu.memory_space<vmem>> -> memref<128xi32, #tpu.memory_space<vmem>>
        %dma_start3A_131 = arith.constant 0 : i32
        %dma_start3A_132 = arith.constant 0 : i32
        %dma_start3A_133 = tpu.memref_slice %arg4[%dma_start3A_131, %dma_start3A_132] : memref<10240x80xf32, #tpu.memory_space<hbm>> -> memref<10240x80xf32, #tpu.memory_space<hbm>>
        tpu.enqueue_indirect_dma source(%dma_start3A_133 : memref<10240x80xf32, #tpu.memory_space<hbm>>) target(%arg15 : memref<128x80xf32, #tpu.memory_space<vmem>>) offsets(%dma_start3A_130 : memref<128xi32, #tpu.memory_space<vmem>>) semaphore(%arg18 : memref<!tpu.dma_semaphore, #tpu.memory_space<semaphore_mem>>)
      } else {
      }
      %dma_start3A_120 = arith.constant 0 : i32
      %dma_start3A_121 = tpu.memref_slice %arg14[%add3A_83, %dma_start3A_120] : memref<40x128xi32, #tpu.memory_space<vmem>> -> memref<1x128xi32, #tpu.memory_space<vmem>>
      %dma_start3A_122 = tpu.memref_squeeze %dma_start3A_121 : memref<1x128xi32, #tpu.memory_space<vmem>> -> memref<128xi32, #tpu.memory_space<vmem>>
      %dma_start3A_123 = arith.constant 0 : i32
      %dma_start3A_124 = arith.constant 0 : i32
      %dma_start3A_125 = tpu.memref_slice %arg17[%dma_start3A_123, %dma_start3A_124] : memref<10240x80xf32, #tpu.memory_space<vmem_shared>> -> memref<10240x80xf32, #tpu.memory_space<vmem_shared>>
      tpu.enqueue_indirect_dma source(%arg16 : memref<128x80xf32, #tpu.memory_space<vmem>>) target(%dma_start3A_125 : memref<10240x80xf32, #tpu.memory_space<vmem_shared>>) offsets(%dma_start3A_122 : memref<128xi32, #tpu.memory_space<vmem>>) semaphore(%arg19 : memref<!tpu.dma_semaphore, #tpu.memory_space<semaphore_mem>>) {add = true}
    }
    %scan3A_66 = arith.constant 20 : i32
    %dma_wait3A_67 = arith.constant 39 : i32
    %dma_wait3A_68 = arith.constant 0 : i32
    %dma_wait3A_69 = tpu.memref_slice %arg14[%dma_wait3A_67, %dma_wait3A_68] : memref<40x128xi32, #tpu.memory_space<vmem>> -> memref<1x128xi32, #tpu.memory_space<vmem>>
    %dma_wait3A_70 = tpu.memref_squeeze %dma_wait3A_69 : memref<1x128xi32, #tpu.memory_space<vmem>> -> memref<128xi32, #tpu.memory_space<vmem>>
    %dma_wait3A_71 = arith.constant 0 : i32
    %dma_wait3A_72 = arith.constant 0 : i32
    %dma_wait3A_73 = tpu.memref_slice %arg17[%dma_wait3A_71, %dma_wait3A_72] : memref<10240x80xf32, #tpu.memory_space<vmem_shared>> -> memref<10240x80xf32, #tpu.memory_space<vmem_shared>>
    tpu.wait_indirect_dma semaphore(%arg19 : memref<!tpu.dma_semaphore, #tpu.memory_space<semaphore_mem>>) src(%arg16 : memref<128x80xf32, #tpu.memory_space<vmem>>) dst(%dma_wait3A_73 : memref<10240x80xf32, #tpu.memory_space<vmem_shared>>)
    %barrier3A_74 = arith.constant 0 : index
    tpu.barrier barrier_id(%barrier3A_74)
    %mul3A_75 = arith.constant 640 : i32
    %mul3A_76 = arith.muli %arg1, %mul3A_75 : i32
    %mul3A_77 = arith.constant 640 : i32
    %mul3A_78 = arith.muli %arg1, %mul3A_77 : i32
    "tpu.region"() ({
      %run_scoped3A = tpu.sem_alloc : memref<!tpu.dma_semaphore, #tpu.memory_space<semaphore_mem>>
      %dma_start3A_79 = arith.constant 0 : i32
      %dma_start3A_80 = tpu.memref_slice %arg12[%arg0, %mul3A_78, %dma_start3A_79] : memref<2x10240x80xf32, #tpu.memory_space<hbm>> -> memref<1x640x80xf32, #tpu.memory_space<hbm>>
      %dma_start3A_81 = tpu.memref_squeeze %dma_start3A_80 : memref<1x640x80xf32, #tpu.memory_space<hbm>> -> memref<640x80xf32, #tpu.memory_space<hbm>>
      %dma_start3A_82 = arith.constant 0 : i32
      %dma_start3A_83 = tpu.memref_slice %arg17[%mul3A_76, %dma_start3A_82] : memref<10240x80xf32, #tpu.memory_space<vmem_shared>> -> memref<640x80xf32, #tpu.memory_space<vmem_shared>>
      tpu.enqueue_dma source(%dma_start3A_83 : memref<640x80xf32, #tpu.memory_space<vmem_shared>>) target(%dma_start3A_81 : memref<640x80xf32, #tpu.memory_space<hbm>>) target_semaphore(%run_scoped3A : memref<!tpu.dma_semaphore, #tpu.memory_space<semaphore_mem>>)
      %dma_wait3A_84 = arith.constant 0 : i32
      %dma_wait3A_85 = tpu.memref_slice %arg12[%arg0, %mul3A_78, %dma_wait3A_84] : memref<2x10240x80xf32, #tpu.memory_space<hbm>> -> memref<1x640x80xf32, #tpu.memory_space<hbm>>
      %dma_wait3A_86 = tpu.memref_squeeze %dma_wait3A_85 : memref<1x640x80xf32, #tpu.memory_space<hbm>> -> memref<640x80xf32, #tpu.memory_space<hbm>>
      %dma_wait3A_87 = arith.constant 0 : i32
      %dma_wait3A_88 = tpu.memref_slice %arg17[%mul3A_76, %dma_wait3A_87] : memref<10240x80xf32, #tpu.memory_space<vmem_shared>> -> memref<640x80xf32, #tpu.memory_space<vmem_shared>>
      tpu.wait_dma2 semaphore(%run_scoped3A : memref<!tpu.dma_semaphore, #tpu.memory_space<semaphore_mem>>) src(%dma_wait3A_88 : memref<640x80xf32, #tpu.memory_space<vmem_shared>>) dst(%dma_wait3A_86 : memref<640x80xf32, #tpu.memory_space<hbm>>)
      tpu.yield
    }) : () -> ()
    return
  }
}

module attributes {stable_mosaic.version = 14 : i64} {
  func.func @_tc1_body(%arg0: i32, %arg1: memref<400x5x64xf32, #tpu.memory_space<vmem>>, %arg2: memref<400x5x64xf32, #tpu.memory_space<vmem>>, %arg3: memref<400x5x64xf32, #tpu.memory_space<vmem>>, %arg4: memref<3x320x80xf32, #tpu.memory_space<vmem>>, %arg5: memref<3x320x16xf32, #tpu.memory_space<vmem>>, %arg6: memref<3x16xf32, #tpu.memory_space<vmem>>, %arg7: memref<400x80xf32, #tpu.memory_space<vmem>>, %arg8: memref<400x80xf32, #tpu.memory_space<vmem>>, %arg9: memref<400x80xf32, #tpu.memory_space<vmem>>, %arg10: memref<400x16xf32, #tpu.memory_space<vmem>>, %arg11: memref<400x16xf32, #tpu.memory_space<vmem>>, %arg12: memref<400x16xf32, #tpu.memory_space<vmem>>) attributes {dimension_semantics = [#tpu.dimension_semantics<arbitrary>], iteration_bounds = array<i64: 25>, scalar_prefetch = 0 : i64, scratch_operands = 0 : i64, tpu.core_type = #tpu.core_type<tc>, window_params = [{transform_indices = @transform_0, window_bounds = array<i64: 400, 5, 64>}, {transform_indices = @transform_1, window_bounds = array<i64: 400, 5, 64>}, {transform_indices = @transform_2, window_bounds = array<i64: 400, 5, 64>}, {pipeline_mode = #tpu.pipeline_mode<synchronous>, transform_indices = @transform_3, window_bounds = array<i64: 3, 320, 80>}, {pipeline_mode = #tpu.pipeline_mode<synchronous>, transform_indices = @transform_4, window_bounds = array<i64: 3, 320, 16>}, {pipeline_mode = #tpu.pipeline_mode<synchronous>, transform_indices = @transform_5, window_bounds = array<i64: 3, 16>}, {transform_indices = @transform_6, window_bounds = array<i64: 400, 80>}, {transform_indices = @transform_7, window_bounds = array<i64: 400, 80>}, {transform_indices = @transform_8, window_bounds = array<i64: 400, 80>}, {transform_indices = @transform_9, window_bounds = array<i64: 400, 16>}, {transform_indices = @transform_10, window_bounds = array<i64: 400, 16>}, {transform_indices = @transform_11, window_bounds = array<i64: 400, 16>}]} {
    %get3A = arith.constant 0 : index
    %get3A_0 = arith.constant 0 : index
    %get3A_1 = arith.constant 0 : index
    %get3A_2 = vector.load %arg1[%get3A, %get3A_0, %get3A_1] : memref<400x5x64xf32, #tpu.memory_space<vmem>>, vector<400x1x64xf32>
    %get3A_3 = vector.shape_cast %get3A_2 : vector<400x1x64xf32> to vector<400x64xf32>
    %get3A_4 = arith.constant 0 : index
    %get3A_5 = arith.constant 1 : index
    %get3A_6 = arith.constant 0 : index
    %get3A_7 = vector.load %arg1[%get3A_4, %get3A_5, %get3A_6] : memref<400x5x64xf32, #tpu.memory_space<vmem>>, vector<400x1x64xf32>
    %get3A_8 = vector.shape_cast %get3A_7 : vector<400x1x64xf32> to vector<400x64xf32>
    %get3A_9 = arith.constant 0 : index
    %get3A_10 = arith.constant 2 : index
    %get3A_11 = arith.constant 0 : index
    %get3A_12 = vector.load %arg1[%get3A_9, %get3A_10, %get3A_11] : memref<400x5x64xf32, #tpu.memory_space<vmem>>, vector<400x1x64xf32>
    %get3A_13 = vector.shape_cast %get3A_12 : vector<400x1x64xf32> to vector<400x64xf32>
    %get3A_14 = arith.constant 0 : index
    %get3A_15 = arith.constant 3 : index
    %get3A_16 = arith.constant 0 : index
    %get3A_17 = vector.load %arg1[%get3A_14, %get3A_15, %get3A_16] : memref<400x5x64xf32, #tpu.memory_space<vmem>>, vector<400x1x64xf32>
    %get3A_18 = vector.shape_cast %get3A_17 : vector<400x1x64xf32> to vector<400x64xf32>
    %get3A_19 = arith.constant 0 : index
    %get3A_20 = arith.constant 4 : index
    %get3A_21 = arith.constant 0 : index
    %get3A_22 = vector.load %arg1[%get3A_19, %get3A_20, %get3A_21] : memref<400x5x64xf32, #tpu.memory_space<vmem>>, vector<400x1x64xf32>
    %get3A_23 = vector.shape_cast %get3A_22 : vector<400x1x64xf32> to vector<400x64xf32>
    %concatenate3A = tpu.concatenate %get3A_3, %get3A_8, %get3A_13, %get3A_18, %get3A_23 in 1 : vector<400x64xf32>, vector<400x64xf32>, vector<400x64xf32>, vector<400x64xf32>, vector<400x64xf32> -> vector<400x320xf32>
    %get3A_24 = arith.constant 0 : index
    %get3A_25 = arith.constant 0 : index
    %get3A_26 = arith.constant 0 : index
    %get3A_27 = vector.load %arg4[%get3A_24, %get3A_25, %get3A_26] : memref<3x320x80xf32, #tpu.memory_space<vmem>>, vector<1x320x80xf32>
    %get3A_28 = vector.shape_cast %get3A_27 : vector<1x320x80xf32> to vector<320x80xf32>
    %dot_general3A = arith.constant dense<0.000000e+00> : vector<400x80xf32>
    %dot_general3A_29 = tpu.matmul %concatenate3A, %get3A_28, %dot_general3A {dimension_numbers = #tpu.dot_dimension_numbers<[1], [0], [0], [1], [0, 0, 1, 1], [], []>, transpose_lhs_hint = false} : vector<400x320xf32>, vector<320x80xf32>, vector<400x80xf32> -> vector<400x80xf32>
    %swap3A = arith.constant 0 : index
    %swap3A_30 = arith.constant 0 : index
    %swap3A_31 = vector.load %arg7[%swap3A, %swap3A_30] : memref<400x80xf32, #tpu.memory_space<vmem>>, vector<400x80xf32>
    tpu.vector_store %arg7[%swap3A, %swap3A_30], %dot_general3A_29 {strides = array<i32>} : memref<400x80xf32, #tpu.memory_space<vmem>>, vector<400x80xf32>,
    %get3A_32 = arith.constant 0 : index
    %get3A_33 = arith.constant 0 : index
    %get3A_34 = arith.constant 0 : index
    %get3A_35 = vector.load %arg5[%get3A_32, %get3A_33, %get3A_34] : memref<3x320x16xf32, #tpu.memory_space<vmem>>, vector<1x320x16xf32>
    %get3A_36 = vector.shape_cast %get3A_35 : vector<1x320x16xf32> to vector<320x16xf32>
    %dot_general3A_37 = arith.constant dense<0.000000e+00> : vector<400x16xf32>
    %dot_general3A_38 = tpu.matmul %concatenate3A, %get3A_36, %dot_general3A_37 {dimension_numbers = #tpu.dot_dimension_numbers<[1], [0], [0], [1], [0, 0, 1, 1], [], []>, transpose_lhs_hint = false} : vector<400x320xf32>, vector<320x16xf32>, vector<400x16xf32> -> vector<400x16xf32>
    %get3A_39 = arith.constant 0 : index
    %get3A_40 = arith.constant 0 : index
    %get3A_41 = vector.load %arg6[%get3A_39, %get3A_40] : memref<3x16xf32, #tpu.memory_space<vmem>>, vector<1x16xf32>
    %get3A_42 = vector.shape_cast %get3A_41 : vector<1x16xf32> to vector<16xf32>
    %broadcast_in_dim3A = vector.shape_cast %get3A_42 : vector<16xf32> to vector<1x16xf32>
    %add3A = vector.broadcast %broadcast_in_dim3A : vector<1x16xf32> to vector<400x16xf32>
    %add3A_43 = arith.addf %dot_general3A_38, %add3A : vector<400x16xf32>
    %swap3A_44 = arith.constant 0 : index
    %swap3A_45 = arith.constant 0 : index
    %swap3A_46 = vector.load %arg10[%swap3A_44, %swap3A_45] : memref<400x16xf32, #tpu.memory_space<vmem>>, vector<400x16xf32>
    tpu.vector_store %arg10[%swap3A_44, %swap3A_45], %add3A_43 {strides = array<i32>} : memref<400x16xf32, #tpu.memory_space<vmem>>, vector<400x16xf32>,
    %get3A_47 = arith.constant 0 : index
    %get3A_48 = arith.constant 0 : index
    %get3A_49 = arith.constant 0 : index
    %get3A_50 = vector.load %arg2[%get3A_47, %get3A_48, %get3A_49] : memref<400x5x64xf32, #tpu.memory_space<vmem>>, vector<400x1x64xf32>
    %get3A_51 = vector.shape_cast %get3A_50 : vector<400x1x64xf32> to vector<400x64xf32>
    %get3A_52 = arith.constant 0 : index
    %get3A_53 = arith.constant 1 : index
    %get3A_54 = arith.constant 0 : index
    %get3A_55 = vector.load %arg2[%get3A_52, %get3A_53, %get3A_54] : memref<400x5x64xf32, #tpu.memory_space<vmem>>, vector<400x1x64xf32>
    %get3A_56 = vector.shape_cast %get3A_55 : vector<400x1x64xf32> to vector<400x64xf32>
    %get3A_57 = arith.constant 0 : index
    %get3A_58 = arith.constant 2 : index
    %get3A_59 = arith.constant 0 : index
    %get3A_60 = vector.load %arg2[%get3A_57, %get3A_58, %get3A_59] : memref<400x5x64xf32, #tpu.memory_space<vmem>>, vector<400x1x64xf32>
    %get3A_61 = vector.shape_cast %get3A_60 : vector<400x1x64xf32> to vector<400x64xf32>
    %get3A_62 = arith.constant 0 : index
    %get3A_63 = arith.constant 3 : index
    %get3A_64 = arith.constant 0 : index
    %get3A_65 = vector.load %arg2[%get3A_62, %get3A_63, %get3A_64] : memref<400x5x64xf32, #tpu.memory_space<vmem>>, vector<400x1x64xf32>
    %get3A_66 = vector.shape_cast %get3A_65 : vector<400x1x64xf32> to vector<400x64xf32>
    %get3A_67 = arith.constant 0 : index
    %get3A_68 = arith.constant 4 : index
    %get3A_69 = arith.constant 0 : index
    %get3A_70 = vector.load %arg2[%get3A_67, %get3A_68, %get3A_69] : memref<400x5x64xf32, #tpu.memory_space<vmem>>, vector<400x1x64xf32>
    %get3A_71 = vector.shape_cast %get3A_70 : vector<400x1x64xf32> to vector<400x64xf32>
    %concatenate3A_72 = tpu.concatenate %get3A_51, %get3A_56, %get3A_61, %get3A_66, %get3A_71 in 1 : vector<400x64xf32>, vector<400x64xf32>, vector<400x64xf32>, vector<400x64xf32>, vector<400x64xf32> -> vector<400x320xf32>
    %get3A_73 = arith.constant 1 : index
    %get3A_74 = arith.constant 0 : index
    %get3A_75 = arith.constant 0 : index
    %get3A_76 = vector.load %arg4[%get3A_73, %get3A_74, %get3A_75] : memref<3x320x80xf32, #tpu.memory_space<vmem>>, vector<1x320x80xf32>
    %get3A_77 = vector.shape_cast %get3A_76 : vector<1x320x80xf32> to vector<320x80xf32>
    %dot_general3A_78 = arith.constant dense<0.000000e+00> : vector<400x80xf32>
    %dot_general3A_79 = tpu.matmul %concatenate3A_72, %get3A_77, %dot_general3A_78 {dimension_numbers = #tpu.dot_dimension_numbers<[1], [0], [0], [1], [0, 0, 1, 1], [], []>, transpose_lhs_hint = false} : vector<400x320xf32>, vector<320x80xf32>, vector<400x80xf32> -> vector<400x80xf32>
    %swap3A_80 = arith.constant 0 : index
    %swap3A_81 = arith.constant 0 : index
    %swap3A_82 = vector.load %arg8[%swap3A_80, %swap3A_81] : memref<400x80xf32, #tpu.memory_space<vmem>>, vector<400x80xf32>
    tpu.vector_store %arg8[%swap3A_80, %swap3A_81], %dot_general3A_79 {strides = array<i32>} : memref<400x80xf32, #tpu.memory_space<vmem>>, vector<400x80xf32>,
    %get3A_83 = arith.constant 1 : index
    %get3A_84 = arith.constant 0 : index
    %get3A_85 = arith.constant 0 : index
    %get3A_86 = vector.load %arg5[%get3A_83, %get3A_84, %get3A_85] : memref<3x320x16xf32, #tpu.memory_space<vmem>>, vector<1x320x16xf32>
    %get3A_87 = vector.shape_cast %get3A_86 : vector<1x320x16xf32> to vector<320x16xf32>
    %dot_general3A_88 = arith.constant dense<0.000000e+00> : vector<400x16xf32>
    %dot_general3A_89 = tpu.matmul %concatenate3A_72, %get3A_87, %dot_general3A_88 {dimension_numbers = #tpu.dot_dimension_numbers<[1], [0], [0], [1], [0, 0, 1, 1], [], []>, transpose_lhs_hint = false} : vector<400x320xf32>, vector<320x16xf32>, vector<400x16xf32> -> vector<400x16xf32>
    %get3A_90 = arith.constant 1 : index
    %get3A_91 = arith.constant 0 : index
    %get3A_92 = vector.load %arg6[%get3A_90, %get3A_91] : memref<3x16xf32, #tpu.memory_space<vmem>>, vector<1x16xf32>
    %get3A_93 = vector.shape_cast %get3A_92 : vector<1x16xf32> to vector<16xf32>
    %broadcast_in_dim3A_94 = vector.shape_cast %get3A_93 : vector<16xf32> to vector<1x16xf32>
    %add3A_95 = vector.broadcast %broadcast_in_dim3A_94 : vector<1x16xf32> to vector<400x16xf32>
    %add3A_96 = arith.addf %dot_general3A_89, %add3A_95 : vector<400x16xf32>
    %swap3A_97 = arith.constant 0 : index
    %swap3A_98 = arith.constant 0 : index
    %swap3A_99 = vector.load %arg11[%swap3A_97, %swap3A_98] : memref<400x16xf32, #tpu.memory_space<vmem>>, vector<400x16xf32>
    tpu.vector_store %arg11[%swap3A_97, %swap3A_98], %add3A_96 {strides = array<i32>} : memref<400x16xf32, #tpu.memory_space<vmem>>, vector<400x16xf32>,
    %get3A_100 = arith.constant 0 : index
    %get3A_101 = arith.constant 0 : index
    %get3A_102 = arith.constant 0 : index
    %get3A_103 = vector.load %arg3[%get3A_100, %get3A_101, %get3A_102] : memref<400x5x64xf32, #tpu.memory_space<vmem>>, vector<400x1x64xf32>
    %get3A_104 = vector.shape_cast %get3A_103 : vector<400x1x64xf32> to vector<400x64xf32>
    %get3A_105 = arith.constant 0 : index
    %get3A_106 = arith.constant 1 : index
    %get3A_107 = arith.constant 0 : index
    %get3A_108 = vector.load %arg3[%get3A_105, %get3A_106, %get3A_107] : memref<400x5x64xf32, #tpu.memory_space<vmem>>, vector<400x1x64xf32>
    %get3A_109 = vector.shape_cast %get3A_108 : vector<400x1x64xf32> to vector<400x64xf32>
    %get3A_110 = arith.constant 0 : index
    %get3A_111 = arith.constant 2 : index
    %get3A_112 = arith.constant 0 : index
    %get3A_113 = vector.load %arg3[%get3A_110, %get3A_111, %get3A_112] : memref<400x5x64xf32, #tpu.memory_space<vmem>>, vector<400x1x64xf32>
    %get3A_114 = vector.shape_cast %get3A_113 : vector<400x1x64xf32> to vector<400x64xf32>
    %get3A_115 = arith.constant 0 : index
    %get3A_116 = arith.constant 3 : index
    %get3A_117 = arith.constant 0 : index
    %get3A_118 = vector.load %arg3[%get3A_115, %get3A_116, %get3A_117] : memref<400x5x64xf32, #tpu.memory_space<vmem>>, vector<400x1x64xf32>
    %get3A_119 = vector.shape_cast %get3A_118 : vector<400x1x64xf32> to vector<400x64xf32>
    %get3A_120 = arith.constant 0 : index
    %get3A_121 = arith.constant 4 : index
    %get3A_122 = arith.constant 0 : index
    %get3A_123 = vector.load %arg3[%get3A_120, %get3A_121, %get3A_122] : memref<400x5x64xf32, #tpu.memory_space<vmem>>, vector<400x1x64xf32>
    %get3A_124 = vector.shape_cast %get3A_123 : vector<400x1x64xf32> to vector<400x64xf32>
    %concatenate3A_125 = tpu.concatenate %get3A_104, %get3A_109, %get3A_114, %get3A_119, %get3A_124 in 1 : vector<400x64xf32>, vector<400x64xf32>, vector<400x64xf32>, vector<400x64xf32>, vector<400x64xf32> -> vector<400x320xf32>
    %get3A_126 = arith.constant 2 : index
    %get3A_127 = arith.constant 0 : index
    %get3A_128 = arith.constant 0 : index
    %get3A_129 = vector.load %arg4[%get3A_126, %get3A_127, %get3A_128] : memref<3x320x80xf32, #tpu.memory_space<vmem>>, vector<1x320x80xf32>
    %get3A_130 = vector.shape_cast %get3A_129 : vector<1x320x80xf32> to vector<320x80xf32>
    %dot_general3A_131 = arith.constant dense<0.000000e+00> : vector<400x80xf32>
    %dot_general3A_132 = tpu.matmul %concatenate3A_125, %get3A_130, %dot_general3A_131 {dimension_numbers = #tpu.dot_dimension_numbers<[1], [0], [0], [1], [0, 0, 1, 1], [], []>, transpose_lhs_hint = false} : vector<400x320xf32>, vector<320x80xf32>, vector<400x80xf32> -> vector<400x80xf32>
    %swap3A_133 = arith.constant 0 : index
    %swap3A_134 = arith.constant 0 : index
    %swap3A_135 = vector.load %arg9[%swap3A_133, %swap3A_134] : memref<400x80xf32, #tpu.memory_space<vmem>>, vector<400x80xf32>
    tpu.vector_store %arg9[%swap3A_133, %swap3A_134], %dot_general3A_132 {strides = array<i32>} : memref<400x80xf32, #tpu.memory_space<vmem>>, vector<400x80xf32>,
    %get3A_136 = arith.constant 2 : index
    %get3A_137 = arith.constant 0 : index
    %get3A_138 = arith.constant 0 : index
    %get3A_139 = vector.load %arg5[%get3A_136, %get3A_137, %get3A_138] : memref<3x320x16xf32, #tpu.memory_space<vmem>>, vector<1x320x16xf32>
    %get3A_140 = vector.shape_cast %get3A_139 : vector<1x320x16xf32> to vector<320x16xf32>
    %dot_general3A_141 = arith.constant dense<0.000000e+00> : vector<400x16xf32>
    %dot_general3A_142 = tpu.matmul %concatenate3A_125, %get3A_140, %dot_general3A_141 {dimension_numbers = #tpu.dot_dimension_numbers<[1], [0], [0], [1], [0, 0, 1, 1], [], []>, transpose_lhs_hint = false} : vector<400x320xf32>, vector<320x16xf32>, vector<400x16xf32> -> vector<400x16xf32>
    %get3A_143 = arith.constant 2 : index
    %get3A_144 = arith.constant 0 : index
    %get3A_145 = vector.load %arg6[%get3A_143, %get3A_144] : memref<3x16xf32, #tpu.memory_space<vmem>>, vector<1x16xf32>
    %get3A_146 = vector.shape_cast %get3A_145 : vector<1x16xf32> to vector<16xf32>
    %broadcast_in_dim3A_147 = vector.shape_cast %get3A_146 : vector<16xf32> to vector<1x16xf32>
    %add3A_148 = vector.broadcast %broadcast_in_dim3A_147 : vector<1x16xf32> to vector<400x16xf32>
    %add3A_149 = arith.addf %dot_general3A_142, %add3A_148 : vector<400x16xf32>
    %swap3A_150 = arith.constant 0 : index
    %swap3A_151 = arith.constant 0 : index
    %swap3A_152 = vector.load %arg12[%swap3A_150, %swap3A_151] : memref<400x16xf32, #tpu.memory_space<vmem>>, vector<400x16xf32>
    tpu.vector_store %arg12[%swap3A_150, %swap3A_151], %add3A_149 {strides = array<i32>} : memref<400x16xf32, #tpu.memory_space<vmem>>, vector<400x16xf32>,
    return
  }
  func.func @transform_0(%arg0: i32) -> (i32, i32, i32) {
    %c0_i32 = arith.constant 0 : i32
    %c0_i32_0 = arith.constant 0 : i32
    %c0_i32_1 = arith.constant 0 : i32
    return %arg0, %c0_i32, %c0_i32_0 : i32, i32, i32
  }
  func.func @transform_1(%arg0: i32) -> (i32, i32, i32) {
    %c0_i32 = arith.constant 0 : i32
    %c0_i32_0 = arith.constant 0 : i32
    %c0_i32_1 = arith.constant 0 : i32
    return %arg0, %c0_i32, %c0_i32_0 : i32, i32, i32
  }
  func.func @transform_2(%arg0: i32) -> (i32, i32, i32) {
    %c0_i32 = arith.constant 0 : i32
    %c0_i32_0 = arith.constant 0 : i32
    %c0_i32_1 = arith.constant 0 : i32
    return %arg0, %c0_i32, %c0_i32_0 : i32, i32, i32
  }
  func.func @transform_3(%arg0: i32) -> (i32, i32, i32) {
    %c0_i32 = arith.constant 0 : i32
    %c0_i32_0 = arith.constant 0 : i32
    %c0_i32_1 = arith.constant 0 : i32
    %c0_i32_2 = arith.constant 0 : i32
    return %c0_i32, %c0_i32_0, %c0_i32_1 : i32, i32, i32
  }
  func.func @transform_4(%arg0: i32) -> (i32, i32, i32) {
    %c0_i32 = arith.constant 0 : i32
    %c0_i32_0 = arith.constant 0 : i32
    %c0_i32_1 = arith.constant 0 : i32
    %c0_i32_2 = arith.constant 0 : i32
    return %c0_i32, %c0_i32_0, %c0_i32_1 : i32, i32, i32
  }
  func.func @transform_5(%arg0: i32) -> (i32, i32) {
    %c0_i32 = arith.constant 0 : i32
    %c0_i32_0 = arith.constant 0 : i32
    %c0_i32_1 = arith.constant 0 : i32
    return %c0_i32, %c0_i32_0 : i32, i32
  }
  func.func @transform_6(%arg0: i32) -> (i32, i32) {
    %c0_i32 = arith.constant 0 : i32
    %c0_i32_0 = arith.constant 0 : i32
    return %arg0, %c0_i32 : i32, i32
  }
  func.func @transform_7(%arg0: i32) -> (i32, i32) {
    %c0_i32 = arith.constant 0 : i32
    %c0_i32_0 = arith.constant 0 : i32
    return %arg0, %c0_i32 : i32, i32
  }
  func.func @transform_8(%arg0: i32) -> (i32, i32) {
    %c0_i32 = arith.constant 0 : i32
    %c0_i32_0 = arith.constant 0 : i32
    return %arg0, %c0_i32 : i32, i32
  }
  func.func @transform_9(%arg0: i32) -> (i32, i32) {
    %c0_i32 = arith.constant 0 : i32
    %c0_i32_0 = arith.constant 0 : i32
    return %arg0, %c0_i32 : i32, i32
  }
  func.func @transform_10(%arg0: i32) -> (i32, i32) {
    %c0_i32 = arith.constant 0 : i32
    %c0_i32_0 = arith.constant 0 : i32
    return %arg0, %c0_i32 : i32, i32
  }
  func.func @transform_11(%arg0: i32) -> (i32, i32) {
    %c0_i32 = arith.constant 0 : i32
    %c0_i32_0 = arith.constant 0 : i32
    return %arg0, %c0_i32 : i32, i32
  }
}

module attributes {stable_mosaic.version = 14 : i64} {
  func.func @_tc2_body(%arg0: i32, %arg1: memref<2x512x80xf32, #tpu.memory_space<vmem>>, %arg2: memref<1x80xf32, #tpu.memory_space<vmem>>, %arg3: memref<1x80xf32, #tpu.memory_space<vmem>>, %arg4: memref<80x80xf32, #tpu.memory_space<vmem>>, %arg5: memref<3x80x16xf32, #tpu.memory_space<vmem>>, %arg6: memref<512x96xf32, #tpu.memory_space<vmem>>, %arg7: memref<512x96xf32, #tpu.memory_space<vmem>>, %arg8: memref<512x96xf32, #tpu.memory_space<vmem>>) attributes {dimension_semantics = [#tpu.dimension_semantics<arbitrary>], iteration_bounds = array<i64: 20>, scalar_prefetch = 0 : i64, scratch_operands = 0 : i64, tpu.core_type = #tpu.core_type<tc>, window_params = [{transform_indices = @transform_0, window_bounds = array<i64: 2, 512, 80>}, {pipeline_mode = #tpu.pipeline_mode<synchronous>, transform_indices = @transform_1, window_bounds = array<i64: 1, 80>}, {pipeline_mode = #tpu.pipeline_mode<synchronous>, transform_indices = @transform_2, window_bounds = array<i64: 1, 80>}, {pipeline_mode = #tpu.pipeline_mode<synchronous>, transform_indices = @transform_3, window_bounds = array<i64: 80, 80>}, {pipeline_mode = #tpu.pipeline_mode<synchronous>, transform_indices = @transform_4, window_bounds = array<i64: 3, 80, 16>}, {transform_indices = @transform_5, window_bounds = array<i64: 512, 96>}, {transform_indices = @transform_6, window_bounds = array<i64: 512, 96>}, {transform_indices = @transform_7, window_bounds = array<i64: 512, 96>}]} {
    %get3A = arith.constant 0 : index
    %get3A_0 = arith.constant 0 : index
    %get3A_1 = arith.constant 0 : index
    %get3A_2 = vector.load %arg1[%get3A, %get3A_0, %get3A_1] : memref<2x512x80xf32, #tpu.memory_space<vmem>>, vector<1x512x80xf32>
    %get3A_3 = vector.shape_cast %get3A_2 : vector<1x512x80xf32> to vector<512x80xf32>
    %get3A_4 = arith.constant 1 : index
    %get3A_5 = arith.constant 0 : index
    %get3A_6 = arith.constant 0 : index
    %get3A_7 = vector.load %arg1[%get3A_4, %get3A_5, %get3A_6] : memref<2x512x80xf32, #tpu.memory_space<vmem>>, vector<1x512x80xf32>
    %get3A_8 = vector.shape_cast %get3A_7 : vector<1x512x80xf32> to vector<512x80xf32>
    %add3A = arith.addf %get3A_3, %get3A_8 : vector<512x80xf32>
    %get3A_9 = arith.constant 0 : index
    %get3A_10 = arith.constant 0 : index
    %get3A_11 = vector.load %arg2[%get3A_9, %get3A_10] : memref<1x80xf32, #tpu.memory_space<vmem>>, vector<1x80xf32>
    %add3A_12 = vector.broadcast %get3A_11 : vector<1x80xf32> to vector<512x80xf32>
    %add3A_13 = arith.addf %add3A, %add3A_12 : vector<512x80xf32>
    %tanh3A = math.tanh %add3A_13 : vector<512x80xf32>
    %get3A_14 = arith.constant 0 : index
    %get3A_15 = arith.constant 0 : index
    %get3A_16 = vector.load %arg4[%get3A_14, %get3A_15] : memref<80x80xf32, #tpu.memory_space<vmem>>, vector<80x80xf32>
    %dot_general3A = arith.constant dense<0.000000e+00> : vector<512x80xf32>
    %dot_general3A_17 = tpu.matmul %tanh3A, %get3A_16, %dot_general3A {dimension_numbers = #tpu.dot_dimension_numbers<[1], [0], [0], [1], [0, 0, 1, 1], [], []>, transpose_lhs_hint = false} : vector<512x80xf32>, vector<80x80xf32>, vector<512x80xf32> -> vector<512x80xf32>
    %get3A_18 = arith.constant 0 : index
    %get3A_19 = arith.constant 0 : index
    %get3A_20 = vector.load %arg3[%get3A_18, %get3A_19] : memref<1x80xf32, #tpu.memory_space<vmem>>, vector<1x80xf32>
    %add3A_21 = vector.broadcast %get3A_20 : vector<1x80xf32> to vector<512x80xf32>
    %add3A_22 = arith.addf %dot_general3A_17, %add3A_21 : vector<512x80xf32>
    %tanh3A_23 = math.tanh %add3A_22 : vector<512x80xf32>
    %get3A_24 = arith.constant 0 : index
    %get3A_25 = arith.constant 0 : index
    %get3A_26 = arith.constant 0 : index
    %get3A_27 = vector.load %arg5[%get3A_24, %get3A_25, %get3A_26] : memref<3x80x16xf32, #tpu.memory_space<vmem>>, vector<1x80x16xf32>
    %get3A_28 = vector.shape_cast %get3A_27 : vector<1x80x16xf32> to vector<80x16xf32>
    %dot_general3A_29 = arith.constant dense<0.000000e+00> : vector<512x16xf32>
    %dot_general3A_30 = tpu.matmul %tanh3A_23, %get3A_28, %dot_general3A_29 {dimension_numbers = #tpu.dot_dimension_numbers<[1], [0], [0], [1], [0, 0, 1, 1], [], []>, transpose_lhs_hint = false} : vector<512x80xf32>, vector<80x16xf32>, vector<512x16xf32> -> vector<512x16xf32>
    %concatenate3A = tpu.concatenate %tanh3A_23, %dot_general3A_30 in 1 : vector<512x80xf32>, vector<512x16xf32> -> vector<512x96xf32>
    %swap3A = arith.constant 0 : index
    %swap3A_31 = arith.constant 0 : index
    %swap3A_32 = vector.load %arg6[%swap3A, %swap3A_31] : memref<512x96xf32, #tpu.memory_space<vmem>>, vector<512x96xf32>
    tpu.vector_store %arg6[%swap3A, %swap3A_31], %concatenate3A {strides = array<i32>} : memref<512x96xf32, #tpu.memory_space<vmem>>, vector<512x96xf32>,
    %get3A_33 = arith.constant 1 : index
    %get3A_34 = arith.constant 0 : index
    %get3A_35 = arith.constant 0 : index
    %get3A_36 = vector.load %arg5[%get3A_33, %get3A_34, %get3A_35] : memref<3x80x16xf32, #tpu.memory_space<vmem>>, vector<1x80x16xf32>
    %get3A_37 = vector.shape_cast %get3A_36 : vector<1x80x16xf32> to vector<80x16xf32>
    %dot_general3A_38 = arith.constant dense<0.000000e+00> : vector<512x16xf32>
    %dot_general3A_39 = tpu.matmul %tanh3A_23, %get3A_37, %dot_general3A_38 {dimension_numbers = #tpu.dot_dimension_numbers<[1], [0], [0], [1], [0, 0, 1, 1], [], []>, transpose_lhs_hint = false} : vector<512x80xf32>, vector<80x16xf32>, vector<512x16xf32> -> vector<512x16xf32>
    %concatenate3A_40 = tpu.concatenate %tanh3A_23, %dot_general3A_39 in 1 : vector<512x80xf32>, vector<512x16xf32> -> vector<512x96xf32>
    %swap3A_41 = arith.constant 0 : index
    %swap3A_42 = arith.constant 0 : index
    %swap3A_43 = vector.load %arg7[%swap3A_41, %swap3A_42] : memref<512x96xf32, #tpu.memory_space<vmem>>, vector<512x96xf32>
    tpu.vector_store %arg7[%swap3A_41, %swap3A_42], %concatenate3A_40 {strides = array<i32>} : memref<512x96xf32, #tpu.memory_space<vmem>>, vector<512x96xf32>,
    %get3A_44 = arith.constant 2 : index
    %get3A_45 = arith.constant 0 : index
    %get3A_46 = arith.constant 0 : index
    %get3A_47 = vector.load %arg5[%get3A_44, %get3A_45, %get3A_46] : memref<3x80x16xf32, #tpu.memory_space<vmem>>, vector<1x80x16xf32>
    %get3A_48 = vector.shape_cast %get3A_47 : vector<1x80x16xf32> to vector<80x16xf32>
    %dot_general3A_49 = arith.constant dense<0.000000e+00> : vector<512x16xf32>
    %dot_general3A_50 = tpu.matmul %tanh3A_23, %get3A_48, %dot_general3A_49 {dimension_numbers = #tpu.dot_dimension_numbers<[1], [0], [0], [1], [0, 0, 1, 1], [], []>, transpose_lhs_hint = false} : vector<512x80xf32>, vector<80x16xf32>, vector<512x16xf32> -> vector<512x16xf32>
    %concatenate3A_51 = tpu.concatenate %tanh3A_23, %dot_general3A_50 in 1 : vector<512x80xf32>, vector<512x16xf32> -> vector<512x96xf32>
    %swap3A_52 = arith.constant 0 : index
    %swap3A_53 = arith.constant 0 : index
    %swap3A_54 = vector.load %arg8[%swap3A_52, %swap3A_53] : memref<512x96xf32, #tpu.memory_space<vmem>>, vector<512x96xf32>
    tpu.vector_store %arg8[%swap3A_52, %swap3A_53], %concatenate3A_51 {strides = array<i32>} : memref<512x96xf32, #tpu.memory_space<vmem>>, vector<512x96xf32>,
    return
  }
  func.func @transform_0(%arg0: i32) -> (i32, i32, i32) {
    %c0_i32 = arith.constant 0 : i32
    %c0_i32_0 = arith.constant 0 : i32
    %c0_i32_1 = arith.constant 0 : i32
    return %c0_i32, %arg0, %c0_i32_0 : i32, i32, i32
  }
  func.func @transform_1(%arg0: i32) -> (i32, i32) {
    %c0_i32 = arith.constant 0 : i32
    %c0_i32_0 = arith.constant 0 : i32
    %c0_i32_1 = arith.constant 0 : i32
    return %c0_i32, %c0_i32_0 : i32, i32
  }
  func.func @transform_2(%arg0: i32) -> (i32, i32) {
    %c0_i32 = arith.constant 0 : i32
    %c0_i32_0 = arith.constant 0 : i32
    %c0_i32_1 = arith.constant 0 : i32
    return %c0_i32, %c0_i32_0 : i32, i32
  }
  func.func @transform_3(%arg0: i32) -> (i32, i32) {
    %c0_i32 = arith.constant 0 : i32
    %c0_i32_0 = arith.constant 0 : i32
    %c0_i32_1 = arith.constant 0 : i32
    return %c0_i32, %c0_i32_0 : i32, i32
  }
  func.func @transform_4(%arg0: i32) -> (i32, i32, i32) {
    %c0_i32 = arith.constant 0 : i32
    %c0_i32_0 = arith.constant 0 : i32
    %c0_i32_1 = arith.constant 0 : i32
    %c0_i32_2 = arith.constant 0 : i32
    return %c0_i32, %c0_i32_0, %c0_i32_1 : i32, i32, i32
  }
  func.func @transform_5(%arg0: i32) -> (i32, i32) {
    %c0_i32 = arith.constant 0 : i32
    %c0_i32_0 = arith.constant 0 : i32
    return %arg0, %c0_i32 : i32, i32
  }
  func.func @transform_6(%arg0: i32) -> (i32, i32) {
    %c0_i32 = arith.constant 0 : i32
    %c0_i32_0 = arith.constant 0 : i32
    return %arg0, %c0_i32 : i32, i32
  }
  func.func @transform_7(%arg0: i32) -> (i32, i32) {
    %c0_i32 = arith.constant 0 : i32
    %c0_i32_0 = arith.constant 0 : i32
    return %arg0, %c0_i32 : i32, i32
  }
}

module attributes {stable_mosaic.version = 14 : i64} {
  func.func @_tc3_body(%arg0: i32, %arg1: memref<400x5x64xf32, #tpu.memory_space<vmem>>, %arg2: memref<400x5x64xf32, #tpu.memory_space<vmem>>, %arg3: memref<400x5x64xf32, #tpu.memory_space<vmem>>, %arg4: memref<3x2x400x96xf32, #tpu.memory_space<vmem>>, %arg5: memref<3x400x320xf32, #tpu.memory_space<vmem>>, %arg6: memref<3x1x320xf32, #tpu.memory_space<vmem>>, %arg7: memref<3x320x320xf32, #tpu.memory_space<vmem>>, %arg8: memref<3x1x320xf32, #tpu.memory_space<vmem>>, %arg9: memref<400x320xf32, #tpu.memory_space<vmem>>, %arg10: memref<400x320xf32, #tpu.memory_space<vmem>>, %arg11: memref<400x320xf32, #tpu.memory_space<vmem>>) attributes {dimension_semantics = [#tpu.dimension_semantics<arbitrary>], iteration_bounds = array<i64: 25>, scalar_prefetch = 0 : i64, scratch_operands = 0 : i64, tpu.core_type = #tpu.core_type<tc>, window_params = [{transform_indices = @transform_0, window_bounds = array<i64: 400, 5, 64>}, {transform_indices = @transform_1, window_bounds = array<i64: 400, 5, 64>}, {transform_indices = @transform_2, window_bounds = array<i64: 400, 5, 64>}, {transform_indices = @transform_3, window_bounds = array<i64: 3, 2, 400, 96>}, {pipeline_mode = #tpu.pipeline_mode<synchronous>, transform_indices = @transform_4, window_bounds = array<i64: 3, 400, 320>}, {pipeline_mode = #tpu.pipeline_mode<synchronous>, transform_indices = @transform_5, window_bounds = array<i64: 3, 1, 320>}, {pipeline_mode = #tpu.pipeline_mode<synchronous>, transform_indices = @transform_6, window_bounds = array<i64: 3, 320, 320>}, {pipeline_mode = #tpu.pipeline_mode<synchronous>, transform_indices = @transform_7, window_bounds = array<i64: 3, 1, 320>}, {transform_indices = @transform_8, window_bounds = array<i64: 400, 320>}, {transform_indices = @transform_9, window_bounds = array<i64: 400, 320>}, {transform_indices = @transform_10, window_bounds = array<i64: 400, 320>}]} {
    %get3A = arith.constant 0 : index
    %get3A_0 = arith.constant 0 : index
    %get3A_1 = arith.constant 0 : index
    %get3A_2 = arith.constant 0 : index
    %get3A_3 = vector.load %arg4[%get3A, %get3A_0, %get3A_1, %get3A_2] : memref<3x2x400x96xf32, #tpu.memory_space<vmem>>, vector<1x1x400x80xf32>
    %get3A_4 = vector.shape_cast %get3A_3 : vector<1x1x400x80xf32> to vector<400x80xf32>
    %get3A_5 = arith.constant 0 : index
    %get3A_6 = arith.constant 1 : index
    %get3A_7 = arith.constant 0 : index
    %get3A_8 = arith.constant 0 : index
    %get3A_9 = vector.load %arg4[%get3A_5, %get3A_6, %get3A_7, %get3A_8] : memref<3x2x400x96xf32, #tpu.memory_space<vmem>>, vector<1x1x400x80xf32>
    %get3A_10 = vector.shape_cast %get3A_9 : vector<1x1x400x80xf32> to vector<400x80xf32>
    %add3A = arith.addf %get3A_4, %get3A_10 : vector<400x80xf32>
    %get3A_11 = arith.constant 0 : index
    %get3A_12 = arith.constant 0 : index
    %get3A_13 = arith.constant 0 : index
    %get3A_14 = arith.constant 85 : index
    %get3A_15 = vector.load %arg4[%get3A_11, %get3A_12, %get3A_13, %get3A_14] : memref<3x2x400x96xf32, #tpu.memory_space<vmem>>, vector<1x1x400x1xf32>
    %get3A_16 = vector.shape_cast %get3A_15 : vector<1x1x400x1xf32> to vector<400x1xf32>
    %get3A_17 = arith.constant 0 : index
    %get3A_18 = arith.constant 1 : index
    %get3A_19 = arith.constant 0 : index
    %get3A_20 = arith.constant 85 : index
    %get3A_21 = vector.load %arg4[%get3A_17, %get3A_18, %get3A_19, %get3A_20] : memref<3x2x400x96xf32, #tpu.memory_space<vmem>>, vector<1x1x400x1xf32>
    %get3A_22 = vector.shape_cast %get3A_21 : vector<1x1x400x1xf32> to vector<400x1xf32>
    %add3A_23 = arith.addf %get3A_16, %get3A_22 : vector<400x1xf32>
    %max3A = arith.constant 1.000000e+00 : f32
    %max3A_24 = vector.broadcast %max3A : f32 to vector<400x1xf32>
    %max3A_25 = arith.maximumf %add3A_23, %max3A_24 : vector<400x1xf32>
    %div3A = vector.broadcast %max3A_25 : vector<400x1xf32> to vector<400x80xf32>
    %div3A_26 = arith.divf %add3A, %div3A : vector<400x80xf32>
    %get3A_27 = arith.constant 0 : index
    %get3A_28 = arith.constant 0 : index
    %get3A_29 = arith.constant 0 : index
    %get3A_30 = vector.load %arg1[%get3A_27, %get3A_28, %get3A_29] : memref<400x5x64xf32, #tpu.memory_space<vmem>>, vector<400x1x64xf32>
    %get3A_31 = vector.shape_cast %get3A_30 : vector<400x1x64xf32> to vector<400x64xf32>
    %get3A_32 = arith.constant 0 : index
    %get3A_33 = arith.constant 1 : index
    %get3A_34 = arith.constant 0 : index
    %get3A_35 = vector.load %arg1[%get3A_32, %get3A_33, %get3A_34] : memref<400x5x64xf32, #tpu.memory_space<vmem>>, vector<400x1x64xf32>
    %get3A_36 = vector.shape_cast %get3A_35 : vector<400x1x64xf32> to vector<400x64xf32>
    %get3A_37 = arith.constant 0 : index
    %get3A_38 = arith.constant 2 : index
    %get3A_39 = arith.constant 0 : index
    %get3A_40 = vector.load %arg1[%get3A_37, %get3A_38, %get3A_39] : memref<400x5x64xf32, #tpu.memory_space<vmem>>, vector<400x1x64xf32>
    %get3A_41 = vector.shape_cast %get3A_40 : vector<400x1x64xf32> to vector<400x64xf32>
    %get3A_42 = arith.constant 0 : index
    %get3A_43 = arith.constant 3 : index
    %get3A_44 = arith.constant 0 : index
    %get3A_45 = vector.load %arg1[%get3A_42, %get3A_43, %get3A_44] : memref<400x5x64xf32, #tpu.memory_space<vmem>>, vector<400x1x64xf32>
    %get3A_46 = vector.shape_cast %get3A_45 : vector<400x1x64xf32> to vector<400x64xf32>
    %get3A_47 = arith.constant 0 : index
    %get3A_48 = arith.constant 4 : index
    %get3A_49 = arith.constant 0 : index
    %get3A_50 = vector.load %arg1[%get3A_47, %get3A_48, %get3A_49] : memref<400x5x64xf32, #tpu.memory_space<vmem>>, vector<400x1x64xf32>
    %get3A_51 = vector.shape_cast %get3A_50 : vector<400x1x64xf32> to vector<400x64xf32>
    %concatenate3A = tpu.concatenate %get3A_31, %get3A_36, %get3A_41, %get3A_46, %get3A_51 in 1 : vector<400x64xf32>, vector<400x64xf32>, vector<400x64xf32>, vector<400x64xf32>, vector<400x64xf32> -> vector<400x320xf32>
    %concatenate3A_52 = tpu.concatenate %concatenate3A, %div3A_26 in 1 : vector<400x320xf32>, vector<400x80xf32> -> vector<400x400xf32>
    %get3A_53 = arith.constant 0 : index
    %get3A_54 = arith.constant 0 : index
    %get3A_55 = arith.constant 0 : index
    %get3A_56 = vector.load %arg5[%get3A_53, %get3A_54, %get3A_55] : memref<3x400x320xf32, #tpu.memory_space<vmem>>, vector<1x400x320xf32>
    %get3A_57 = vector.shape_cast %get3A_56 : vector<1x400x320xf32> to vector<400x320xf32>
    %dot_general3A = arith.constant dense<0.000000e+00> : vector<400x320xf32>
    %dot_general3A_58 = tpu.matmul %concatenate3A_52, %get3A_57, %dot_general3A {dimension_numbers = #tpu.dot_dimension_numbers<[1], [0], [0], [1], [0, 0, 1, 1], [], []>, transpose_lhs_hint = false} : vector<400x400xf32>, vector<400x320xf32>, vector<400x320xf32> -> vector<400x320xf32>
    %get3A_59 = arith.constant 0 : index
    %get3A_60 = arith.constant 0 : index
    %get3A_61 = arith.constant 0 : index
    %get3A_62 = vector.load %arg6[%get3A_59, %get3A_60, %get3A_61] : memref<3x1x320xf32, #tpu.memory_space<vmem>>, vector<1x1x320xf32>
    %get3A_63 = vector.shape_cast %get3A_62 : vector<1x1x320xf32> to vector<1x320xf32>
    %add3A_64 = vector.broadcast %get3A_63 : vector<1x320xf32> to vector<400x320xf32>
    %add3A_65 = arith.addf %dot_general3A_58, %add3A_64 : vector<400x320xf32>
    %tanh3A = math.tanh %add3A_65 : vector<400x320xf32>
    %get3A_66 = arith.constant 0 : index
    %get3A_67 = arith.constant 0 : index
    %get3A_68 = arith.constant 0 : index
    %get3A_69 = vector.load %arg7[%get3A_66, %get3A_67, %get3A_68] : memref<3x320x320xf32, #tpu.memory_space<vmem>>, vector<1x320x320xf32>
    %get3A_70 = vector.shape_cast %get3A_69 : vector<1x320x320xf32> to vector<320x320xf32>
    %dot_general3A_71 = arith.constant dense<0.000000e+00> : vector<400x320xf32>
    %dot_general3A_72 = tpu.matmul %tanh3A, %get3A_70, %dot_general3A_71 {dimension_numbers = #tpu.dot_dimension_numbers<[1], [0], [0], [1], [0, 0, 1, 1], [], []>, transpose_lhs_hint = false} : vector<400x320xf32>, vector<320x320xf32>, vector<400x320xf32> -> vector<400x320xf32>
    %get3A_73 = arith.constant 0 : index
    %get3A_74 = arith.constant 0 : index
    %get3A_75 = arith.constant 0 : index
    %get3A_76 = vector.load %arg8[%get3A_73, %get3A_74, %get3A_75] : memref<3x1x320xf32, #tpu.memory_space<vmem>>, vector<1x1x320xf32>
    %get3A_77 = vector.shape_cast %get3A_76 : vector<1x1x320xf32> to vector<1x320xf32>
    %add3A_78 = vector.broadcast %get3A_77 : vector<1x320xf32> to vector<400x320xf32>
    %add3A_79 = arith.addf %dot_general3A_72, %add3A_78 : vector<400x320xf32>
    %tanh3A_80 = math.tanh %add3A_79 : vector<400x320xf32>
    %swap3A = arith.constant 0 : index
    %swap3A_81 = arith.constant 0 : index
    %swap3A_82 = vector.load %arg9[%swap3A, %swap3A_81] : memref<400x320xf32, #tpu.memory_space<vmem>>, vector<400x320xf32>
    tpu.vector_store %arg9[%swap3A, %swap3A_81], %tanh3A_80 {strides = array<i32>} : memref<400x320xf32, #tpu.memory_space<vmem>>, vector<400x320xf32>,
    %get3A_83 = arith.constant 1 : index
    %get3A_84 = arith.constant 0 : index
    %get3A_85 = arith.constant 0 : index
    %get3A_86 = arith.constant 0 : index
    %get3A_87 = vector.load %arg4[%get3A_83, %get3A_84, %get3A_85, %get3A_86] : memref<3x2x400x96xf32, #tpu.memory_space<vmem>>, vector<1x1x400x80xf32>
    %get3A_88 = vector.shape_cast %get3A_87 : vector<1x1x400x80xf32> to vector<400x80xf32>
    %get3A_89 = arith.constant 1 : index
    %get3A_90 = arith.constant 1 : index
    %get3A_91 = arith.constant 0 : index
    %get3A_92 = arith.constant 0 : index
    %get3A_93 = vector.load %arg4[%get3A_89, %get3A_90, %get3A_91, %get3A_92] : memref<3x2x400x96xf32, #tpu.memory_space<vmem>>, vector<1x1x400x80xf32>
    %get3A_94 = vector.shape_cast %get3A_93 : vector<1x1x400x80xf32> to vector<400x80xf32>
    %add3A_95 = arith.addf %get3A_88, %get3A_94 : vector<400x80xf32>
    %get3A_96 = arith.constant 1 : index
    %get3A_97 = arith.constant 0 : index
    %get3A_98 = arith.constant 0 : index
    %get3A_99 = arith.constant 85 : index
    %get3A_100 = vector.load %arg4[%get3A_96, %get3A_97, %get3A_98, %get3A_99] : memref<3x2x400x96xf32, #tpu.memory_space<vmem>>, vector<1x1x400x1xf32>
    %get3A_101 = vector.shape_cast %get3A_100 : vector<1x1x400x1xf32> to vector<400x1xf32>
    %get3A_102 = arith.constant 1 : index
    %get3A_103 = arith.constant 1 : index
    %get3A_104 = arith.constant 0 : index
    %get3A_105 = arith.constant 85 : index
    %get3A_106 = vector.load %arg4[%get3A_102, %get3A_103, %get3A_104, %get3A_105] : memref<3x2x400x96xf32, #tpu.memory_space<vmem>>, vector<1x1x400x1xf32>
    %get3A_107 = vector.shape_cast %get3A_106 : vector<1x1x400x1xf32> to vector<400x1xf32>
    %add3A_108 = arith.addf %get3A_101, %get3A_107 : vector<400x1xf32>
    %max3A_109 = arith.constant 1.000000e+00 : f32
    %max3A_110 = vector.broadcast %max3A_109 : f32 to vector<400x1xf32>
    %max3A_111 = arith.maximumf %add3A_108, %max3A_110 : vector<400x1xf32>
    %div3A_112 = vector.broadcast %max3A_111 : vector<400x1xf32> to vector<400x80xf32>
    %div3A_113 = arith.divf %add3A_95, %div3A_112 : vector<400x80xf32>
    %get3A_114 = arith.constant 0 : index
    %get3A_115 = arith.constant 0 : index
    %get3A_116 = arith.constant 0 : index
    %get3A_117 = vector.load %arg2[%get3A_114, %get3A_115, %get3A_116] : memref<400x5x64xf32, #tpu.memory_space<vmem>>, vector<400x1x64xf32>
    %get3A_118 = vector.shape_cast %get3A_117 : vector<400x1x64xf32> to vector<400x64xf32>
    %get3A_119 = arith.constant 0 : index
    %get3A_120 = arith.constant 1 : index
    %get3A_121 = arith.constant 0 : index
    %get3A_122 = vector.load %arg2[%get3A_119, %get3A_120, %get3A_121] : memref<400x5x64xf32, #tpu.memory_space<vmem>>, vector<400x1x64xf32>
    %get3A_123 = vector.shape_cast %get3A_122 : vector<400x1x64xf32> to vector<400x64xf32>
    %get3A_124 = arith.constant 0 : index
    %get3A_125 = arith.constant 2 : index
    %get3A_126 = arith.constant 0 : index
    %get3A_127 = vector.load %arg2[%get3A_124, %get3A_125, %get3A_126] : memref<400x5x64xf32, #tpu.memory_space<vmem>>, vector<400x1x64xf32>
    %get3A_128 = vector.shape_cast %get3A_127 : vector<400x1x64xf32> to vector<400x64xf32>
    %get3A_129 = arith.constant 0 : index
    %get3A_130 = arith.constant 3 : index
    %get3A_131 = arith.constant 0 : index
    %get3A_132 = vector.load %arg2[%get3A_129, %get3A_130, %get3A_131] : memref<400x5x64xf32, #tpu.memory_space<vmem>>, vector<400x1x64xf32>
    %get3A_133 = vector.shape_cast %get3A_132 : vector<400x1x64xf32> to vector<400x64xf32>
    %get3A_134 = arith.constant 0 : index
    %get3A_135 = arith.constant 4 : index
    %get3A_136 = arith.constant 0 : index
    %get3A_137 = vector.load %arg2[%get3A_134, %get3A_135, %get3A_136] : memref<400x5x64xf32, #tpu.memory_space<vmem>>, vector<400x1x64xf32>
    %get3A_138 = vector.shape_cast %get3A_137 : vector<400x1x64xf32> to vector<400x64xf32>
    %concatenate3A_139 = tpu.concatenate %get3A_118, %get3A_123, %get3A_128, %get3A_133, %get3A_138 in 1 : vector<400x64xf32>, vector<400x64xf32>, vector<400x64xf32>, vector<400x64xf32>, vector<400x64xf32> -> vector<400x320xf32>
    %concatenate3A_140 = tpu.concatenate %concatenate3A_139, %div3A_113 in 1 : vector<400x320xf32>, vector<400x80xf32> -> vector<400x400xf32>
    %get3A_141 = arith.constant 1 : index
    %get3A_142 = arith.constant 0 : index
    %get3A_143 = arith.constant 0 : index
    %get3A_144 = vector.load %arg5[%get3A_141, %get3A_142, %get3A_143] : memref<3x400x320xf32, #tpu.memory_space<vmem>>, vector<1x400x320xf32>
    %get3A_145 = vector.shape_cast %get3A_144 : vector<1x400x320xf32> to vector<400x320xf32>
    %dot_general3A_146 = arith.constant dense<0.000000e+00> : vector<400x320xf32>
    %dot_general3A_147 = tpu.matmul %concatenate3A_140, %get3A_145, %dot_general3A_146 {dimension_numbers = #tpu.dot_dimension_numbers<[1], [0], [0], [1], [0, 0, 1, 1], [], []>, transpose_lhs_hint = false} : vector<400x400xf32>, vector<400x320xf32>, vector<400x320xf32> -> vector<400x320xf32>
    %get3A_148 = arith.constant 1 : index
    %get3A_149 = arith.constant 0 : index
    %get3A_150 = arith.constant 0 : index
    %get3A_151 = vector.load %arg6[%get3A_148, %get3A_149, %get3A_150] : memref<3x1x320xf32, #tpu.memory_space<vmem>>, vector<1x1x320xf32>
    %get3A_152 = vector.shape_cast %get3A_151 : vector<1x1x320xf32> to vector<1x320xf32>
    %add3A_153 = vector.broadcast %get3A_152 : vector<1x320xf32> to vector<400x320xf32>
    %add3A_154 = arith.addf %dot_general3A_147, %add3A_153 : vector<400x320xf32>
    %tanh3A_155 = math.tanh %add3A_154 : vector<400x320xf32>
    %get3A_156 = arith.constant 1 : index
    %get3A_157 = arith.constant 0 : index
    %get3A_158 = arith.constant 0 : index
    %get3A_159 = vector.load %arg7[%get3A_156, %get3A_157, %get3A_158] : memref<3x320x320xf32, #tpu.memory_space<vmem>>, vector<1x320x320xf32>
    %get3A_160 = vector.shape_cast %get3A_159 : vector<1x320x320xf32> to vector<320x320xf32>
    %dot_general3A_161 = arith.constant dense<0.000000e+00> : vector<400x320xf32>
    %dot_general3A_162 = tpu.matmul %tanh3A_155, %get3A_160, %dot_general3A_161 {dimension_numbers = #tpu.dot_dimension_numbers<[1], [0], [0], [1], [0, 0, 1, 1], [], []>, transpose_lhs_hint = false} : vector<400x320xf32>, vector<320x320xf32>, vector<400x320xf32> -> vector<400x320xf32>
    %get3A_163 = arith.constant 1 : index
    %get3A_164 = arith.constant 0 : index
    %get3A_165 = arith.constant 0 : index
    %get3A_166 = vector.load %arg8[%get3A_163, %get3A_164, %get3A_165] : memref<3x1x320xf32, #tpu.memory_space<vmem>>, vector<1x1x320xf32>
    %get3A_167 = vector.shape_cast %get3A_166 : vector<1x1x320xf32> to vector<1x320xf32>
    %add3A_168 = vector.broadcast %get3A_167 : vector<1x320xf32> to vector<400x320xf32>
    %add3A_169 = arith.addf %dot_general3A_162, %add3A_168 : vector<400x320xf32>
    %tanh3A_170 = math.tanh %add3A_169 : vector<400x320xf32>
    %swap3A_171 = arith.constant 0 : index
    %swap3A_172 = arith.constant 0 : index
    %swap3A_173 = vector.load %arg10[%swap3A_171, %swap3A_172] : memref<400x320xf32, #tpu.memory_space<vmem>>, vector<400x320xf32>
    tpu.vector_store %arg10[%swap3A_171, %swap3A_172], %tanh3A_170 {strides = array<i32>} : memref<400x320xf32, #tpu.memory_space<vmem>>, vector<400x320xf32>,
    %get3A_174 = arith.constant 2 : index
    %get3A_175 = arith.constant 0 : index
    %get3A_176 = arith.constant 0 : index
    %get3A_177 = arith.constant 0 : index
    %get3A_178 = vector.load %arg4[%get3A_174, %get3A_175, %get3A_176, %get3A_177] : memref<3x2x400x96xf32, #tpu.memory_space<vmem>>, vector<1x1x400x80xf32>
    %get3A_179 = vector.shape_cast %get3A_178 : vector<1x1x400x80xf32> to vector<400x80xf32>
    %get3A_180 = arith.constant 2 : index
    %get3A_181 = arith.constant 1 : index
    %get3A_182 = arith.constant 0 : index
    %get3A_183 = arith.constant 0 : index
    %get3A_184 = vector.load %arg4[%get3A_180, %get3A_181, %get3A_182, %get3A_183] : memref<3x2x400x96xf32, #tpu.memory_space<vmem>>, vector<1x1x400x80xf32>
    %get3A_185 = vector.shape_cast %get3A_184 : vector<1x1x400x80xf32> to vector<400x80xf32>
    %add3A_186 = arith.addf %get3A_179, %get3A_185 : vector<400x80xf32>
    %get3A_187 = arith.constant 2 : index
    %get3A_188 = arith.constant 0 : index
    %get3A_189 = arith.constant 0 : index
    %get3A_190 = arith.constant 85 : index
    %get3A_191 = vector.load %arg4[%get3A_187, %get3A_188, %get3A_189, %get3A_190] : memref<3x2x400x96xf32, #tpu.memory_space<vmem>>, vector<1x1x400x1xf32>
    %get3A_192 = vector.shape_cast %get3A_191 : vector<1x1x400x1xf32> to vector<400x1xf32>
    %get3A_193 = arith.constant 2 : index
    %get3A_194 = arith.constant 1 : index
    %get3A_195 = arith.constant 0 : index
    %get3A_196 = arith.constant 85 : index
    %get3A_197 = vector.load %arg4[%get3A_193, %get3A_194, %get3A_195, %get3A_196] : memref<3x2x400x96xf32, #tpu.memory_space<vmem>>, vector<1x1x400x1xf32>
    %get3A_198 = vector.shape_cast %get3A_197 : vector<1x1x400x1xf32> to vector<400x1xf32>
    %add3A_199 = arith.addf %get3A_192, %get3A_198 : vector<400x1xf32>
    %max3A_200 = arith.constant 1.000000e+00 : f32
    %max3A_201 = vector.broadcast %max3A_200 : f32 to vector<400x1xf32>
    %max3A_202 = arith.maximumf %add3A_199, %max3A_201 : vector<400x1xf32>
    %div3A_203 = vector.broadcast %max3A_202 : vector<400x1xf32> to vector<400x80xf32>
    %div3A_204 = arith.divf %add3A_186, %div3A_203 : vector<400x80xf32>
    %get3A_205 = arith.constant 0 : index
    %get3A_206 = arith.constant 0 : index
    %get3A_207 = arith.constant 0 : index
    %get3A_208 = vector.load %arg3[%get3A_205, %get3A_206, %get3A_207] : memref<400x5x64xf32, #tpu.memory_space<vmem>>, vector<400x1x64xf32>
    %get3A_209 = vector.shape_cast %get3A_208 : vector<400x1x64xf32> to vector<400x64xf32>
    %get3A_210 = arith.constant 0 : index
    %get3A_211 = arith.constant 1 : index
    %get3A_212 = arith.constant 0 : index
    %get3A_213 = vector.load %arg3[%get3A_210, %get3A_211, %get3A_212] : memref<400x5x64xf32, #tpu.memory_space<vmem>>, vector<400x1x64xf32>
    %get3A_214 = vector.shape_cast %get3A_213 : vector<400x1x64xf32> to vector<400x64xf32>
    %get3A_215 = arith.constant 0 : index
    %get3A_216 = arith.constant 2 : index
    %get3A_217 = arith.constant 0 : index
    %get3A_218 = vector.load %arg3[%get3A_215, %get3A_216, %get3A_217] : memref<400x5x64xf32, #tpu.memory_space<vmem>>, vector<400x1x64xf32>
    %get3A_219 = vector.shape_cast %get3A_218 : vector<400x1x64xf32> to vector<400x64xf32>
    %get3A_220 = arith.constant 0 : index
    %get3A_221 = arith.constant 3 : index
    %get3A_222 = arith.constant 0 : index
    %get3A_223 = vector.load %arg3[%get3A_220, %get3A_221, %get3A_222] : memref<400x5x64xf32, #tpu.memory_space<vmem>>, vector<400x1x64xf32>
    %get3A_224 = vector.shape_cast %get3A_223 : vector<400x1x64xf32> to vector<400x64xf32>
    %get3A_225 = arith.constant 0 : index
    %get3A_226 = arith.constant 4 : index
    %get3A_227 = arith.constant 0 : index
    %get3A_228 = vector.load %arg3[%get3A_225, %get3A_226, %get3A_227] : memref<400x5x64xf32, #tpu.memory_space<vmem>>, vector<400x1x64xf32>
    %get3A_229 = vector.shape_cast %get3A_228 : vector<400x1x64xf32> to vector<400x64xf32>
    %concatenate3A_230 = tpu.concatenate %get3A_209, %get3A_214, %get3A_219, %get3A_224, %get3A_229 in 1 : vector<400x64xf32>, vector<400x64xf32>, vector<400x64xf32>, vector<400x64xf32>, vector<400x64xf32> -> vector<400x320xf32>
    %concatenate3A_231 = tpu.concatenate %concatenate3A_230, %div3A_204 in 1 : vector<400x320xf32>, vector<400x80xf32> -> vector<400x400xf32>
    %get3A_232 = arith.constant 2 : index
    %get3A_233 = arith.constant 0 : index
    %get3A_234 = arith.constant 0 : index
    %get3A_235 = vector.load %arg5[%get3A_232, %get3A_233, %get3A_234] : memref<3x400x320xf32, #tpu.memory_space<vmem>>, vector<1x400x320xf32>
    %get3A_236 = vector.shape_cast %get3A_235 : vector<1x400x320xf32> to vector<400x320xf32>
    %dot_general3A_237 = arith.constant dense<0.000000e+00> : vector<400x320xf32>
    %dot_general3A_238 = tpu.matmul %concatenate3A_231, %get3A_236, %dot_general3A_237 {dimension_numbers = #tpu.dot_dimension_numbers<[1], [0], [0], [1], [0, 0, 1, 1], [], []>, transpose_lhs_hint = false} : vector<400x400xf32>, vector<400x320xf32>, vector<400x320xf32> -> vector<400x320xf32>
    %get3A_239 = arith.constant 2 : index
    %get3A_240 = arith.constant 0 : index
    %get3A_241 = arith.constant 0 : index
    %get3A_242 = vector.load %arg6[%get3A_239, %get3A_240, %get3A_241] : memref<3x1x320xf32, #tpu.memory_space<vmem>>, vector<1x1x320xf32>
    %get3A_243 = vector.shape_cast %get3A_242 : vector<1x1x320xf32> to vector<1x320xf32>
    %add3A_244 = vector.broadcast %get3A_243 : vector<1x320xf32> to vector<400x320xf32>
    %add3A_245 = arith.addf %dot_general3A_238, %add3A_244 : vector<400x320xf32>
    %tanh3A_246 = math.tanh %add3A_245 : vector<400x320xf32>
    %get3A_247 = arith.constant 2 : index
    %get3A_248 = arith.constant 0 : index
    %get3A_249 = arith.constant 0 : index
    %get3A_250 = vector.load %arg7[%get3A_247, %get3A_248, %get3A_249] : memref<3x320x320xf32, #tpu.memory_space<vmem>>, vector<1x320x320xf32>
    %get3A_251 = vector.shape_cast %get3A_250 : vector<1x320x320xf32> to vector<320x320xf32>
    %dot_general3A_252 = arith.constant dense<0.000000e+00> : vector<400x320xf32>
    %dot_general3A_253 = tpu.matmul %tanh3A_246, %get3A_251, %dot_general3A_252 {dimension_numbers = #tpu.dot_dimension_numbers<[1], [0], [0], [1], [0, 0, 1, 1], [], []>, transpose_lhs_hint = false} : vector<400x320xf32>, vector<320x320xf32>, vector<400x320xf32> -> vector<400x320xf32>
    %get3A_254 = arith.constant 2 : index
    %get3A_255 = arith.constant 0 : index
    %get3A_256 = arith.constant 0 : index
    %get3A_257 = vector.load %arg8[%get3A_254, %get3A_255, %get3A_256] : memref<3x1x320xf32, #tpu.memory_space<vmem>>, vector<1x1x320xf32>
    %get3A_258 = vector.shape_cast %get3A_257 : vector<1x1x320xf32> to vector<1x320xf32>
    %add3A_259 = vector.broadcast %get3A_258 : vector<1x320xf32> to vector<400x320xf32>
    %add3A_260 = arith.addf %dot_general3A_253, %add3A_259 : vector<400x320xf32>
    %tanh3A_261 = math.tanh %add3A_260 : vector<400x320xf32>
    %swap3A_262 = arith.constant 0 : index
    %swap3A_263 = arith.constant 0 : index
    %swap3A_264 = vector.load %arg11[%swap3A_262, %swap3A_263] : memref<400x320xf32, #tpu.memory_space<vmem>>, vector<400x320xf32>
    tpu.vector_store %arg11[%swap3A_262, %swap3A_263], %tanh3A_261 {strides = array<i32>} : memref<400x320xf32, #tpu.memory_space<vmem>>, vector<400x320xf32>,
    return
  }
  func.func @transform_0(%arg0: i32) -> (i32, i32, i32) {
    %c0_i32 = arith.constant 0 : i32
    %c0_i32_0 = arith.constant 0 : i32
    %c0_i32_1 = arith.constant 0 : i32
    return %arg0, %c0_i32, %c0_i32_0 : i32, i32, i32
  }
  func.func @transform_1(%arg0: i32) -> (i32, i32, i32) {
    %c0_i32 = arith.constant 0 : i32
    %c0_i32_0 = arith.constant 0 : i32
    %c0_i32_1 = arith.constant 0 : i32
    return %arg0, %c0_i32, %c0_i32_0 : i32, i32, i32
  }
  func.func @transform_2(%arg0: i32) -> (i32, i32, i32) {
    %c0_i32 = arith.constant 0 : i32
    %c0_i32_0 = arith.constant 0 : i32
    %c0_i32_1 = arith.constant 0 : i32
    return %arg0, %c0_i32, %c0_i32_0 : i32, i32, i32
  }
  func.func @transform_3(%arg0: i32) -> (i32, i32, i32, i32) {
    %c0_i32 = arith.constant 0 : i32
    %c0_i32_0 = arith.constant 0 : i32
    %c0_i32_1 = arith.constant 0 : i32
    %c0_i32_2 = arith.constant 0 : i32
    return %c0_i32, %c0_i32_0, %arg0, %c0_i32_1 : i32, i32, i32, i32
  }
  func.func @transform_4(%arg0: i32) -> (i32, i32, i32) {
    %c0_i32 = arith.constant 0 : i32
    %c0_i32_0 = arith.constant 0 : i32
    %c0_i32_1 = arith.constant 0 : i32
    %c0_i32_2 = arith.constant 0 : i32
    return %c0_i32, %c0_i32_0, %c0_i32_1 : i32, i32, i32
  }
  func.func @transform_5(%arg0: i32) -> (i32, i32, i32) {
    %c0_i32 = arith.constant 0 : i32
    %c0_i32_0 = arith.constant 0 : i32
    %c0_i32_1 = arith.constant 0 : i32
    %c0_i32_2 = arith.constant 0 : i32
    return %c0_i32, %c0_i32_0, %c0_i32_1 : i32, i32, i32
  }
  func.func @transform_6(%arg0: i32) -> (i32, i32, i32) {
    %c0_i32 = arith.constant 0 : i32
    %c0_i32_0 = arith.constant 0 : i32
    %c0_i32_1 = arith.constant 0 : i32
    %c0_i32_2 = arith.constant 0 : i32
    return %c0_i32, %c0_i32_0, %c0_i32_1 : i32, i32, i32
  }
  func.func @transform_7(%arg0: i32) -> (i32, i32, i32) {
    %c0_i32 = arith.constant 0 : i32
    %c0_i32_0 = arith.constant 0 : i32
    %c0_i32_1 = arith.constant 0 : i32
    %c0_i32_2 = arith.constant 0 : i32
    return %c0_i32, %c0_i32_0, %c0_i32_1 : i32, i32, i32
  }
  func.func @transform_8(%arg0: i32) -> (i32, i32) {
    %c0_i32 = arith.constant 0 : i32
    %c0_i32_0 = arith.constant 0 : i32
    return %arg0, %c0_i32 : i32, i32
  }
  func.func @transform_9(%arg0: i32) -> (i32, i32) {
    %c0_i32 = arith.constant 0 : i32
    %c0_i32_0 = arith.constant 0 : i32
    return %arg0, %c0_i32 : i32, i32
  }
  func.func @transform_10(%arg0: i32) -> (i32, i32) {
    %c0_i32 = arith.constant 0 : i32
    %c0_i32_0 = arith.constant 0 : i32
    return %arg0, %c0_i32 : i32, i32
  }
}

</mosaic_0001>

<sc_bundles>
// kernel: kernel.10.cloned.1.call-start
scs
__scs_entry_jumppad:
0x0: {  	(pc) =	sbr.rel $0x88, $3  }
0x1: {  	(tag) =	ssettag $0x0;
	lr =	simm.s32 $0x1  }
0x2: {  	[smem:$0x3F91] =	sst lr;
	_ =	strace $0xD0000000  }
0x3: {  	_ = 	snop  }
0x4: {  	_ = 	snop  }
0x5: {  	_ = 	snop  }
0x6: {  	_ = 	snop  }
0x7: {  	_ = 	snop  }
__scs_overlays_trampoline_lowered:
0x8: {  	[smem:$0x3FA0] =	sst s0  }
0x9: {  	[smem:$0x3FA1] =	sst s1  }
0xa: {  	[smem:$0x3FA2] =	sst s2  }
0xb: {  	[smem:$0x3FA3] =	sst s3  }
0xc: {  	[smem:$0x3FA4] =	sst s4  }
0xd: {  	[smem:$0x3FA5] =	sst s5  }
0xe: {  	[smem:$0x3FA6] =	sst s6  }
0xf: {  	[smem:$0x3FA7] =	sst s7  }
0x10: {  	[smem:$0x3FA8] =	sst s8  }
0x11: {  	[smem:$0x3FA9] =	sst s9;
	s0 =	simm.s32 @!p0 $0x0  }
0x12: {  	s1 =	sld [smem:$0x3F8F];
	s0 =	simm.s32 @p0 $0x1  }
0x13: {  	[smem:$0x3FAA] =	sst s0;
	s0 =	simm.s32 @!p1 $0x0  }
0x14: {  	s2 =	sld [smem:$0x3F8E];
	s0 =	simm.s32 @p1 $0x1  }
0x15: {  	[smem:$0x3FAB] =	sst s0;
	s0 =	simm.s32 @!p2 $0x0  }
0x16: {  	s3 =	sld [smem:$0x3FDB];
	s0 =	simm.s32 @p2 $0x1  }
0x17: {  	s4 =	simm.s32 $0x1BF5;
	[smem:$0x3FAD] =	sst s0  }
0x18: {  	s0 =	sld [smem:$0x3F90];
	_ =	swait.ge [sflag:s4], $0x0  }
0x19: {  	s7 =	sld [smem:$0x3F91]  }
0x1a: {  	s8 =	sadd.s32 $0xFFFFE003, lr  }
0x1b: {  	s9 =	sadd.s32 $0xFFFFFEF7, lr;
	s5 =	simm.s32 $0xFFFFFFFF;
	p2 =	slt.u32 s8, $0xFFFFF086  }
0x1c: {  	p1 =	slt.u32 s9, $0xF7A;
	s5 =	simm.s32 @!p2 $0x0  }
0x1d: {  	s5 =	simm.s32 @p1 $0x1;
	p0 =	seq.s32 s7, s2  }
0x1e: {  	s7 =	smul.u32 @!p0 $0xF7A, s2;
	p2 =	seq.s32 @!p0 s5, $0x0  }
0x1f: {  	s9 =	smul.u32 $0xF7A, s1;
	s8 =	simm.s32 @!p0 $0x1BF5;
	p2 =	por !p2, p0  }
0x20: {  	[sflag:s8] =	ssyncset.s32 @!p0 $0xFFFFF086;
	s6 =	sadd.s32 @!p0 s3, s7;
	s7 =	simm.s32 @!p0 $0x108  }
0x21: {  	s3 =	sadd.s32 s3, s9;
	s6 =	sadd.s32 @!p0 $0x88, s6;
	s7 =	simm.s32 @p2 $0x1082  }
0x22: {  	[simem:s7], [sflag:s8] =	dma.local @!p0 [hbm:s6], $0xF7A  }
0x23: {  	s9 =	sor.u32 $0xD0000000, s2;
	s6 =	simm.s32 $0x108;
	_ =	swait.ge @!p0 [sflag:s8], $0x0  }
0x24: {  	s3 =	sadd.s32 $0x88, s3;
	s6 =	simm.s32 @!p1 $0x1082;
	[sflag:s4] =	ssyncset.s32 $0xFFFFF086  }
0x25: {  	[simem:s6], [sflag:s4] =	dma.local [hbm:s3], $0xF7A  }
0x26: {  	[smem:$0x3F91] =	sst s1;
	(tag) =	ssettag s2;
	_ =	strace s9  }
0x27: {  	s1 =	sld [smem:$0x3FA1]  }
0x28: {  	s2 =	sld [smem:$0x3FA2]  }
0x29: {  	s4 =	sld [smem:$0x3FA4]  }
0x2a: {  	p0 =	seq.s32 s5, $0x0;
	s5 =	sld [smem:$0x3FA5]  }
0x2b: {  	s6 =	sld [smem:$0x3FA6]  }
0x2c: {  	s7 =	sld [smem:$0x3FA7]  }
0x2d: {  	s3 =	simm.s32 $0x108;
	s8 =	sld [smem:$0x3FA8]  }
0x2e: {  	s3 =	simm.s32 @!p0 $0x1082;
	s9 =	sld [smem:$0x3FA9]  }
0x2f: {  	lr =	sadd.s32 s0, s3;
	s0 =	sld [smem:$0x3FA0]  }
0x30: {  	s3 =	sld [smem:$0x3FA3]  }
0x31: {  	[smem:$0x3FAC] =	sst s10  }
0x32: {  	s10 =	sld [smem:$0x3FAA];
	_ =	sdelay $0x3  }
0x33: {  	p0 =	seq.s32 s10, $0x1;
	s10 =	sld [smem:$0x3FAC];
	_ =	sdelay $0x3  }
0x34: {  	[smem:$0x3FAC] =	sst s10  }
0x35: {  	s10 =	sld [smem:$0x3FAB];
	_ =	sdelay $0x3  }
0x36: {  	p1 =	seq.s32 s10, $0x1;
	s10 =	sld [smem:$0x3FAC];
	_ =	sdelay $0x3  }
0x37: {  	[smem:$0x3FAC] =	sst s10  }
0x38: {  	s10 =	sld [smem:$0x3FAD]  }
0x39: {  	_ = 	snop;
	(pc) =	sbr.ind lr, $3  }
0x3a: {  	_ = 	snop  }
0x3b: {  	_ = 	snop  }
0x3c: {  	p2 =	seq.s32 s10, $0x1;
	s10 =	sld [smem:$0x3FAC]  }
0x3d: {  	_ =	shalt  }
0x3e: {  	_ =	shalt  }
0x3f: {  	_ =	shalt  }
0x40: {  	_ =	shalt  }
0x41: {  	_ =	shalt  }
0x42: {  	_ =	shalt  }
0x43: {  	_ =	shalt  }
0x44: {  	_ =	shalt  }
0x45: {  	_ =	shalt  }
0x46: {  	_ =	shalt  }
0x47: {  	_ =	shalt  }
0x48: {  	_ =	shalt  }
0x49: {  	_ =	shalt  }
0x4a: {  	_ =	shalt  }
0x4b: {  	_ =	shalt  }
0x4c: {  	_ =	shalt  }
0x4d: {  	_ =	shalt  }
0x4e: {  	_ =	shalt  }
0x4f: {  	_ =	shalt  }
0x50: {  	_ =	shalt  }
0x51: {  	_ =	shalt  }
0x52: {  	_ =	shalt  }
0x53: {  	_ =	shalt  }
0x54: {  	_ =	shalt  }
0x55: {  	_ =	shalt  }
0x56: {  	_ =	shalt  }
0x57: {  	_ =	shalt  }
0x58: {  	_ =	shalt  }
0x59: {  	_ =	shalt  }
0x5a: {  	_ =	shalt  }
0x5b: {  	_ =	shalt  }
0x5c: {  	_ =	shalt  }
0x5d: {  	_ =	shalt  }
0x5e: {  	_ =	shalt  }
0x5f: {  	_ =	shalt  }
0x60: {  	_ =	shalt  }
0x61: {  	_ =	shalt  }
0x62: {  	_ =	shalt  }
0x63: {  	_ =	shalt  }
0x64: {  	_ =	shalt  }
0x65: {  	_ =	shalt  }
0x66: {  	_ =	shalt  }
0x67: {  	_ =	shalt  }
0x68: {  	_ =	shalt  }
0x69: {  	_ =	shalt  }
0x6a: {  	_ =	shalt  }
0x6b: {  	_ =	shalt  }
0x6c: {  	_ =	shalt  }
0x6d: {  	_ =	shalt  }
0x6e: {  	_ =	shalt  }
0x6f: {  	_ =	shalt  }
0x70: {  	_ =	shalt  }
0x71: {  	_ =	shalt  }
0x72: {  	_ =	shalt  }
0x73: {  	_ =	shalt  }
0x74: {  	_ =	shalt  }
0x75: {  	_ =	shalt  }
0x76: {  	_ =	shalt  }
0x77: {  	_ =	shalt  }
0x78: {  	_ =	shalt  }
0x79: {  	_ =	shalt  }
0x7a: {  	_ =	shalt  }
0x7b: {  	_ =	shalt  }
0x7c: {  	_ =	shalt  }
0x7d: {  	_ =	shalt  }
0x7e: {  	_ =	shalt  }
0x7f: {  	_ =	shalt  }
0x80: {  	_ =	shalt  }
0x81: {  	_ =	shalt  }
0x82: {  	_ =	shalt  }
0x83: {  	_ =	shalt  }
0x84: {  	_ =	shalt  }
0x85: {  	_ =	shalt  }
0x86: {  	_ =	shalt  }
0x87: {  	_ =	shalt  }
.Lfunc_end0:
.L_simem_size_0:
called_computation.1_lowered:
.L_overlay_start_0:
0x88: {  	s2 =	sld [smem:$0x3FD9]  }
0x89: {  	s3 =	sld [smem:$0x3FFE];
	_ =	sdelay $0x1  }
0x8a: {  	s1 =	srdreg.scid  }
0x8b: {  	s0 =	sand.u32 $0x1, s1  }
0x8c: {  	s14 =	sshll.u32 s0, $0xA;
	s2 =	sadd.s32 s3, s2  }
0x8d: {  	s2 =	sadd.s32 s2, s14  }
0x8e: {  	[smem:$0x3FB8] =	sst s2  }
0x8f: {  	_ = 	snop  }
0x90: {  	s2 =	sld [smem:$0x3FD0];
	_ =	sdelay $0x2  }
0x91: {  	s15 =	simm.s32 $0xA;
	s4 =	simm.s32 $0x10  }
0x92: {  	[smem:s4], [sflag:s15] =	dma.local [hbm:s2], $0x1  }
0x93: {  	_ =	swait.eq [sflag:s15], $0x1  }
0x94: {  	s16 =	sld [smem:$0x10];
	[sflag:s15] =	ssyncset.done $0x0  }
0x95: {  	s17 =	sld [smem:$0x11];
	[sflag:s15] =	ssyncadd.s32 $0xFFFFFFFF  }
0x96: {  	s18 =	sld [smem:$0x12];
	(tm) =	ssettm $0x1  }
0x97: {  	s5 =	sld [smem:$0x3FFB];
	_ =	sdelay $0x3  }
0x98: {  	_ =	strace s5  }
0x99: {  	s5 =	sld [smem:$0x3FFC];
	_ =	sdelay $0x3  }
0x9a: {  	_ =	strace s5  }
0x9b: {  	s5 =	sld [smem:$0x3FFD];
	_ =	sdelay $0x3  }
0x9c: {  	_ =	strace s5  }
0x9d: {  	_ =	strace $0x8FFFFFFF  }
0x9e: {  	s19 =	sld [smem:$0x3FDB];
	_ =	sdelay $0x1  }
0x9f: {  	s6 =	simm.s32 $_scs_section_size  }
0xa0: {  	s7 =	simm.s32 $_size__tile_overlayer_lowered;
	s8 =	simm.s32 $_tile_overlayer_lowered  }
0xa1: {  	s22 =	simm.s32 $0x1BFF;
	s21 =	sshll.u32 s8, $0x1;
	s5 =	sadd.s32 s6, s19  }
0xa2: {  	s9 =	simm.s32 $0x0;
	s20 =	sshll.u32 s7, $0x1;
	s7 =	sadd.s32 s21, s5  }
0xa3: {  	[timem:s9], [sflag:s22] =	dma.local [hbm:s7], s20  }
0xa4: {  	_ =	swait.ge [sflag:s22], s20  }
0xa5: {  	s6 =	ssub.s32 $0x0, s20;
	[sflag:s22] =	ssyncset.done $0x0  }
0xa6: {  	[sflag:s22] =	ssyncadd.s32 s6;
	_ =	sdelay $0x1  }
0xa7: {  	s23 =	simm.s32 $0x1B8B  }
0xa8: {  	_ =	swait.ge [sflag:s23], $0x1  }
0xa9: {  	[sflag:s23] =	ssyncset.done $0x0  }
0xaa: {  	s25 =	simm.s32 $0x1B8E;
	s24 =	sld [smem:$0x3FFE];
	[sflag:s23] =	ssyncadd.s32 $0xFFFFFFFF  }
0xab: {  	s26 =	simm.s32 $execute0_lowered;
	[smem:$0x3FD2] =	sst s25  }
0xac: {  	s7 =	sshll.u32 s26, $0x1;
	_ =	strace $0x80000049;
	[dreg:$0x1] =	wrdreg $0xFFFFFFFF  }
0xad: {  	s28 =	simm.s32 $_size_execute0_lowered;
	s5 =	sadd.s32 s5, s7;
	[dreg:$0x0] =	wrdreg $0x0  }
0xae: {  	s7 =	sshll.u32 s28, $0x1;
	[dreg:$0x2] =	wrdreg s5  }
0xaf: {  	[dreg:$0x3] =	wrdreg s7  }
0xb0: {  	[dreg:$0x4] =	wrdreg $0xC0  }
0xb1: {  	_ =	task [dreg:s9], $0x5FFFF  }
0xb2: {  	[dreg:$0x1] =	wrdreg $0xFFFFFFFF  }
0xb3: {  	[dreg:$0x0] =	wrdreg $0x60  }
0xb4: {  	[dreg:$0x2] =	wrdreg s18  }
0xb5: {  	[dreg:$0x3] =	wrdreg s17  }
0xb6: {  	[dreg:$0x4] =	wrdreg s16  }
0xb7: {  	[dreg:$0x5] =	wrdreg s24  }
0xb8: {  	[dreg:$0x6] =	wrdreg $0x98000  }
0xb9: {  	[dreg:$0x7] =	wrdreg $0x9  }
0xba: {  	_ =	task.clear_ibuf [dreg:s9], $0x8FFFF;
	_ =	strace $0x90000049  }
0xbb: {  	s29 =	simm.s32 $0x9;
	_ =	strace $0x8000004B  }
0xbc: {  	_ =	swait.ge [sflag:s29], $0x1  }
0xbd: {  	[sflag:s29] =	ssyncadd.s32 $0xFFFFFFFF  }
0xbe: {  	_ =	strace $0x9000004B  }
0xbf: {  	_ =	sfence  }
0xc0: {  	s30 =	sld [smem:$0x0];
	_ =	sdelay $0x2  }
0xc1: {  	s31 =	sshll.u32 s1, $0xD;
	s1 =	sshrl.u32 s1, $0x2  }
0xc2: {  	s3 =	sand.u32 $0x4000, s31;
	s1 =	sadd.s32 s1, s30  }
0xc3: {  	s0 =	sor.u32 s3, s0;
	s1 =	sshll.u32 s1, $0x11  }
0xc4: {  	s0 =	sor.u32 s1, s0  }
0xc5: {  	s0 =	sadd.s32 $0x8F2B, s0  }
0xc6: {  	[sflag:s0] =	ssyncadd.remote.s32 $0x1  }
0xc7: {  	_ =	sfence.sel $0xFFFF  }
0xc8: {  	[dreg:$0x0] =	wrdreg $0xFFFFFFFF;
	(pc) =	sbr.abs _section_cstart, $3  }
0xc9: {  	[dreg:$0x1] =	wrdreg $0xFFFFFFFF  }
0xca: {  	_ =	task.clear_ibuf [dreg:s9], $0x2FFFF;
	_ =	strace $0x9FFFFFFF  }
0xcb: {  	(tm) =	ssettm $0x7FFFFFFF  }
tec
execute0_lowered:
.L_overlay_start_1:
0x0: {  	(tag) =	ssettag $0x1  }
0x1: {  	s1 =	rddreg [dreg:$0x0]  }
0x2: {  	s2 =	rddreg [dreg:$0x1]  }
0x3: {  	s3 =	rddreg [dreg:$0x2];
	s0 =	srdreg.scid  }
0x4: {  	s15 =	stileid.u32;
	s4 =	rddreg [dreg:$0x3]  }
0x5: {  	s5 =	rddreg [dreg:$0x4];
	s28 =	simm.s32 $0x2800;
	s29 =	simm.s32 $0x1  }
0x6: {  	s30 =	simm.s32 $0x2;
	s31 =	simm.s32 $0x9000;
	s0 =	sand.u32 $0x1, s0  }
0x7: {  	s6 =	sshll.u32 s15, $0x1;
	s11 =	smul.u32 $0xF000, s15;
	s8 =	sadd.s32 $0x436A00, s4  }
0x8: {  	s9 =	sadd.s32 $0x43BA00, s4;
	s18 =	sshll.u32 s15, $0x6;
	s7 =	sor.u32 s0, s6  }
0x9: {  	s6 =	simm.s32 $0x0;
	s12 =	smul.u32 $0xF0000, s0;
	s0 =	ssub.s32 $0x2, s0  }
0xa: {  	s10 =	smul.u32 $0x280, s7;
	[smem:$0x7FF] =	sst s6;
	s7 =	sadd.s32 $0x431A00, s4  }
0xb: {  	s16 =	sshrl.u32 s11, $0x3;
	s17 =	sshrl.u32 s0, $0x1;
	_ =	strace $0x8000004A  }
0xc: {  	s14 =	sadd.s32 s11, s12;
	s12 =	sadd.s32 s16, s4;
	s0 =	ssub.s32 s0, s17  }
0xd: {  	s13 =	sadd.s32 s10, s4;
	s10 =	sshrl.u32 s14, $0x3;
	s14 =	sadd.s32 s11, s5  }
0xe: {  	s11 =	sor.u32 $0x1C04, s18;
	s4 =	sadd.s32 s10, s4;
	s19 =	sadd.s32 $0xB200, s13  }
0xf: {  	s10 =	sadd.s32 $0x3CDA00, s12;
	s20 =	sadd.s32 $0x6200, s13;
	[dreg:$0x6] =	wrdreg s19  }
0x10: {  	s22 =	sadd.s32 $0x15200, s13;
	s23 =	sadd.s32 $0x10200, s13;
	[dreg:$0x7] =	wrdreg s20  }
0x11: {  	s25 =	sadd.s32 $0x1F200, s13;
	s26 =	sadd.s32 $0x1A200, s13;
	[dreg:$0x9] =	wrdreg s22  }
0x12: {  	s12 =	simm.s32 $0x0;
	s21 =	sadd.s32 $0x440A00, s4;
	[dreg:$0xa] =	wrdreg s23  }
.Ltmp0:
0x13: {  	s24 =	sadd.s32 $0x47CA00, s4;
	[dreg:$0xc] =	wrdreg s25;
	(pc) =	sbr.rel .LBB2_1-.Ltmp0, $4  }
0x14: {  	[dreg:$0xd] =	wrdreg s26;
	s20 =	sadd.s32 $0x4B8A00, s4;
	s22 =	sshrl.u32 s14, $0x3  }
0x15: {  	s23 =	simm.s32 $0x4;
	s25 =	simm.s32 $0x80;
	[dreg:$0x8] =	wrdreg s21  }
0x16: {  	v0 =	vimm.f32 $0.0e+00;
	vm1 =	vcmask $0x1714;
	s26 =	simm.s32 $0x8800;
	s4 =	simm.s32 $0x5800;
	[dreg:$0xb] =	wrdreg s24  }
0x17: {  	vm0 =	vmmov $0x1f;
	v0 =	vsel vm1, $0x3F800000, v0;
	s21 =	smax.u32 s0, $0x1;
	s24 =	simm.s32 $0x1400;
	s0 =	simm.s32 $0x3  }
.LBB2_22:
0x18: {  	[spmem:s5] =	stream.indirect.scatter.add.f32 [tilespmem:s4], [sflag:$0x3], $0x60, s14, s25, $0xb8;
	[tilespmem:$0x18800] =	vst v63  }
0x19: {  	_ =	swait.ge [sflag:s0], $0x3000  }
0x1a: {  	[sflag:s0] =	ssyncset.done $0x0  }
0x1b: {  	s12 =	sadd.s32 $0x1, s12;
	[sflag:s0] =	ssyncadd.s32 $0xFFFFD000  }
0x1c: {  	p0 =	sne.s32 s12, s21;
	[bflag:$0x0] =	sbarrier.arrive $0xFFFF  }
0x1d: {  	[hbm:s20], [sflag:s11] =	dma.local [spmem:s22], $0x1E00  }
.Ltmp1:
0x1e: {  	_ =	swait.ge [sflag:s23], $0x1E00;
	(pc) =	sbr.rel @!p0 .LBB2_23-.Ltmp1, $3  }
0x1f: {  	[sflag:s23] =	ssyncset.done $0x0  }
0x20: {  	[sflag:s23] =	ssyncadd.s32 $0xFFFFE200  }
0x21: {  	[bflag:$0x0] =	sbarrier.arrive $0xFFFF;
	_ =	sdelay $0x1  }
.LBB2_1:
0x22: {  	[spmem:s22], [sflag:s11] =	dma.local [hbm:s10], $0x1E00  }
0x23: {  	_ =	swait.ge [sflag:s23], $0x1E00  }
0x24: {  	[sflag:s23] =	ssyncset.done $0x0  }
0x25: {  	[sflag:s23] =	ssyncadd.s32 $0xFFFFE200  }
0x26: {  	[bflag:$0x0] =	sbarrier.arrive $0xFFFF  }
0x27: {  	s13 =	rddreg [dreg:$0x6]  }
0x28: {  	[tilespmem:s6], [sflag:$0x4] =	stream.linear.gather [hbm4b:s13+s6], $0x1400, $0x38;
	[tilespmem:$0x18800] =	vst v63  }
0x29: {  	_ =	swait.ge [sflag:s23], $0x1400  }
0x2a: {  	[sflag:s23] =	ssyncset.done $0x0  }
0x2b: {  	s19 =	rddreg [dreg:$0x7];
	[sflag:s23] =	ssyncadd.s32 $0xFFFFEC00  }
0x2c: {  	[tilespmem:s24], [sflag:$0x4] =	stream.linear.gather [hbm4b:s19+s6], $0x1400, $0x38;
	[tilespmem:$0x18800] =	vst v63  }
0x2d: {  	_ =	swait.ge [sflag:s23], $0x1400  }
0x2e: {  	[sflag:s23] =	ssyncset.done $0x0  }
0x2f: {  	[sflag:s23] =	ssyncadd.s32 $0xFFFFEC00  }
0x30: {  	[tilespmem:s26], [sflag:$0x1] =	stream.indirect.gather [hbm4b:s7+s25], $0x10, s6, s25, $0xb8;
	[tilespmem:$0x18800] =	vst v63  }
0x31: {  	s13 =	simm.s32 $0x0  }
0x32: {  	[tilespmem:s28], [sflag:$0x2] =	stream.indirect.gather [hbm4b:s1+s25], $0x60, s24, s25, $0xb8;
	[tilespmem:$0x18800] =	vst v63  }
.LBB2_2:
0x33: {  	_ =	swait.ge [sflag:s29], $0x800  }
0x34: {  	[sflag:s29] =	ssyncset.done $0x0  }
0x35: {  	[sflag:s29] =	ssyncadd.s32 $0xFFFFF800  }
0x36: {  	_ =	swait.ge [sflag:s30], $0x3000  }
0x37: {  	p0 =	seq.s32 s13, $0x0;
	[sflag:s30] =	ssyncset.done $0x0  }
0x38: {  	s14 =	simm.s32 @!p0 $0x3;
	[sflag:s30] =	ssyncadd.s32 $0xFFFFD000  }
0x39: {  	_ =	swait.ge @!p0 [sflag:s14], $0x3000  }
0x3a: {  	s15 =	sshll.u32 s13, $0x8;
	[sflag:s14] =	ssyncset.done @!p0 $0x0  }
0x3b: {  	[sflag:s14] =	ssyncadd.s32 @!p0 $0xFFFFD000;
	s14 =	sor.u32 $0x80, s15  }
0x3c: {  	[tilespmem:s31], [sflag:$0x1] =	stream.indirect.gather [hbm4b:s7+s25], $0x10, s14, s25, $0xb8;
	[tilespmem:$0x18800] =	vst v63  }
0x3d: {  	s16 =	sadd.s32 $0x1480, s15  }
0x3e: {  	[tilespmem:s4], [sflag:$0x2] =	stream.indirect.gather [hbm4b:s1+s25], $0x60, s16, s25, $0xb8;
	[tilespmem:$0x18800] =	vst v63  }
0x3f: {  	s16 =	simm.s32 $0x2830  }
0x40: {  	s19 =	simm.s32 $0x0;
	s18 =	simm.s32 $0x40;
	s17 =	simm.s32 $0x2830;
	v1 =	vld [tilespmem:s16+$0x20]  }
.LBB2_3:
0x41: {  	p0 =	sne.s32 s18, $0x1FC0;
	v2 =	vld [tilespmem:s19+$0x8800];
	[tilespmem:s16+$0x20] =	vst v0;
	_ =	sdelay $0x4  }
0x42: {  	v1 =	vadd.f32 v1, v2;
	_ =	sdelay $0x1  }
0x43: {  	v1 =	vnsel vm0, $0xF149F2CA, v1  }
0x44: {  	(xrf0) =	vmax.scan.msk.f32 $0xffff, v1;
	_ =	sdelay $0x5  }
0x45: {  	v2, _, _ =	vpop (xrf0)  }
0x46: {  	v2 =	vbroadcast v2, $0xF;
	_ =	sdelay $0x1  }
0x47: {  	v1 =	vsub.f32 v1, v2;
	_ =	sdelay $0x1  }
0x48: {  	v1 =	vmul.f32 $1.442695020e+00, v1;
	_ =	sdelay $0x1  }
0x49: {  	(erf) = vpow2.f32 v1;
	_ =	sdelay $0x8  }
0x4a: {  	v1 =	vpop (erf)  }
0x4b: {  	(xrf2) =	vadd.scan.msk.f32 $0xffff, v1;
	_ =	sdelay $0x9  }
0x4c: {  	v2, _, _ =	vpop (xrf2)  }
0x4d: {  	v2 =	vbroadcast v2, $0xF;
	_ =	sdelay $0x1  }
0x4e: {  	(erf) = vrcp.f32 v2;
	_ =	sdelay $0x6  }
0x4f: {  	v2 =	vld [tilespmem:s16+$0xFFFFFFF0]  }
0x50: {  	v3 =	vld [tilespmem:s16+$0xFFFFFFE0]  }
0x51: {  	v4 =	vld [tilespmem:s16+$0xFFFFFFD0];
	v5 =	vpop (erf)  }
0x52: {  	v1 =	vmul.f32 v5, v1;
	v5 =	vld [tilespmem:s16+$0x0];
	_ =	sdelay $0x1  }
0x53: {  	v6 =	vbroadcast v1, $0x0;
	v7 =	vbroadcast v1, $0x1  }
0x54: {  	v8 =	vbroadcast v1, $0x2;
	v9 =	vbroadcast v1, $0x3;
	v10 =	vld [tilespmem:s16+$0x10]  }
0x55: {  	v4 =	vmul.f32 v6, v4;
	v3 =	vmul.f32 v7, v3  }
0x56: {  	v2 =	vmul.f32 v8, v2;
	v5 =	vmul.f32 v9, v5  }
.Ltmp2:
0x57: {  	v1 =	vbroadcast v1, $0x4;
	[tilespmem:s16+$0xFFFFFFD0] =	vst v4;
	(pc) =	sbr.rel @p0 .LBB2_3-.Ltmp2, $4  }
0x58: {  	[tilespmem:s16+$0xFFFFFFE0] =	vst v3  }
0x59: {  	[tilespmem:s16+$0xFFFFFFF0] =	vst v2;
	v2 =	vmul.f32 v1, v10  }
0x5a: {  	s16 =	sadd.s32 $0x60, s16;
	[tilespmem:s17+$0x0] =	vst v5  }
0x5b: {  	s19 =	sshra.s32 s18, $0x2;
	s18 =	sadd.s32 $0x40, s18;
	v1 =	vld [tilespmem:s16+$0x20];
	[tilespmem:s17+$0x10] =	vst v2;
	s17 =	smov.u32 s16  }
0x5c: {  	v2 =	vld [tilespmem:s19+$0x8800];
	_ =	sdelay $0x4  }
0x5d: {  	v1 =	vadd.f32 v1, v2;
	_ =	sdelay $0x1  }
0x5e: {  	v1 =	vnsel vm0, $0xF149F2CA, v1  }
0x5f: {  	(xrf0) =	vmax.scan.msk.f32 $0xffff, v1;
	_ =	sdelay $0x5  }
0x60: {  	v2, _, _ =	vpop (xrf0)  }
0x61: {  	v2 =	vbroadcast v2, $0xF;
	_ =	sdelay $0x1  }
0x62: {  	v1 =	vsub.f32 v1, v2;
	_ =	sdelay $0x1  }
0x63: {  	v1 =	vmul.f32 $1.442695020e+00, v1;
	_ =	sdelay $0x1  }
0x64: {  	(erf) = vpow2.f32 v1;
	_ =	sdelay $0x8  }
0x65: {  	v1 =	vpop (erf)  }
0x66: {  	(xrf2) =	vadd.scan.msk.f32 $0xffff, v1;
	_ =	sdelay $0x9  }
0x67: {  	v2, _, _ =	vpop (xrf2)  }
0x68: {  	v2 =	vbroadcast v2, $0xF;
	_ =	sdelay $0x1  }
0x69: {  	(erf) = vrcp.f32 v2;
	_ =	sdelay $0x8  }
0x6a: {  	v2 =	vld [tilespmem:s16+$0xFFFFFFD0];
	v3 =	vpop (erf)  }
0x6b: {  	v4 =	vld [tilespmem:s16+$0xFFFFFFE0];
	v1 =	vmul.f32 v3, v1  }
0x6c: {  	v3 =	vld [tilespmem:s16+$0xFFFFFFF0]  }
0x6d: {  	v5 =	vld [tilespmem:s16+$0x0];
	v6 =	vbroadcast v1, $0x0  }
0x6e: {  	v8 =	vld [tilespmem:s16+$0x10];
	v7 =	vbroadcast v1, $0x1  }
0x6f: {  	v9 =	vbroadcast v1, $0x2;
	v2 =	vmul.f32 v6, v2  }
0x70: {  	[tilespmem:s16+$0x20] =	vst v0;
	v63 =	vbroadcast v1, $0x3;
	v4 =	vmul.f32 v7, v4  }
0x71: {  	v1 =	vbroadcast v1, $0x4;
	v3 =	vmul.f32 v9, v3;
	[tilespmem:s16+$0xFFFFFFD0] =	vst v2  }
0x72: {  	v2 =	vmul.f32 v63, v5;
	[tilespmem:s16+$0xFFFFFFE0] =	vst v4  }
0x73: {  	v1 =	vmul.f32 v1, v8;
	[tilespmem:s16+$0xFFFFFFF0] =	vst v3  }
0x74: {  	[tilespmem:s17+$0x0] =	vst v2  }
0x75: {  	s19 =	sand.u32 $0x3FFFFF00, s15;
	[tilespmem:s17+$0x10] =	vst v1  }
0x76: {  	[spmem:s5] =	stream.indirect.scatter.add.f32 [tilespmem:s28], [sflag:$0x3], $0x60, s19, s25, $0xb8;
	[tilespmem:$0x18800] =	vst v63  }
0x77: {  	_ =	swait.ge [sflag:s29], $0x800  }
0x78: {  	[sflag:s29] =	ssyncset.done $0x0  }
0x79: {  	[sflag:s29] =	ssyncadd.s32 $0xFFFFF800  }
0x7a: {  	_ =	swait.ge [sflag:s30], $0x3000  }
0x7b: {  	[sflag:s30] =	ssyncset.done $0x0  }
0x7c: {  	s16 =	simm.s32 $0x5830;
	[sflag:s30] =	ssyncadd.s32 $0xFFFFD000  }
0x7d: {  	s18 =	simm.s32 $0x40;
	s17 =	simm.s32 $0x5830;
	s19 =	simm.s32 $0x0;
	v1 =	vld [tilespmem:s16+$0x20]  }
.LBB2_5:
0x7e: {  	p0 =	sne.s32 s18, $0x1FC0;
	v2 =	vld [tilespmem:s19+$0x9000];
	[tilespmem:s16+$0x20] =	vst v0;
	_ =	sdelay $0x4  }
0x7f: {  	v1 =	vadd.f32 v1, v2;
	_ =	sdelay $0x1  }
0x80: {  	v1 =	vnsel vm0, $0xF149F2CA, v1  }
0x81: {  	(xrf0) =	vmax.scan.msk.f32 $0xffff, v1;
	_ =	sdelay $0x5  }
0x82: {  	v2, _, _ =	vpop (xrf0)  }
0x83: {  	v2 =	vbroadcast v2, $0xF;
	_ =	sdelay $0x1  }
0x84: {  	v1 =	vsub.f32 v1, v2;
	_ =	sdelay $0x1  }
0x85: {  	v1 =	vmul.f32 $1.442695020e+00, v1;
	_ =	sdelay $0x1  }
0x86: {  	(erf) = vpow2.f32 v1;
	_ =	sdelay $0x8  }
0x87: {  	v1 =	vpop (erf)  }
0x88: {  	(xrf2) =	vadd.scan.msk.f32 $0xffff, v1;
	_ =	sdelay $0x9  }
0x89: {  	v2, _, _ =	vpop (xrf2)  }
0x8a: {  	v2 =	vbroadcast v2, $0xF;
	_ =	sdelay $0x1  }
0x8b: {  	(erf) = vrcp.f32 v2;
	_ =	sdelay $0x6  }
0x8c: {  	v2 =	vld [tilespmem:s16+$0xFFFFFFF0]  }
0x8d: {  	v3 =	vld [tilespmem:s16+$0xFFFFFFE0]  }
0x8e: {  	v4 =	vld [tilespmem:s16+$0xFFFFFFD0];
	v5 =	vpop (erf)  }
0x8f: {  	v1 =	vmul.f32 v5, v1;
	v5 =	vld [tilespmem:s16+$0x0];
	_ =	sdelay $0x1  }
0x90: {  	v6 =	vbroadcast v1, $0x0;
	v7 =	vbroadcast v1, $0x1  }
0x91: {  	v8 =	vbroadcast v1, $0x2;
	v9 =	vbroadcast v1, $0x3;
	v10 =	vld [tilespmem:s16+$0x10]  }
0x92: {  	v4 =	vmul.f32 v6, v4;
	v3 =	vmul.f32 v7, v3  }
0x93: {  	v2 =	vmul.f32 v8, v2;
	v5 =	vmul.f32 v9, v5  }
.Ltmp3:
0x94: {  	v1 =	vbroadcast v1, $0x4;
	[tilespmem:s16+$0xFFFFFFD0] =	vst v4;
	(pc) =	sbr.rel @p0 .LBB2_5-.Ltmp3, $4  }
0x95: {  	[tilespmem:s16+$0xFFFFFFE0] =	vst v3  }
0x96: {  	[tilespmem:s16+$0xFFFFFFF0] =	vst v2;
	v2 =	vmul.f32 v1, v10  }
0x97: {  	s16 =	sadd.s32 $0x60, s16;
	[tilespmem:s17+$0x0] =	vst v5  }
0x98: {  	s19 =	sshra.s32 s18, $0x2;
	s18 =	sadd.s32 $0x40, s18;
	v1 =	vld [tilespmem:s16+$0x20];
	[tilespmem:s17+$0x10] =	vst v2;
	s17 =	smov.u32 s16  }
0x99: {  	v2 =	vld [tilespmem:s19+$0x9000];
	_ =	sdelay $0x4  }
0x9a: {  	v1 =	vadd.f32 v1, v2;
	_ =	sdelay $0x1  }
0x9b: {  	v1 =	vnsel vm0, $0xF149F2CA, v1  }
0x9c: {  	(xrf0) =	vmax.scan.msk.f32 $0xffff, v1;
	_ =	sdelay $0x5  }
0x9d: {  	v2, _, _ =	vpop (xrf0)  }
0x9e: {  	v2 =	vbroadcast v2, $0xF;
	_ =	sdelay $0x1  }
0x9f: {  	v1 =	vsub.f32 v1, v2;
	_ =	sdelay $0x1  }
0xa0: {  	v1 =	vmul.f32 $1.442695020e+00, v1;
	_ =	sdelay $0x1  }
0xa1: {  	(erf) = vpow2.f32 v1;
	_ =	sdelay $0x8  }
0xa2: {  	v1 =	vpop (erf)  }
0xa3: {  	(xrf2) =	vadd.scan.msk.f32 $0xffff, v1;
	_ =	sdelay $0x9  }
0xa4: {  	v2, _, _ =	vpop (xrf2)  }
0xa5: {  	v2 =	vbroadcast v2, $0xF;
	_ =	sdelay $0x1  }
0xa6: {  	(erf) = vrcp.f32 v2;
	_ =	sdelay $0x8  }
0xa7: {  	v2 =	vld [tilespmem:s16+$0xFFFFFFD0];
	v3 =	vpop (erf)  }
0xa8: {  	v4 =	vld [tilespmem:s16+$0xFFFFFFE0];
	v1 =	vmul.f32 v3, v1  }
0xa9: {  	v3 =	vld [tilespmem:s16+$0xFFFFFFF0]  }
0xaa: {  	v5 =	vld [tilespmem:s16+$0x0];
	v6 =	vbroadcast v1, $0x0  }
0xab: {  	v8 =	vld [tilespmem:s16+$0x10];
	v7 =	vbroadcast v1, $0x1  }
0xac: {  	v9 =	vbroadcast v1, $0x2;
	v2 =	vmul.f32 v6, v2  }
0xad: {  	[tilespmem:s16+$0x20] =	vst v0;
	v63 =	vbroadcast v1, $0x3;
	v4 =	vmul.f32 v7, v4  }
0xae: {  	v1 =	vbroadcast v1, $0x4;
	v3 =	vmul.f32 v9, v3;
	[tilespmem:s16+$0xFFFFFFD0] =	vst v2  }
0xaf: {  	v2 =	vmul.f32 v63, v5;
	[tilespmem:s16+$0xFFFFFFE0] =	vst v4  }
0xb0: {  	p0 =	seq.s32 s13, $0x13;
	v1 =	vmul.f32 v1, v8;
	[tilespmem:s16+$0xFFFFFFF0] =	vst v3  }
.Ltmp4:
0xb1: {  	[tilespmem:s17+$0x0] =	vst v2;
	(pc) =	sbr.rel @p0 .LBB2_8-.Ltmp4, $4  }
0xb2: {  	[tilespmem:s17+$0x10] =	vst v1  }
0xb3: {  	_ =	swait.ge [sflag:s0], $0x3000  }
0xb4: {  	[sflag:s0] =	ssyncset.done $0x0  }
0xb5: {  	[sflag:s0] =	ssyncadd.s32 $0xFFFFD000  }
0xb6: {  	s16 =	sadd.s32 $0x100, s15  }
0xb7: {  	[tilespmem:s26], [sflag:$0x1] =	stream.indirect.gather [hbm4b:s7+s25], $0x10, s16, s25, $0xb8;
	[tilespmem:$0x18800] =	vst v63  }
.Ltmp5:
0xb8: {  	_ = 	snop;
	(pc) =	sbr.rel .LBB2_2-.Ltmp5, $4  }
0xb9: {  	s19 =	sadd.s32 $0x1500, s15  }
0xba: {  	[tilespmem:s28], [sflag:$0x2] =	stream.indirect.gather [hbm4b:s1+s25], $0x60, s19, s25, $0xb8;
	[tilespmem:$0x18800] =	vst v63  }
0xbb: {  	s13 =	sadd.s32 $0x1, s13  }
0xbc: {  	[spmem:s5] =	stream.indirect.scatter.add.f32 [tilespmem:s4], [sflag:$0x3], $0x60, s14, s25, $0xb8;
	[tilespmem:$0x18800] =	vst v63  }
.LBB2_8:
0xbd: {  	[spmem:s5] =	stream.indirect.scatter.add.f32 [tilespmem:s4], [sflag:$0x3], $0x60, s14, s25, $0xb8;
	[tilespmem:$0x18800] =	vst v63  }
0xbe: {  	_ =	swait.ge [sflag:s0], $0x3000  }
0xbf: {  	[sflag:s0] =	ssyncset.done $0x0  }
0xc0: {  	[sflag:s0] =	ssyncadd.s32 $0xFFFFD000  }
0xc1: {  	[bflag:$0x0] =	sbarrier.arrive $0xFFFF  }
0xc2: {  	s13 =	rddreg [dreg:$0x8]  }
0xc3: {  	[hbm:s13], [sflag:s11] =	dma.local [spmem:s22], $0x1E00  }
0xc4: {  	_ =	swait.ge [sflag:s23], $0x1E00  }
0xc5: {  	[sflag:s23] =	ssyncset.done $0x0  }
0xc6: {  	[sflag:s23] =	ssyncadd.s32 $0xFFFFE200  }
0xc7: {  	[spmem:s22], [sflag:s11] =	dma.local [hbm:s10], $0x1E00  }
0xc8: {  	_ =	swait.ge [sflag:s23], $0x1E00  }
0xc9: {  	[sflag:s23] =	ssyncset.done $0x0  }
0xca: {  	[sflag:s23] =	ssyncadd.s32 $0xFFFFE200  }
0xcb: {  	[bflag:$0x0] =	sbarrier.arrive $0xFFFF  }
0xcc: {  	s13 =	simm.s32 $0x0;
	s18 =	rddreg [dreg:$0x9]  }
0xcd: {  	[tilespmem:s13], [sflag:$0x4] =	stream.linear.gather [hbm4b:s18+s13], $0x1400, $0x38;
	[tilespmem:$0x18800] =	vst v63  }
0xce: {  	_ =	swait.ge [sflag:s23], $0x1400  }
0xcf: {  	[sflag:s23] =	ssyncset.done $0x0  }
0xd0: {  	s19 =	rddreg [dreg:$0xa];
	[sflag:s23] =	ssyncadd.s32 $0xFFFFEC00  }
0xd1: {  	[tilespmem:s24], [sflag:$0x4] =	stream.linear.gather [hbm4b:s19+s13], $0x1400, $0x38;
	[tilespmem:$0x18800] =	vst v63  }
0xd2: {  	_ =	swait.ge [sflag:s23], $0x1400  }
0xd3: {  	[sflag:s23] =	ssyncset.done $0x0  }
0xd4: {  	[sflag:s23] =	ssyncadd.s32 $0xFFFFEC00  }
0xd5: {  	[tilespmem:s26], [sflag:$0x1] =	stream.indirect.gather [hbm4b:s8+s25], $0x10, s13, s25, $0xb8;
	[tilespmem:$0x18800] =	vst v63  }
0xd6: {  	_ = 	snop  }
0xd7: {  	[tilespmem:s28], [sflag:$0x2] =	stream.indirect.gather [hbm4b:s2+s25], $0x60, s24, s25, $0xb8;
	[tilespmem:$0x18800] =	vst v63  }
.LBB2_9:
0xd8: {  	_ =	swait.ge [sflag:s29], $0x800  }
0xd9: {  	[sflag:s29] =	ssyncset.done $0x0  }
0xda: {  	[sflag:s29] =	ssyncadd.s32 $0xFFFFF800  }
0xdb: {  	_ =	swait.ge [sflag:s30], $0x3000  }
0xdc: {  	p0 =	seq.s32 s13, $0x0;
	[sflag:s30] =	ssyncset.done $0x0  }
0xdd: {  	s14 =	simm.s32 @!p0 $0x3;
	[sflag:s30] =	ssyncadd.s32 $0xFFFFD000  }
0xde: {  	_ =	swait.ge @!p0 [sflag:s14], $0x3000  }
0xdf: {  	s15 =	sshll.u32 s13, $0x8;
	[sflag:s14] =	ssyncset.done @!p0 $0x0  }
0xe0: {  	[sflag:s14] =	ssyncadd.s32 @!p0 $0xFFFFD000;
	s14 =	sor.u32 $0x80, s15  }
0xe1: {  	[tilespmem:s31], [sflag:$0x1] =	stream.indirect.gather [hbm4b:s8+s25], $0x10, s14, s25, $0xb8;
	[tilespmem:$0x18800] =	vst v63  }
0xe2: {  	s16 =	sadd.s32 $0x1480, s15  }
0xe3: {  	[tilespmem:s4], [sflag:$0x2] =	stream.indirect.gather [hbm4b:s2+s25], $0x60, s16, s25, $0xb8;
	[tilespmem:$0x18800] =	vst v63  }
0xe4: {  	s16 =	simm.s32 $0x2830  }
0xe5: {  	s19 =	simm.s32 $0x0;
	s18 =	simm.s32 $0x40;
	s17 =	simm.s32 $0x2830;
	v1 =	vld [tilespmem:s16+$0x20]  }
.LBB2_10:
0xe6: {  	p0 =	sne.s32 s18, $0x1FC0;
	v2 =	vld [tilespmem:s19+$0x8800];
	[tilespmem:s16+$0x20] =	vst v0;
	_ =	sdelay $0x4  }
0xe7: {  	v1 =	vadd.f32 v1, v2;
	_ =	sdelay $0x1  }
0xe8: {  	v1 =	vnsel vm0, $0xF149F2CA, v1  }
0xe9: {  	(xrf0) =	vmax.scan.msk.f32 $0xffff, v1;
	_ =	sdelay $0x5  }
0xea: {  	v2, _, _ =	vpop (xrf0)  }
0xeb: {  	v2 =	vbroadcast v2, $0xF;
	_ =	sdelay $0x1  }
0xec: {  	v1 =	vsub.f32 v1, v2;
	_ =	sdelay $0x1  }
0xed: {  	v1 =	vmul.f32 $1.442695020e+00, v1;
	_ =	sdelay $0x1  }
0xee: {  	(erf) = vpow2.f32 v1;
	_ =	sdelay $0x8  }
0xef: {  	v1 =	vpop (erf)  }
0xf0: {  	(xrf2) =	vadd.scan.msk.f32 $0xffff, v1;
	_ =	sdelay $0x9  }
0xf1: {  	v2, _, _ =	vpop (xrf2)  }
0xf2: {  	v2 =	vbroadcast v2, $0xF;
	_ =	sdelay $0x1  }
0xf3: {  	(erf) = vrcp.f32 v2;
	_ =	sdelay $0x6  }
0xf4: {  	v2 =	vld [tilespmem:s16+$0xFFFFFFF0]  }
0xf5: {  	v3 =	vld [tilespmem:s16+$0xFFFFFFE0]  }
0xf6: {  	v4 =	vld [tilespmem:s16+$0xFFFFFFD0];
	v5 =	vpop (erf)  }
0xf7: {  	v1 =	vmul.f32 v5, v1;
	v5 =	vld [tilespmem:s16+$0x0];
	_ =	sdelay $0x1  }
0xf8: {  	v6 =	vbroadcast v1, $0x0;
	v7 =	vbroadcast v1, $0x1  }
0xf9: {  	v8 =	vbroadcast v1, $0x2;
	v9 =	vbroadcast v1, $0x3;
	v10 =	vld [tilespmem:s16+$0x10]  }
0xfa: {  	v4 =	vmul.f32 v6, v4;
	v3 =	vmul.f32 v7, v3  }
0xfb: {  	v2 =	vmul.f32 v8, v2;
	v5 =	vmul.f32 v9, v5  }
.Ltmp6:
0xfc: {  	v1 =	vbroadcast v1, $0x4;
	[tilespmem:s16+$0xFFFFFFD0] =	vst v4;
	(pc) =	sbr.rel @p0 .LBB2_10-.Ltmp6, $4  }
0xfd: {  	[tilespmem:s16+$0xFFFFFFE0] =	vst v3  }
0xfe: {  	[tilespmem:s16+$0xFFFFFFF0] =	vst v2;
	v2 =	vmul.f32 v1, v10  }
0xff: {  	s16 =	sadd.s32 $0x60, s16;
	[tilespmem:s17+$0x0] =	vst v5  }
0x100: {  	s19 =	sshra.s32 s18, $0x2;
	s18 =	sadd.s32 $0x40, s18;
	v1 =	vld [tilespmem:s16+$0x20];
	[tilespmem:s17+$0x10] =	vst v2;
	s17 =	smov.u32 s16  }
0x101: {  	v2 =	vld [tilespmem:s19+$0x8800];
	_ =	sdelay $0x4  }
0x102: {  	v1 =	vadd.f32 v1, v2;
	_ =	sdelay $0x1  }
0x103: {  	v1 =	vnsel vm0, $0xF149F2CA, v1  }
0x104: {  	(xrf0) =	vmax.scan.msk.f32 $0xffff, v1;
	_ =	sdelay $0x5  }
0x105: {  	v2, _, _ =	vpop (xrf0)  }
0x106: {  	v2 =	vbroadcast v2, $0xF;
	_ =	sdelay $0x1  }
0x107: {  	v1 =	vsub.f32 v1, v2;
	_ =	sdelay $0x1  }
0x108: {  	v1 =	vmul.f32 $1.442695020e+00, v1;
	_ =	sdelay $0x1  }
0x109: {  	(erf) = vpow2.f32 v1;
	_ =	sdelay $0x8  }
0x10a: {  	v1 =	vpop (erf)  }
0x10b: {  	(xrf2) =	vadd.scan.msk.f32 $0xffff, v1;
	_ =	sdelay $0x9  }
0x10c: {  	v2, _, _ =	vpop (xrf2)  }
0x10d: {  	v2 =	vbroadcast v2, $0xF;
	_ =	sdelay $0x1  }
0x10e: {  	(erf) = vrcp.f32 v2;
	_ =	sdelay $0x8  }
0x10f: {  	v2 =	vld [tilespmem:s16+$0xFFFFFFD0];
	v3 =	vpop (erf)  }
0x110: {  	v4 =	vld [tilespmem:s16+$0xFFFFFFE0];
	v1 =	vmul.f32 v3, v1  }
0x111: {  	v3 =	vld [tilespmem:s16+$0xFFFFFFF0]  }
0x112: {  	v5 =	vld [tilespmem:s16+$0x0];
	v6 =	vbroadcast v1, $0x0  }
0x113: {  	v8 =	vld [tilespmem:s16+$0x10];
	v7 =	vbroadcast v1, $0x1  }
0x114: {  	v9 =	vbroadcast v1, $0x2;
	v2 =	vmul.f32 v6, v2  }
0x115: {  	[tilespmem:s16+$0x20] =	vst v0;
	v63 =	vbroadcast v1, $0x3;
	v4 =	vmul.f32 v7, v4  }
0x116: {  	v1 =	vbroadcast v1, $0x4;
	v3 =	vmul.f32 v9, v3;
	[tilespmem:s16+$0xFFFFFFD0] =	vst v2  }
0x117: {  	v2 =	vmul.f32 v63, v5;
	[tilespmem:s16+$0xFFFFFFE0] =	vst v4  }
0x118: {  	v1 =	vmul.f32 v1, v8;
	[tilespmem:s16+$0xFFFFFFF0] =	vst v3  }
0x119: {  	[tilespmem:s17+$0x0] =	vst v2  }
0x11a: {  	s19 =	sand.u32 $0x3FFFFF00, s15;
	[tilespmem:s17+$0x10] =	vst v1  }
0x11b: {  	[spmem:s5] =	stream.indirect.scatter.add.f32 [tilespmem:s28], [sflag:$0x3], $0x60, s19, s25, $0xb8;
	[tilespmem:$0x18800] =	vst v63  }
0x11c: {  	_ =	swait.ge [sflag:s29], $0x800  }
0x11d: {  	[sflag:s29] =	ssyncset.done $0x0  }
0x11e: {  	[sflag:s29] =	ssyncadd.s32 $0xFFFFF800  }
0x11f: {  	_ =	swait.ge [sflag:s30], $0x3000  }
0x120: {  	[sflag:s30] =	ssyncset.done $0x0  }
0x121: {  	s16 =	simm.s32 $0x5830;
	[sflag:s30] =	ssyncadd.s32 $0xFFFFD000  }
0x122: {  	s18 =	simm.s32 $0x40;
	s17 =	simm.s32 $0x5830;
	s19 =	simm.s32 $0x0;
	v1 =	vld [tilespmem:s16+$0x20]  }
.LBB2_12:
0x123: {  	p0 =	sne.s32 s18, $0x1FC0;
	v2 =	vld [tilespmem:s19+$0x9000];
	[tilespmem:s16+$0x20] =	vst v0;
	_ =	sdelay $0x4  }
0x124: {  	v1 =	vadd.f32 v1, v2;
	_ =	sdelay $0x1  }
0x125: {  	v1 =	vnsel vm0, $0xF149F2CA, v1  }
0x126: {  	(xrf0) =	vmax.scan.msk.f32 $0xffff, v1;
	_ =	sdelay $0x5  }
0x127: {  	v2, _, _ =	vpop (xrf0)  }
0x128: {  	v2 =	vbroadcast v2, $0xF;
	_ =	sdelay $0x1  }
0x129: {  	v1 =	vsub.f32 v1, v2;
	_ =	sdelay $0x1  }
0x12a: {  	v1 =	vmul.f32 $1.442695020e+00, v1;
	_ =	sdelay $0x1  }
0x12b: {  	(erf) = vpow2.f32 v1;
	_ =	sdelay $0x8  }
0x12c: {  	v1 =	vpop (erf)  }
0x12d: {  	(xrf2) =	vadd.scan.msk.f32 $0xffff, v1;
	_ =	sdelay $0x9  }
0x12e: {  	v2, _, _ =	vpop (xrf2)  }
0x12f: {  	v2 =	vbroadcast v2, $0xF;
	_ =	sdelay $0x1  }
0x130: {  	(erf) = vrcp.f32 v2;
	_ =	sdelay $0x6  }
0x131: {  	v2 =	vld [tilespmem:s16+$0xFFFFFFF0]  }
0x132: {  	v3 =	vld [tilespmem:s16+$0xFFFFFFE0]  }
0x133: {  	v4 =	vld [tilespmem:s16+$0xFFFFFFD0];
	v5 =	vpop (erf)  }
0x134: {  	v1 =	vmul.f32 v5, v1;
	v5 =	vld [tilespmem:s16+$0x0];
	_ =	sdelay $0x1  }
0x135: {  	v6 =	vbroadcast v1, $0x0;
	v7 =	vbroadcast v1, $0x1  }
0x136: {  	v8 =	vbroadcast v1, $0x2;
	v9 =	vbroadcast v1, $0x3;
	v10 =	vld [tilespmem:s16+$0x10]  }
0x137: {  	v4 =	vmul.f32 v6, v4;
	v3 =	vmul.f32 v7, v3  }
0x138: {  	v2 =	vmul.f32 v8, v2;
	v5 =	vmul.f32 v9, v5  }
.Ltmp7:
0x139: {  	v1 =	vbroadcast v1, $0x4;
	[tilespmem:s16+$0xFFFFFFD0] =	vst v4;
	(pc) =	sbr.rel @p0 .LBB2_12-.Ltmp7, $4  }
0x13a: {  	[tilespmem:s16+$0xFFFFFFE0] =	vst v3  }
0x13b: {  	[tilespmem:s16+$0xFFFFFFF0] =	vst v2;
	v2 =	vmul.f32 v1, v10  }
0x13c: {  	s16 =	sadd.s32 $0x60, s16;
	[tilespmem:s17+$0x0] =	vst v5  }
0x13d: {  	s19 =	sshra.s32 s18, $0x2;
	s18 =	sadd.s32 $0x40, s18;
	v1 =	vld [tilespmem:s16+$0x20];
	[tilespmem:s17+$0x10] =	vst v2;
	s17 =	smov.u32 s16  }
0x13e: {  	v2 =	vld [tilespmem:s19+$0x9000];
	_ =	sdelay $0x4  }
0x13f: {  	v1 =	vadd.f32 v1, v2;
	_ =	sdelay $0x1  }
0x140: {  	v1 =	vnsel vm0, $0xF149F2CA, v1  }
0x141: {  	(xrf0) =	vmax.scan.msk.f32 $0xffff, v1;
	_ =	sdelay $0x5  }
0x142: {  	v2, _, _ =	vpop (xrf0)  }
0x143: {  	v2 =	vbroadcast v2, $0xF;
	_ =	sdelay $0x1  }
0x144: {  	v1 =	vsub.f32 v1, v2;
	_ =	sdelay $0x1  }
0x145: {  	v1 =	vmul.f32 $1.442695020e+00, v1;
	_ =	sdelay $0x1  }
0x146: {  	(erf) = vpow2.f32 v1;
	_ =	sdelay $0x8  }
0x147: {  	v1 =	vpop (erf)  }
0x148: {  	(xrf2) =	vadd.scan.msk.f32 $0xffff, v1;
	_ =	sdelay $0x9  }
0x149: {  	v2, _, _ =	vpop (xrf2)  }
0x14a: {  	v2 =	vbroadcast v2, $0xF;
	_ =	sdelay $0x1  }
0x14b: {  	(erf) = vrcp.f32 v2;
	_ =	sdelay $0x8  }
0x14c: {  	v2 =	vld [tilespmem:s16+$0xFFFFFFD0];
	v3 =	vpop (erf)  }
0x14d: {  	v4 =	vld [tilespmem:s16+$0xFFFFFFE0];
	v1 =	vmul.f32 v3, v1  }
0x14e: {  	v3 =	vld [tilespmem:s16+$0xFFFFFFF0]  }
0x14f: {  	v5 =	vld [tilespmem:s16+$0x0];
	v6 =	vbroadcast v1, $0x0  }
0x150: {  	v8 =	vld [tilespmem:s16+$0x10];
	v7 =	vbroadcast v1, $0x1  }
0x151: {  	v9 =	vbroadcast v1, $0x2;
	v2 =	vmul.f32 v6, v2  }
0x152: {  	[tilespmem:s16+$0x20] =	vst v0;
	v63 =	vbroadcast v1, $0x3;
	v4 =	vmul.f32 v7, v4  }
0x153: {  	v1 =	vbroadcast v1, $0x4;
	v3 =	vmul.f32 v9, v3;
	[tilespmem:s16+$0xFFFFFFD0] =	vst v2  }
0x154: {  	v2 =	vmul.f32 v63, v5;
	[tilespmem:s16+$0xFFFFFFE0] =	vst v4  }
0x155: {  	p0 =	seq.s32 s13, $0x13;
	v1 =	vmul.f32 v1, v8;
	[tilespmem:s16+$0xFFFFFFF0] =	vst v3  }
.Ltmp8:
0x156: {  	[tilespmem:s17+$0x0] =	vst v2;
	(pc) =	sbr.rel @p0 .LBB2_15-.Ltmp8, $4  }
0x157: {  	[tilespmem:s17+$0x10] =	vst v1  }
0x158: {  	_ =	swait.ge [sflag:s0], $0x3000  }
0x159: {  	[sflag:s0] =	ssyncset.done $0x0  }
0x15a: {  	[sflag:s0] =	ssyncadd.s32 $0xFFFFD000  }
0x15b: {  	s16 =	sadd.s32 $0x100, s15  }
0x15c: {  	[tilespmem:s26], [sflag:$0x1] =	stream.indirect.gather [hbm4b:s8+s25], $0x10, s16, s25, $0xb8;
	[tilespmem:$0x18800] =	vst v63  }
.Ltmp9:
0x15d: {  	_ = 	snop;
	(pc) =	sbr.rel .LBB2_9-.Ltmp9, $4  }
0x15e: {  	s19 =	sadd.s32 $0x1500, s15  }
0x15f: {  	[tilespmem:s28], [sflag:$0x2] =	stream.indirect.gather [hbm4b:s2+s25], $0x60, s19, s25, $0xb8;
	[tilespmem:$0x18800] =	vst v63  }
0x160: {  	s13 =	sadd.s32 $0x1, s13  }
0x161: {  	[spmem:s5] =	stream.indirect.scatter.add.f32 [tilespmem:s4], [sflag:$0x3], $0x60, s14, s25, $0xb8;
	[tilespmem:$0x18800] =	vst v63  }
.LBB2_15:
0x162: {  	[spmem:s5] =	stream.indirect.scatter.add.f32 [tilespmem:s4], [sflag:$0x3], $0x60, s14, s25, $0xb8;
	[tilespmem:$0x18800] =	vst v63  }
0x163: {  	_ =	swait.ge [sflag:s0], $0x3000  }
0x164: {  	[sflag:s0] =	ssyncset.done $0x0  }
0x165: {  	[sflag:s0] =	ssyncadd.s32 $0xFFFFD000  }
0x166: {  	[bflag:$0x0] =	sbarrier.arrive $0xFFFF  }
0x167: {  	s13 =	rddreg [dreg:$0xb]  }
0x168: {  	[hbm:s13], [sflag:s11] =	dma.local [spmem:s22], $0x1E00  }
0x169: {  	_ =	swait.ge [sflag:s23], $0x1E00  }
0x16a: {  	[sflag:s23] =	ssyncset.done $0x0  }
0x16b: {  	[sflag:s23] =	ssyncadd.s32 $0xFFFFE200  }
0x16c: {  	[spmem:s22], [sflag:s11] =	dma.local [hbm:s10], $0x1E00  }
0x16d: {  	_ =	swait.ge [sflag:s23], $0x1E00  }
0x16e: {  	[sflag:s23] =	ssyncset.done $0x0  }
0x16f: {  	[sflag:s23] =	ssyncadd.s32 $0xFFFFE200  }
0x170: {  	[bflag:$0x0] =	sbarrier.arrive $0xFFFF  }
0x171: {  	s13 =	simm.s32 $0x0;
	s18 =	rddreg [dreg:$0xc]  }
0x172: {  	[tilespmem:s13], [sflag:$0x4] =	stream.linear.gather [hbm4b:s18+s13], $0x1400, $0x38;
	[tilespmem:$0x18800] =	vst v63  }
0x173: {  	_ =	swait.ge [sflag:s23], $0x1400  }
0x174: {  	[sflag:s23] =	ssyncset.done $0x0  }
0x175: {  	s19 =	rddreg [dreg:$0xd];
	[sflag:s23] =	ssyncadd.s32 $0xFFFFEC00  }
0x176: {  	[tilespmem:s24], [sflag:$0x4] =	stream.linear.gather [hbm4b:s19+s13], $0x1400, $0x38;
	[tilespmem:$0x18800] =	vst v63  }
0x177: {  	_ =	swait.ge [sflag:s23], $0x1400  }
0x178: {  	[sflag:s23] =	ssyncset.done $0x0  }
0x179: {  	[sflag:s23] =	ssyncadd.s32 $0xFFFFEC00  }
0x17a: {  	[tilespmem:s26], [sflag:$0x1] =	stream.indirect.gather [hbm4b:s9+s25], $0x10, s13, s25, $0xb8;
	[tilespmem:$0x18800] =	vst v63  }
0x17b: {  	_ = 	snop  }
0x17c: {  	[tilespmem:s28], [sflag:$0x2] =	stream.indirect.gather [hbm4b:s3+s25], $0x60, s24, s25, $0xb8;
	[tilespmem:$0x18800] =	vst v63  }
.LBB2_16:
0x17d: {  	_ =	swait.ge [sflag:s29], $0x800  }
0x17e: {  	[sflag:s29] =	ssyncset.done $0x0  }
0x17f: {  	[sflag:s29] =	ssyncadd.s32 $0xFFFFF800  }
0x180: {  	_ =	swait.ge [sflag:s30], $0x3000  }
0x181: {  	p0 =	seq.s32 s13, $0x0;
	[sflag:s30] =	ssyncset.done $0x0  }
0x182: {  	s14 =	simm.s32 @!p0 $0x3;
	[sflag:s30] =	ssyncadd.s32 $0xFFFFD000  }
0x183: {  	_ =	swait.ge @!p0 [sflag:s14], $0x3000  }
0x184: {  	s15 =	sshll.u32 s13, $0x8;
	[sflag:s14] =	ssyncset.done @!p0 $0x0  }
0x185: {  	[sflag:s14] =	ssyncadd.s32 @!p0 $0xFFFFD000;
	s14 =	sor.u32 $0x80, s15  }
0x186: {  	[tilespmem:s31], [sflag:$0x1] =	stream.indirect.gather [hbm4b:s9+s25], $0x10, s14, s25, $0xb8;
	[tilespmem:$0x18800] =	vst v63  }
0x187: {  	s16 =	sadd.s32 $0x1480, s15  }
0x188: {  	[tilespmem:s4], [sflag:$0x2] =	stream.indirect.gather [hbm4b:s3+s25], $0x60, s16, s25, $0xb8;
	[tilespmem:$0x18800] =	vst v63  }
0x189: {  	s16 =	simm.s32 $0x2830  }
0x18a: {  	s19 =	simm.s32 $0x0;
	s18 =	simm.s32 $0x40;
	s17 =	simm.s32 $0x2830;
	v1 =	vld [tilespmem:s16+$0x20]  }
.LBB2_17:
0x18b: {  	p0 =	sne.s32 s18, $0x1FC0;
	v2 =	vld [tilespmem:s19+$0x8800];
	[tilespmem:s16+$0x20] =	vst v0;
	_ =	sdelay $0x4  }
0x18c: {  	v1 =	vadd.f32 v1, v2;
	_ =	sdelay $0x1  }
0x18d: {  	v1 =	vnsel vm0, $0xF149F2CA, v1  }
0x18e: {  	(xrf0) =	vmax.scan.msk.f32 $0xffff, v1;
	_ =	sdelay $0x5  }
0x18f: {  	v2, _, _ =	vpop (xrf0)  }
0x190: {  	v2 =	vbroadcast v2, $0xF;
	_ =	sdelay $0x1  }
0x191: {  	v1 =	vsub.f32 v1, v2;
	_ =	sdelay $0x1  }
0x192: {  	v1 =	vmul.f32 $1.442695020e+00, v1;
	_ =	sdelay $0x1  }
0x193: {  	(erf) = vpow2.f32 v1;
	_ =	sdelay $0x8  }
0x194: {  	v1 =	vpop (erf)  }
0x195: {  	(xrf2) =	vadd.scan.msk.f32 $0xffff, v1;
	_ =	sdelay $0x9  }
0x196: {  	v2, _, _ =	vpop (xrf2)  }
0x197: {  	v2 =	vbroadcast v2, $0xF;
	_ =	sdelay $0x1  }
0x198: {  	(erf) = vrcp.f32 v2;
	_ =	sdelay $0x6  }
0x199: {  	v2 =	vld [tilespmem:s16+$0xFFFFFFF0]  }
0x19a: {  	v3 =	vld [tilespmem:s16+$0xFFFFFFE0]  }
0x19b: {  	v4 =	vld [tilespmem:s16+$0xFFFFFFD0];
	v5 =	vpop (erf)  }
0x19c: {  	v1 =	vmul.f32 v5, v1;
	v5 =	vld [tilespmem:s16+$0x0];
	_ =	sdelay $0x1  }
0x19d: {  	v6 =	vbroadcast v1, $0x0;
	v7 =	vbroadcast v1, $0x1  }
0x19e: {  	v8 =	vbroadcast v1, $0x2;
	v9 =	vbroadcast v1, $0x3;
	v10 =	vld [tilespmem:s16+$0x10]  }
0x19f: {  	v4 =	vmul.f32 v6, v4;
	v3 =	vmul.f32 v7, v3  }
0x1a0: {  	v2 =	vmul.f32 v8, v2;
	v5 =	vmul.f32 v9, v5  }
.Ltmp10:
0x1a1: {  	v1 =	vbroadcast v1, $0x4;
	[tilespmem:s16+$0xFFFFFFD0] =	vst v4;
	(pc) =	sbr.rel @p0 .LBB2_17-.Ltmp10, $4  }
0x1a2: {  	[tilespmem:s16+$0xFFFFFFE0] =	vst v3  }
0x1a3: {  	[tilespmem:s16+$0xFFFFFFF0] =	vst v2;
	v2 =	vmul.f32 v1, v10  }
0x1a4: {  	s16 =	sadd.s32 $0x60, s16;
	[tilespmem:s17+$0x0] =	vst v5  }
0x1a5: {  	s19 =	sshra.s32 s18, $0x2;
	s18 =	sadd.s32 $0x40, s18;
	v1 =	vld [tilespmem:s16+$0x20];
	[tilespmem:s17+$0x10] =	vst v2;
	s17 =	smov.u32 s16  }
0x1a6: {  	v2 =	vld [tilespmem:s19+$0x8800];
	_ =	sdelay $0x4  }
0x1a7: {  	v1 =	vadd.f32 v1, v2;
	_ =	sdelay $0x1  }
0x1a8: {  	v1 =	vnsel vm0, $0xF149F2CA, v1  }
0x1a9: {  	(xrf0) =	vmax.scan.msk.f32 $0xffff, v1;
	_ =	sdelay $0x5  }
0x1aa: {  	v2, _, _ =	vpop (xrf0)  }
0x1ab: {  	v2 =	vbroadcast v2, $0xF;
	_ =	sdelay $0x1  }
0x1ac: {  	v1 =	vsub.f32 v1, v2;
	_ =	sdelay $0x1  }
0x1ad: {  	v1 =	vmul.f32 $1.442695020e+00, v1;
	_ =	sdelay $0x1  }
0x1ae: {  	(erf) = vpow2.f32 v1;
	_ =	sdelay $0x8  }
0x1af: {  	v1 =	vpop (erf)  }
0x1b0: {  	(xrf2) =	vadd.scan.msk.f32 $0xffff, v1;
	_ =	sdelay $0x9  }
0x1b1: {  	v2, _, _ =	vpop (xrf2)  }
0x1b2: {  	v2 =	vbroadcast v2, $0xF;
	_ =	sdelay $0x1  }
0x1b3: {  	(erf) = vrcp.f32 v2;
	_ =	sdelay $0x8  }
0x1b4: {  	v2 =	vld [tilespmem:s16+$0xFFFFFFD0];
	v3 =	vpop (erf)  }
0x1b5: {  	v4 =	vld [tilespmem:s16+$0xFFFFFFE0];
	v1 =	vmul.f32 v3, v1  }
0x1b6: {  	v3 =	vld [tilespmem:s16+$0xFFFFFFF0]  }
0x1b7: {  	v5 =	vld [tilespmem:s16+$0x0];
	v6 =	vbroadcast v1, $0x0  }
0x1b8: {  	v8 =	vld [tilespmem:s16+$0x10];
	v7 =	vbroadcast v1, $0x1  }
0x1b9: {  	v9 =	vbroadcast v1, $0x2;
	v2 =	vmul.f32 v6, v2  }
0x1ba: {  	[tilespmem:s16+$0x20] =	vst v0;
	v63 =	vbroadcast v1, $0x3;
	v4 =	vmul.f32 v7, v4  }
0x1bb: {  	v1 =	vbroadcast v1, $0x4;
	v3 =	vmul.f32 v9, v3;
	[tilespmem:s16+$0xFFFFFFD0] =	vst v2  }
0x1bc: {  	v2 =	vmul.f32 v63, v5;
	[tilespmem:s16+$0xFFFFFFE0] =	vst v4  }
0x1bd: {  	v1 =	vmul.f32 v1, v8;
	[tilespmem:s16+$0xFFFFFFF0] =	vst v3  }
0x1be: {  	[tilespmem:s17+$0x0] =	vst v2  }
0x1bf: {  	s19 =	sand.u32 $0x3FFFFF00, s15;
	[tilespmem:s17+$0x10] =	vst v1  }
0x1c0: {  	[spmem:s5] =	stream.indirect.scatter.add.f32 [tilespmem:s28], [sflag:$0x3], $0x60, s19, s25, $0xb8;
	[tilespmem:$0x18800] =	vst v63  }
0x1c1: {  	_ =	swait.ge [sflag:s29], $0x800  }
0x1c2: {  	[sflag:s29] =	ssyncset.done $0x0  }
0x1c3: {  	[sflag:s29] =	ssyncadd.s32 $0xFFFFF800  }
0x1c4: {  	_ =	swait.ge [sflag:s30], $0x3000  }
0x1c5: {  	[sflag:s30] =	ssyncset.done $0x0  }
0x1c6: {  	s16 =	simm.s32 $0x5830;
	[sflag:s30] =	ssyncadd.s32 $0xFFFFD000  }
0x1c7: {  	s18 =	simm.s32 $0x40;
	s17 =	simm.s32 $0x5830;
	s19 =	simm.s32 $0x0;
	v1 =	vld [tilespmem:s16+$0x20]  }
.LBB2_19:
0x1c8: {  	p0 =	sne.s32 s18, $0x1FC0;
	v2 =	vld [tilespmem:s19+$0x9000];
	[tilespmem:s16+$0x20] =	vst v0;
	_ =	sdelay $0x4  }
0x1c9: {  	v1 =	vadd.f32 v1, v2;
	_ =	sdelay $0x1  }
0x1ca: {  	v1 =	vnsel vm0, $0xF149F2CA, v1  }
0x1cb: {  	(xrf0) =	vmax.scan.msk.f32 $0xffff, v1;
	_ =	sdelay $0x5  }
0x1cc: {  	v2, _, _ =	vpop (xrf0)  }
0x1cd: {  	v2 =	vbroadcast v2, $0xF;
	_ =	sdelay $0x1  }
0x1ce: {  	v1 =	vsub.f32 v1, v2;
	_ =	sdelay $0x1  }
0x1cf: {  	v1 =	vmul.f32 $1.442695020e+00, v1;
	_ =	sdelay $0x1  }
0x1d0: {  	(erf) = vpow2.f32 v1;
	_ =	sdelay $0x8  }
0x1d1: {  	v1 =	vpop (erf)  }
0x1d2: {  	(xrf2) =	vadd.scan.msk.f32 $0xffff, v1;
	_ =	sdelay $0x9  }
0x1d3: {  	v2, _, _ =	vpop (xrf2)  }
0x1d4: {  	v2 =	vbroadcast v2, $0xF;
	_ =	sdelay $0x1  }
0x1d5: {  	(erf) = vrcp.f32 v2;
	_ =	sdelay $0x6  }
0x1d6: {  	v2 =	vld [tilespmem:s16+$0xFFFFFFF0]  }
0x1d7: {  	v3 =	vld [tilespmem:s16+$0xFFFFFFE0]  }
0x1d8: {  	v4 =	vld [tilespmem:s16+$0xFFFFFFD0];
	v5 =	vpop (erf)  }
0x1d9: {  	v1 =	vmul.f32 v5, v1;
	v5 =	vld [tilespmem:s16+$0x0];
	_ =	sdelay $0x1  }
0x1da: {  	v6 =	vbroadcast v1, $0x0;
	v7 =	vbroadcast v1, $0x1  }
0x1db: {  	v8 =	vbroadcast v1, $0x2;
	v9 =	vbroadcast v1, $0x3;
	v10 =	vld [tilespmem:s16+$0x10]  }
0x1dc: {  	v4 =	vmul.f32 v6, v4;
	v3 =	vmul.f32 v7, v3  }
0x1dd: {  	v2 =	vmul.f32 v8, v2;
	v5 =	vmul.f32 v9, v5  }
.Ltmp11:
0x1de: {  	v1 =	vbroadcast v1, $0x4;
	[tilespmem:s16+$0xFFFFFFD0] =	vst v4;
	(pc) =	sbr.rel @p0 .LBB2_19-.Ltmp11, $4  }
0x1df: {  	[tilespmem:s16+$0xFFFFFFE0] =	vst v3  }
0x1e0: {  	[tilespmem:s16+$0xFFFFFFF0] =	vst v2;
	v2 =	vmul.f32 v1, v10  }
0x1e1: {  	s16 =	sadd.s32 $0x60, s16;
	[tilespmem:s17+$0x0] =	vst v5  }
0x1e2: {  	s19 =	sshra.s32 s18, $0x2;
	s18 =	sadd.s32 $0x40, s18;
	v1 =	vld [tilespmem:s16+$0x20];
	[tilespmem:s17+$0x10] =	vst v2;
	s17 =	smov.u32 s16  }
0x1e3: {  	v2 =	vld [tilespmem:s19+$0x9000];
	_ =	sdelay $0x4  }
0x1e4: {  	v1 =	vadd.f32 v1, v2;
	_ =	sdelay $0x1  }
0x1e5: {  	v1 =	vnsel vm0, $0xF149F2CA, v1  }
0x1e6: {  	(xrf0) =	vmax.scan.msk.f32 $0xffff, v1;
	_ =	sdelay $0x5  }
0x1e7: {  	v2, _, _ =	vpop (xrf0)  }
0x1e8: {  	v2 =	vbroadcast v2, $0xF;
	_ =	sdelay $0x1  }
0x1e9: {  	v1 =	vsub.f32 v1, v2;
	_ =	sdelay $0x1  }
0x1ea: {  	v1 =	vmul.f32 $1.442695020e+00, v1;
	_ =	sdelay $0x1  }
0x1eb: {  	(erf) = vpow2.f32 v1;
	_ =	sdelay $0x8  }
0x1ec: {  	v1 =	vpop (erf)  }
0x1ed: {  	(xrf2) =	vadd.scan.msk.f32 $0xffff, v1;
	_ =	sdelay $0x9  }
0x1ee: {  	v2, _, _ =	vpop (xrf2)  }
0x1ef: {  	v2 =	vbroadcast v2, $0xF;
	_ =	sdelay $0x1  }
0x1f0: {  	(erf) = vrcp.f32 v2;
	_ =	sdelay $0x8  }
0x1f1: {  	v2 =	vld [tilespmem:s16+$0xFFFFFFD0];
	v3 =	vpop (erf)  }
0x1f2: {  	v4 =	vld [tilespmem:s16+$0xFFFFFFE0];
	v1 =	vmul.f32 v3, v1  }
0x1f3: {  	v3 =	vld [tilespmem:s16+$0xFFFFFFF0]  }
0x1f4: {  	v5 =	vld [tilespmem:s16+$0x0];
	v6 =	vbroadcast v1, $0x0  }
0x1f5: {  	v8 =	vld [tilespmem:s16+$0x10];
	v7 =	vbroadcast v1, $0x1  }
0x1f6: {  	v9 =	vbroadcast v1, $0x2;
	v2 =	vmul.f32 v6, v2  }
0x1f7: {  	[tilespmem:s16+$0x20] =	vst v0;
	v63 =	vbroadcast v1, $0x3;
	v4 =	vmul.f32 v7, v4  }
0x1f8: {  	v1 =	vbroadcast v1, $0x4;
	v3 =	vmul.f32 v9, v3;
	[tilespmem:s16+$0xFFFFFFD0] =	vst v2  }
0x1f9: {  	v2 =	vmul.f32 v63, v5;
	[tilespmem:s16+$0xFFFFFFE0] =	vst v4  }
0x1fa: {  	p0 =	seq.s32 s13, $0x13;
	v1 =	vmul.f32 v1, v8;
	[tilespmem:s16+$0xFFFFFFF0] =	vst v3  }
.Ltmp12:
0x1fb: {  	[tilespmem:s17+$0x0] =	vst v2;
	(pc) =	sbr.rel @p0 .LBB2_22-.Ltmp12, $4  }
0x1fc: {  	[tilespmem:s17+$0x10] =	vst v1  }
0x1fd: {  	_ =	swait.ge [sflag:s0], $0x3000  }
0x1fe: {  	[sflag:s0] =	ssyncset.done $0x0  }
0x1ff: {  	[sflag:s0] =	ssyncadd.s32 $0xFFFFD000  }
0x200: {  	s16 =	sadd.s32 $0x100, s15  }
0x201: {  	[tilespmem:s26], [sflag:$0x1] =	stream.indirect.gather [hbm4b:s9+s25], $0x10, s16, s25, $0xb8;
	[tilespmem:$0x18800] =	vst v63  }
.Ltmp13:
0x202: {  	_ = 	snop;
	(pc) =	sbr.rel .LBB2_16-.Ltmp13, $4  }
0x203: {  	s19 =	sadd.s32 $0x1500, s15  }
0x204: {  	[tilespmem:s28], [sflag:$0x2] =	stream.indirect.gather [hbm4b:s3+s25], $0x60, s19, s25, $0xb8;
	[tilespmem:$0x18800] =	vst v63  }
0x205: {  	s13 =	sadd.s32 $0x1, s13  }
0x206: {  	[spmem:s5] =	stream.indirect.scatter.add.f32 [tilespmem:s4], [sflag:$0x3], $0x60, s14, s25, $0xb8;
	[tilespmem:$0x18800] =	vst v63  }
.LBB2_23:
0x207: {  	_ =	sfence.sel $0x180000  }
0x208: {  	[bflag:$0x0] =	sbarrier.arrive $0xFFFF  }
0x209: {  	_ =	strace $0x9000004A  }
0x20a: {  	s0 =	stileid.u32;
	[bflag:$0x2] =	sbarrier.arrive $0xFFFF  }
0x20b: {  	p0 =	sne.s32 s0, $0x0;
	s0 =	rddreg [dreg:$0x5]  }
0x20c: {  	s0 =	sadd.s32 @!p0 $0x100000, s0  }
0x20d: {  	[sflag:s0] =	ssyncadd.tile.s32 @!p0 $0x1;
	_ =	shalt  }
.Lfunc_end2:
_tile_overlayer_lowered:
.L_overlay_start_2:
0x20e: {  	(tag) =	ssettag $0x2  }
0x20f: {  	s0 =	rddreg [dreg:$0x0];
	s2 =	stileid.u32  }
0x210: {  	s1 =	rddreg [dreg:$0x1];
	p0 =	sne.s32 s2, $0x0  }
0x211: {  	s3 =	rddreg [dreg:$0x2];
	[bflag:$0x3] =	sbarrier.arrive $0xFFFF;
	s2 =	simm.s32 @!p0 $0x1C04  }
0x212: {  	[timem:s3], [sflag:s2] =	dma.local @!p0 [hbm:s0], s1  }
0x213: {  	s0 =	simm.s32 @!p0 $0x4  }
0x214: {  	_ =	swait.ge @!p0 [sflag:s0], s1  }
0x215: {  	s1 =	ssub.s32 @!p0 $0x0, s1;
	[sflag:s0] =	ssyncset.done @!p0 $0x0  }
0x216: {  	[sflag:s0] =	ssyncadd.s32 @!p0 s1  }
0x217: {  	[bflag:$0x3] =	sbarrier.arrive $0xFFFF  }
0x218: {  	_ =	shalt  }

// kernel: kernel.7.cloned.1.call-start
scs
__scs_entry_jumppad:
0x0: {  	(pc) =	sbr.rel $0x88, $3  }
0x1: {  	(tag) =	ssettag $0x0;
	lr =	simm.s32 $0x1  }
0x2: {  	[smem:$0x3F91] =	sst lr;
	_ =	strace $0xD0000000  }
0x3: {  	_ = 	snop  }
0x4: {  	_ = 	snop  }
0x5: {  	_ = 	snop  }
0x6: {  	_ = 	snop  }
0x7: {  	_ = 	snop  }
__scs_overlays_trampoline_lowered:
0x8: {  	[smem:$0x3FA0] =	sst s0  }
0x9: {  	[smem:$0x3FA1] =	sst s1  }
0xa: {  	[smem:$0x3FA2] =	sst s2  }
0xb: {  	[smem:$0x3FA3] =	sst s3  }
0xc: {  	[smem:$0x3FA4] =	sst s4  }
0xd: {  	[smem:$0x3FA5] =	sst s5  }
0xe: {  	[smem:$0x3FA6] =	sst s6  }
0xf: {  	[smem:$0x3FA7] =	sst s7  }
0x10: {  	[smem:$0x3FA8] =	sst s8  }
0x11: {  	[smem:$0x3FA9] =	sst s9;
	s0 =	simm.s32 @!p0 $0x0  }
0x12: {  	s1 =	sld [smem:$0x3F8F];
	s0 =	simm.s32 @p0 $0x1  }
0x13: {  	[smem:$0x3FAA] =	sst s0;
	s0 =	simm.s32 @!p1 $0x0  }
0x14: {  	s2 =	sld [smem:$0x3F8E];
	s0 =	simm.s32 @p1 $0x1  }
0x15: {  	[smem:$0x3FAB] =	sst s0;
	s0 =	simm.s32 @!p2 $0x0  }
0x16: {  	s3 =	sld [smem:$0x3FDB];
	s0 =	simm.s32 @p2 $0x1  }
0x17: {  	s4 =	simm.s32 $0x1BF5;
	[smem:$0x3FAD] =	sst s0  }
0x18: {  	s0 =	sld [smem:$0x3F90];
	_ =	swait.ge [sflag:s4], $0x0  }
0x19: {  	s7 =	sld [smem:$0x3F91]  }
0x1a: {  	s8 =	sadd.s32 $0xFFFFE003, lr  }
0x1b: {  	s9 =	sadd.s32 $0xFFFFFEF7, lr;
	s5 =	simm.s32 $0xFFFFFFFF;
	p2 =	slt.u32 s8, $0xFFFFF086  }
0x1c: {  	p1 =	slt.u32 s9, $0xF7A;
	s5 =	simm.s32 @!p2 $0x0  }
0x1d: {  	s5 =	simm.s32 @p1 $0x1;
	p0 =	seq.s32 s7, s2  }
0x1e: {  	s7 =	smul.u32 @!p0 $0xF7A, s2;
	p2 =	seq.s32 @!p0 s5, $0x0  }
0x1f: {  	s9 =	smul.u32 $0xF7A, s1;
	s8 =	simm.s32 @!p0 $0x1BF5;
	p2 =	por !p2, p0  }
0x20: {  	[sflag:s8] =	ssyncset.s32 @!p0 $0xFFFFF086;
	s6 =	sadd.s32 @!p0 s3, s7;
	s7 =	simm.s32 @!p0 $0x108  }
0x21: {  	s3 =	sadd.s32 s3, s9;
	s6 =	sadd.s32 @!p0 $0x88, s6;
	s7 =	simm.s32 @p2 $0x1082  }
0x22: {  	[simem:s7], [sflag:s8] =	dma.local @!p0 [hbm:s6], $0xF7A  }
0x23: {  	s9 =	sor.u32 $0xD0000000, s2;
	s6 =	simm.s32 $0x108;
	_ =	swait.ge @!p0 [sflag:s8], $0x0  }
0x24: {  	s3 =	sadd.s32 $0x88, s3;
	s6 =	simm.s32 @!p1 $0x1082;
	[sflag:s4] =	ssyncset.s32 $0xFFFFF086  }
0x25: {  	[simem:s6], [sflag:s4] =	dma.local [hbm:s3], $0xF7A  }
0x26: {  	[smem:$0x3F91] =	sst s1;
	(tag) =	ssettag s2;
	_ =	strace s9  }
0x27: {  	s1 =	sld [smem:$0x3FA1]  }
0x28: {  	s2 =	sld [smem:$0x3FA2]  }
0x29: {  	s4 =	sld [smem:$0x3FA4]  }
0x2a: {  	p0 =	seq.s32 s5, $0x0;
	s5 =	sld [smem:$0x3FA5]  }
0x2b: {  	s6 =	sld [smem:$0x3FA6]  }
0x2c: {  	s7 =	sld [smem:$0x3FA7]  }
0x2d: {  	s3 =	simm.s32 $0x108;
	s8 =	sld [smem:$0x3FA8]  }
0x2e: {  	s3 =	simm.s32 @!p0 $0x1082;
	s9 =	sld [smem:$0x3FA9]  }
0x2f: {  	lr =	sadd.s32 s0, s3;
	s0 =	sld [smem:$0x3FA0]  }
0x30: {  	s3 =	sld [smem:$0x3FA3]  }
0x31: {  	[smem:$0x3FAC] =	sst s10  }
0x32: {  	s10 =	sld [smem:$0x3FAA];
	_ =	sdelay $0x3  }
0x33: {  	p0 =	seq.s32 s10, $0x1;
	s10 =	sld [smem:$0x3FAC];
	_ =	sdelay $0x3  }
0x34: {  	[smem:$0x3FAC] =	sst s10  }
0x35: {  	s10 =	sld [smem:$0x3FAB];
	_ =	sdelay $0x3  }
0x36: {  	p1 =	seq.s32 s10, $0x1;
	s10 =	sld [smem:$0x3FAC];
	_ =	sdelay $0x3  }
0x37: {  	[smem:$0x3FAC] =	sst s10  }
0x38: {  	s10 =	sld [smem:$0x3FAD]  }
0x39: {  	_ = 	snop;
	(pc) =	sbr.ind lr, $3  }
0x3a: {  	_ = 	snop  }
0x3b: {  	_ = 	snop  }
0x3c: {  	p2 =	seq.s32 s10, $0x1;
	s10 =	sld [smem:$0x3FAC]  }
0x3d: {  	_ =	shalt  }
0x3e: {  	_ =	shalt  }
0x3f: {  	_ =	shalt  }
0x40: {  	_ =	shalt  }
0x41: {  	_ =	shalt  }
0x42: {  	_ =	shalt  }
0x43: {  	_ =	shalt  }
0x44: {  	_ =	shalt  }
0x45: {  	_ =	shalt  }
0x46: {  	_ =	shalt  }
0x47: {  	_ =	shalt  }
0x48: {  	_ =	shalt  }
0x49: {  	_ =	shalt  }
0x4a: {  	_ =	shalt  }
0x4b: {  	_ =	shalt  }
0x4c: {  	_ =	shalt  }
0x4d: {  	_ =	shalt  }
0x4e: {  	_ =	shalt  }
0x4f: {  	_ =	shalt  }
0x50: {  	_ =	shalt  }
0x51: {  	_ =	shalt  }
0x52: {  	_ =	shalt  }
0x53: {  	_ =	shalt  }
0x54: {  	_ =	shalt  }
0x55: {  	_ =	shalt  }
0x56: {  	_ =	shalt  }
0x57: {  	_ =	shalt  }
0x58: {  	_ =	shalt  }
0x59: {  	_ =	shalt  }
0x5a: {  	_ =	shalt  }
0x5b: {  	_ =	shalt  }
0x5c: {  	_ =	shalt  }
0x5d: {  	_ =	shalt  }
0x5e: {  	_ =	shalt  }
0x5f: {  	_ =	shalt  }
0x60: {  	_ =	shalt  }
0x61: {  	_ =	shalt  }
0x62: {  	_ =	shalt  }
0x63: {  	_ =	shalt  }
0x64: {  	_ =	shalt  }
0x65: {  	_ =	shalt  }
0x66: {  	_ =	shalt  }
0x67: {  	_ =	shalt  }
0x68: {  	_ =	shalt  }
0x69: {  	_ =	shalt  }
0x6a: {  	_ =	shalt  }
0x6b: {  	_ =	shalt  }
0x6c: {  	_ =	shalt  }
0x6d: {  	_ =	shalt  }
0x6e: {  	_ =	shalt  }
0x6f: {  	_ =	shalt  }
0x70: {  	_ =	shalt  }
0x71: {  	_ =	shalt  }
0x72: {  	_ =	shalt  }
0x73: {  	_ =	shalt  }
0x74: {  	_ =	shalt  }
0x75: {  	_ =	shalt  }
0x76: {  	_ =	shalt  }
0x77: {  	_ =	shalt  }
0x78: {  	_ =	shalt  }
0x79: {  	_ =	shalt  }
0x7a: {  	_ =	shalt  }
0x7b: {  	_ =	shalt  }
0x7c: {  	_ =	shalt  }
0x7d: {  	_ =	shalt  }
0x7e: {  	_ =	shalt  }
0x7f: {  	_ =	shalt  }
0x80: {  	_ =	shalt  }
0x81: {  	_ =	shalt  }
0x82: {  	_ =	shalt  }
0x83: {  	_ =	shalt  }
0x84: {  	_ =	shalt  }
0x85: {  	_ =	shalt  }
0x86: {  	_ =	shalt  }
0x87: {  	_ =	shalt  }
.Lfunc_end0:
.L_simem_size_0:
called_computation_lowered:
.L_overlay_start_0:
0x88: {  	s2 =	sld [smem:$0x3FD9]  }
0x89: {  	s3 =	sld [smem:$0x3FFE];
	_ =	sdelay $0x1  }
0x8a: {  	s1 =	srdreg.scid  }
0x8b: {  	s0 =	sand.u32 $0x1, s1  }
0x8c: {  	s14 =	sshll.u32 s0, $0xA;
	s2 =	sadd.s32 s3, s2  }
0x8d: {  	s2 =	sadd.s32 s2, s14  }
0x8e: {  	[smem:$0x3FB8] =	sst s2  }
0x8f: {  	_ = 	snop  }
0x90: {  	s2 =	sld [smem:$0x3FD0];
	_ =	sdelay $0x2  }
0x91: {  	s15 =	simm.s32 $0xA;
	s4 =	simm.s32 $0x10  }
0x92: {  	[smem:s4], [sflag:s15] =	dma.local [hbm:s2], $0x1  }
0x93: {  	_ =	swait.eq [sflag:s15], $0x1  }
0x94: {  	[sflag:s15] =	ssyncset.done $0x0  }
0x95: {  	[sflag:s15] =	ssyncadd.s32 $0xFFFFFFFF  }
0x96: {  	s16 =	sld [smem:$0x11];
	(tm) =	ssettm $0x1  }
0x97: {  	s17 =	sld [smem:$0x3FFB];
	_ =	sdelay $0x3  }
0x98: {  	_ =	strace s17  }
0x99: {  	s3 =	sld [smem:$0x3FFC];
	_ =	sdelay $0x3  }
0x9a: {  	_ =	strace s3  }
0x9b: {  	s3 =	sld [smem:$0x3FFD];
	_ =	sdelay $0x3  }
0x9c: {  	_ =	strace s3  }
0x9d: {  	_ =	strace $0x8FFFFFFF  }
0x9e: {  	s18 =	sld [smem:$0x3FDB];
	_ =	sdelay $0x1  }
0x9f: {  	s19 =	simm.s32 $_scs_section_size  }
0xa0: {  	s5 =	simm.s32 $_size__tile_overlayer_lowered;
	s6 =	simm.s32 $_tile_overlayer_lowered  }
0xa1: {  	s22 =	simm.s32 $0x1BFF;
	s21 =	sshll.u32 s6, $0x1;
	s3 =	sadd.s32 s19, s18  }
0xa2: {  	s7 =	simm.s32 $0x0;
	s20 =	sshll.u32 s5, $0x1;
	s5 =	sadd.s32 s21, s3  }
0xa3: {  	[timem:s7], [sflag:s22] =	dma.local [hbm:s5], s20  }
0xa4: {  	_ =	swait.ge [sflag:s22], s20  }
0xa5: {  	s4 =	ssub.s32 $0x0, s20;
	[sflag:s22] =	ssyncset.done $0x0  }
0xa6: {  	[sflag:s22] =	ssyncadd.s32 s4;
	_ =	sdelay $0x1  }
0xa7: {  	s23 =	simm.s32 $0x1B8B  }
0xa8: {  	_ =	swait.ge [sflag:s23], $0x1  }
0xa9: {  	[sflag:s23] =	ssyncset.done $0x0  }
0xaa: {  	s25 =	simm.s32 $0x1B8E;
	s24 =	sld [smem:$0x3FFE];
	[sflag:s23] =	ssyncadd.s32 $0xFFFFFFFF  }
0xab: {  	s26 =	simm.s32 $execute0_lowered;
	[smem:$0x3FD2] =	sst s25  }
0xac: {  	s5 =	sshll.u32 s26, $0x1;
	_ =	strace $0x80000046;
	[dreg:$0x1] =	wrdreg $0xFFFFFFFF  }
0xad: {  	s28 =	simm.s32 $_size_execute0_lowered;
	s3 =	sadd.s32 s3, s5;
	[dreg:$0x0] =	wrdreg $0x0  }
0xae: {  	s5 =	sshll.u32 s28, $0x1;
	[dreg:$0x2] =	wrdreg s3  }
0xaf: {  	[dreg:$0x3] =	wrdreg s5  }
0xb0: {  	[dreg:$0x4] =	wrdreg $0xC0  }
0xb1: {  	_ =	task [dreg:s7], $0x5FFFF  }
0xb2: {  	[dreg:$0x1] =	wrdreg $0xFFFFFFFF  }
0xb3: {  	[dreg:$0x0] =	wrdreg $0x60  }
0xb4: {  	[dreg:$0x2] =	wrdreg s24  }
0xb5: {  	[dreg:$0x3] =	wrdreg s16  }
0xb6: {  	[dreg:$0x4] =	wrdreg $0x78000  }
0xb7: {  	[dreg:$0x5] =	wrdreg $0x9  }
0xb8: {  	_ =	task.clear_ibuf [dreg:s7], $0x6FFFF;
	_ =	strace $0x90000046  }
0xb9: {  	s29 =	simm.s32 $0x9;
	_ =	strace $0x80000048  }
0xba: {  	_ =	swait.ge [sflag:s29], $0x1  }
0xbb: {  	[sflag:s29] =	ssyncadd.s32 $0xFFFFFFFF  }
0xbc: {  	_ =	strace $0x90000048  }
0xbd: {  	_ =	sfence  }
0xbe: {  	s30 =	sld [smem:$0x0];
	_ =	sdelay $0x2  }
0xbf: {  	s31 =	sshll.u32 s1, $0xD;
	s1 =	sshrl.u32 s1, $0x2  }
0xc0: {  	s3 =	sand.u32 $0x4000, s31;
	s1 =	sadd.s32 s1, s30  }
0xc1: {  	s0 =	sor.u32 s3, s0;
	s1 =	sshll.u32 s1, $0x11  }
0xc2: {  	s0 =	sor.u32 s1, s0  }
0xc3: {  	s0 =	sadd.s32 $0x8F2B, s0  }
0xc4: {  	[sflag:s0] =	ssyncadd.remote.s32 $0x1  }
0xc5: {  	_ =	sfence.sel $0xFFFF  }
0xc6: {  	[dreg:$0x0] =	wrdreg $0xFFFFFFFF;
	(pc) =	sbr.abs _section_cstart, $3  }
0xc7: {  	[dreg:$0x1] =	wrdreg $0xFFFFFFFF  }
0xc8: {  	_ =	task.clear_ibuf [dreg:s7], $0x2FFFF;
	_ =	strace $0x9FFFFFFF  }
0xc9: {  	(tm) =	ssettm $0x7FFFFFFF  }
tec
execute0_lowered:
.L_overlay_start_1:
0x0: {  	(tag) =	ssettag $0x1  }
0x1: {  	s7 =	rddreg [dreg:$0x0]  }
0x2: {  	s15 =	rddreg [dreg:$0x1]  }
0x3: {  	s1 =	rddreg [dreg:$0x2]  }
0x4: {  	s0 =	rddreg [dreg:$0x3];
	s3 =	simm.s32 $0x0  }
0x5: {  	s4 =	srdreg.scid;
	s2 =	stileid.u32;
	s19 =	simm.s32 $0x1400  }
0x6: {  	s20 =	simm.s32 $0x80;
	s21 =	simm.s32 $0x2800;
	s22 =	simm.s32 $0x1  }
0x7: {  	s23 =	simm.s32 $0x5000;
	s24 =	simm.s32 $0x2;
	s25 =	simm.s32 $0x100  }
0x8: {  	s26 =	simm.s32 $0x1480;
	s28 =	simm.s32 $0x0;
	[smem:$0x7FF] =	sst s3  }
0x9: {  	s8 =	sand.u32 $0x1, s4;
	s5 =	sshll.u32 s2, $0x1;
	s4 =	sadd.s32 $0x3CDA00, s7  }
0xa: {  	s11 =	smul.u32 $0xC800, s2;
	s30 =	sshll.u32 s2, $0x6;
	_ =	strace $0x80000047  }
0xb: {  	s6 =	sor.u32 s8, s5;
	s5 =	sadd.s32 $0x3E6A00, s7;
	s31 =	smul.u32 $0xC8000, s8  }
0xc: {  	s12 =	ssub.s32 $0x2, s8;
	s8 =	sor.u32 $0x1C03, s30;
	s9 =	smul.u32 $0x280, s6  }
0xd: {  	s6 =	sadd.s32 $0x3FFA00, s7;
	s10 =	sshrl.u32 s11, $0x3;
	s29 =	sshrl.u32 s12, $0x1  }
0xe: {  	s17 =	sadd.s32 s11, s1;
	s16 =	ssub.s32 s12, s29;
	s13 =	sadd.s32 s11, s31  }
.Ltmp0:
0xf: {  	s17 =	sshrl.u32 s17, $0x3;
	s14 =	sadd.s32 s9, s7;
	(pc) =	sbr.rel .LBB2_1-.Ltmp0, $4  }
0x10: {  	s7 =	sadd.s32 s10, s7;
	s18 =	sshrl.u32 s13, $0x3;
	s16 =	smax.u32 s16, $0x1  }
0x11: {  	s7 =	sadd.s32 $0x418A00, s7;
	s9 =	sadd.s32 $0xB200, s14;
	s10 =	sadd.s32 $0x6200, s14  }
0x12: {  	s11 =	sadd.s32 $0x15200, s14;
	s12 =	sadd.s32 $0x10200, s14;
	s13 =	sadd.s32 $0x1F200, s14  }
0x13: {  	s14 =	sadd.s32 $0x1A200, s14;
	s15 =	sadd.s32 s15, s18;
	s18 =	simm.s32 $0x3  }
.LBB2_10:
0x14: {  	[spmem:s1] =	stream.indirect.scatter.add.f32 [tilespmem:s23], [sflag:$0x2], $0x50, s31, s20, $0xb8;
	[tilespmem:$0x14000] =	vst v63  }
0x15: {  	_ =	swait.ge [sflag:s24], $0x2800  }
0x16: {  	s28 =	sadd.s32 $0x1, s28;
	[sflag:s24] =	ssyncset.done $0x0  }
0x17: {  	p0 =	sne.s32 s28, s16;
	[sflag:s24] =	ssyncadd.s32 $0xFFFFD800  }
.Ltmp1:
0x18: {  	[bflag:$0x0] =	sbarrier.arrive $0xFFFF;
	(pc) =	sbr.rel @!p0 .LBB2_11-.Ltmp1, $4  }
0x19: {  	[hbm:s15], [sflag:s8] =	dma.local [spmem:s17], $0x1900  }
0x1a: {  	_ =	swait.ge [sflag:s18], $0x1900  }
0x1b: {  	[sflag:s18] =	ssyncset.done $0x0  }
0x1c: {  	[sflag:s18] =	ssyncadd.s32 $0xFFFFE700  }
.LBB2_1:
0x1d: {  	[spmem:s17], [sflag:s8] =	dma.local [hbm:s7], $0x1900  }
0x1e: {  	_ =	swait.ge [sflag:s18], $0x1900  }
0x1f: {  	[sflag:s18] =	ssyncset.done $0x0  }
0x20: {  	[sflag:s18] =	ssyncadd.s32 $0xFFFFE700  }
0x21: {  	[bflag:$0x0] =	sbarrier.arrive $0xFFFF  }
0x22: {  	[tilespmem:s3], [sflag:$0x3] =	stream.linear.gather [hbm4b:s9+s3], $0x1400, $0x38;
	[tilespmem:$0x14000] =	vst v63  }
0x23: {  	_ =	swait.ge [sflag:s18], $0x1400  }
0x24: {  	[sflag:s18] =	ssyncset.done $0x0  }
0x25: {  	[sflag:s18] =	ssyncadd.s32 $0xFFFFEC00  }
0x26: {  	[tilespmem:s19], [sflag:$0x3] =	stream.linear.gather [hbm4b:s10+s3], $0x1400, $0x38;
	[tilespmem:$0x14000] =	vst v63  }
0x27: {  	_ =	swait.ge [sflag:s18], $0x1400  }
0x28: {  	[sflag:s18] =	ssyncset.done $0x0  }
0x29: {  	[sflag:s18] =	ssyncadd.s32 $0xFFFFEC00  }
0x2a: {  	[tilespmem:s21], [sflag:$0x1] =	stream.indirect.gather [hbm4b:s4+s20], $0x50, s3, s20, $0xb8;
	[tilespmem:$0x14000] =	vst v63  }
0x2b: {  	_ =	swait.ge [sflag:s22], $0x2800  }
0x2c: {  	[sflag:s22] =	ssyncset.done $0x0  }
0x2d: {  	[sflag:s22] =	ssyncadd.s32 $0xFFFFD800  }
0x2e: {  	[tilespmem:s23], [sflag:$0x1] =	stream.indirect.gather [hbm4b:s4+s20], $0x50, s20, s20, $0xb8;
	[tilespmem:$0x14000] =	vst v63  }
0x2f: {  	_ = 	snop  }
0x30: {  	[spmem:s1] =	stream.indirect.scatter.add.f32 [tilespmem:s21], [sflag:$0x2], $0x50, s19, s20, $0xb8;
	[tilespmem:$0x14000] =	vst v63  }
0x31: {  	_ =	swait.ge [sflag:s22], $0x2800  }
0x32: {  	[sflag:s22] =	ssyncset.done $0x0  }
0x33: {  	[sflag:s22] =	ssyncadd.s32 $0xFFFFD800  }
0x34: {  	_ =	swait.ge [sflag:s24], $0x2800  }
0x35: {  	[sflag:s24] =	ssyncset.done $0x0  }
0x36: {  	[sflag:s24] =	ssyncadd.s32 $0xFFFFD800  }
0x37: {  	[tilespmem:s21], [sflag:$0x1] =	stream.indirect.gather [hbm4b:s4+s20], $0x50, s25, s20, $0xb8;
	[tilespmem:$0x14000] =	vst v63  }
0x38: {  	s29 =	simm.s32 $0xFFFFB800  }
0x39: {  	[spmem:s1] =	stream.indirect.scatter.add.f32 [tilespmem:s23], [sflag:$0x2], $0x50, s26, s20, $0xb8;
	[tilespmem:$0x14000] =	vst v63  }
.LBB2_2:
0x3a: {  	_ =	swait.ge [sflag:s22], $0x2800  }
0x3b: {  	[sflag:s22] =	ssyncset.done $0x0  }
0x3c: {  	[sflag:s22] =	ssyncadd.s32 $0xFFFFD800  }
0x3d: {  	_ =	swait.ge [sflag:s24], $0x2800  }
0x3e: {  	s30 =	sshra.s32 s29, $0x2;
	[sflag:s24] =	ssyncset.done $0x0  }
0x3f: {  	s31 =	sadd.s32 $0x1380, s30;
	[sflag:s24] =	ssyncadd.s32 $0xFFFFD800  }
0x40: {  	[tilespmem:s23], [sflag:$0x1] =	stream.indirect.gather [hbm4b:s4+s20], $0x50, s31, s20, $0xb8;
	[tilespmem:$0x14000] =	vst v63  }
0x41: {  	s31 =	sadd.s32 $0x2700, s30  }
0x42: {  	[spmem:s1] =	stream.indirect.scatter.add.f32 [tilespmem:s21], [sflag:$0x2], $0x50, s31, s20, $0xb8;
	[tilespmem:$0x14000] =	vst v63  }
0x43: {  	p0 =	seq.s32 s29, $0x0;
	_ =	swait.ge [sflag:s22], $0x2800  }
.Ltmp2:
0x44: {  	[sflag:s22] =	ssyncset.done $0x0;
	(pc) =	sbr.rel @p0 .LBB2_4-.Ltmp2, $4  }
0x45: {  	[sflag:s22] =	ssyncadd.s32 $0xFFFFD800  }
0x46: {  	_ =	swait.ge [sflag:s24], $0x2800  }
0x47: {  	[sflag:s24] =	ssyncset.done $0x0  }
0x48: {  	s31 =	sadd.s32 $0x2780, s30;
	[sflag:s24] =	ssyncadd.s32 $0xFFFFD800  }
.Ltmp3:
0x49: {  	(pc) =	sbr.rel .LBB2_2-.Ltmp3, $4  }
0x4a: {  	s30 =	sadd.s32 $0x1400, s30  }
0x4b: {  	[tilespmem:s21], [sflag:$0x1] =	stream.indirect.gather [hbm4b:s4+s20], $0x50, s30, s20, $0xb8;
	[tilespmem:$0x14000] =	vst v63  }
0x4c: {  	s29 =	sadd.s32 $0x400, s29  }
0x4d: {  	[spmem:s1] =	stream.indirect.scatter.add.f32 [tilespmem:s23], [sflag:$0x2], $0x50, s31, s20, $0xb8;
	[tilespmem:$0x14000] =	vst v63  }
.LBB2_4:
0x4e: {  	[spmem:s1] =	stream.indirect.scatter.add.f32 [tilespmem:s23], [sflag:$0x2], $0x50, s31, s20, $0xb8;
	[tilespmem:$0x14000] =	vst v63  }
0x4f: {  	_ =	swait.ge [sflag:s24], $0x2800  }
0x50: {  	[sflag:s24] =	ssyncset.done $0x0  }
0x51: {  	[sflag:s24] =	ssyncadd.s32 $0xFFFFD800  }
0x52: {  	[tilespmem:s3], [sflag:$0x3] =	stream.linear.gather [hbm4b:s11+s3], $0x1400, $0x38;
	[tilespmem:$0x14000] =	vst v63  }
0x53: {  	_ =	swait.ge [sflag:s18], $0x1400  }
0x54: {  	[sflag:s18] =	ssyncset.done $0x0  }
0x55: {  	[sflag:s18] =	ssyncadd.s32 $0xFFFFEC00  }
0x56: {  	[tilespmem:s19], [sflag:$0x3] =	stream.linear.gather [hbm4b:s12+s3], $0x1400, $0x38;
	[tilespmem:$0x14000] =	vst v63  }
0x57: {  	_ =	swait.ge [sflag:s18], $0x1400  }
0x58: {  	[sflag:s18] =	ssyncset.done $0x0  }
0x59: {  	[sflag:s18] =	ssyncadd.s32 $0xFFFFEC00  }
0x5a: {  	[tilespmem:s21], [sflag:$0x1] =	stream.indirect.gather [hbm4b:s5+s20], $0x50, s3, s20, $0xb8;
	[tilespmem:$0x14000] =	vst v63  }
0x5b: {  	_ =	swait.ge [sflag:s22], $0x2800  }
0x5c: {  	[sflag:s22] =	ssyncset.done $0x0  }
0x5d: {  	[sflag:s22] =	ssyncadd.s32 $0xFFFFD800  }
0x5e: {  	[tilespmem:s23], [sflag:$0x1] =	stream.indirect.gather [hbm4b:s5+s20], $0x50, s20, s20, $0xb8;
	[tilespmem:$0x14000] =	vst v63  }
0x5f: {  	_ = 	snop  }
0x60: {  	[spmem:s1] =	stream.indirect.scatter.add.f32 [tilespmem:s21], [sflag:$0x2], $0x50, s19, s20, $0xb8;
	[tilespmem:$0x14000] =	vst v63  }
0x61: {  	_ =	swait.ge [sflag:s22], $0x2800  }
0x62: {  	[sflag:s22] =	ssyncset.done $0x0  }
0x63: {  	[sflag:s22] =	ssyncadd.s32 $0xFFFFD800  }
0x64: {  	_ =	swait.ge [sflag:s24], $0x2800  }
0x65: {  	[sflag:s24] =	ssyncset.done $0x0  }
0x66: {  	[sflag:s24] =	ssyncadd.s32 $0xFFFFD800  }
0x67: {  	[tilespmem:s21], [sflag:$0x1] =	stream.indirect.gather [hbm4b:s5+s20], $0x50, s25, s20, $0xb8;
	[tilespmem:$0x14000] =	vst v63  }
0x68: {  	s29 =	simm.s32 $0xFFFFB800  }
0x69: {  	[spmem:s1] =	stream.indirect.scatter.add.f32 [tilespmem:s23], [sflag:$0x2], $0x50, s26, s20, $0xb8;
	[tilespmem:$0x14000] =	vst v63  }
.LBB2_5:
0x6a: {  	_ =	swait.ge [sflag:s22], $0x2800  }
0x6b: {  	[sflag:s22] =	ssyncset.done $0x0  }
0x6c: {  	[sflag:s22] =	ssyncadd.s32 $0xFFFFD800  }
0x6d: {  	_ =	swait.ge [sflag:s24], $0x2800  }
0x6e: {  	s30 =	sshra.s32 s29, $0x2;
	[sflag:s24] =	ssyncset.done $0x0  }
0x6f: {  	s31 =	sadd.s32 $0x1380, s30;
	[sflag:s24] =	ssyncadd.s32 $0xFFFFD800  }
0x70: {  	[tilespmem:s23], [sflag:$0x1] =	stream.indirect.gather [hbm4b:s5+s20], $0x50, s31, s20, $0xb8;
	[tilespmem:$0x14000] =	vst v63  }
0x71: {  	s31 =	sadd.s32 $0x2700, s30  }
0x72: {  	[spmem:s1] =	stream.indirect.scatter.add.f32 [tilespmem:s21], [sflag:$0x2], $0x50, s31, s20, $0xb8;
	[tilespmem:$0x14000] =	vst v63  }
0x73: {  	p0 =	seq.s32 s29, $0x0;
	_ =	swait.ge [sflag:s22], $0x2800  }
.Ltmp4:
0x74: {  	[sflag:s22] =	ssyncset.done $0x0;
	(pc) =	sbr.rel @p0 .LBB2_7-.Ltmp4, $4  }
0x75: {  	[sflag:s22] =	ssyncadd.s32 $0xFFFFD800  }
0x76: {  	_ =	swait.ge [sflag:s24], $0x2800  }
0x77: {  	[sflag:s24] =	ssyncset.done $0x0  }
0x78: {  	s31 =	sadd.s32 $0x2780, s30;
	[sflag:s24] =	ssyncadd.s32 $0xFFFFD800  }
.Ltmp5:
0x79: {  	(pc) =	sbr.rel .LBB2_5-.Ltmp5, $4  }
0x7a: {  	s30 =	sadd.s32 $0x1400, s30  }
0x7b: {  	[tilespmem:s21], [sflag:$0x1] =	stream.indirect.gather [hbm4b:s5+s20], $0x50, s30, s20, $0xb8;
	[tilespmem:$0x14000] =	vst v63  }
0x7c: {  	s29 =	sadd.s32 $0x400, s29  }
0x7d: {  	[spmem:s1] =	stream.indirect.scatter.add.f32 [tilespmem:s23], [sflag:$0x2], $0x50, s31, s20, $0xb8;
	[tilespmem:$0x14000] =	vst v63  }
.LBB2_7:
0x7e: {  	[spmem:s1] =	stream.indirect.scatter.add.f32 [tilespmem:s23], [sflag:$0x2], $0x50, s31, s20, $0xb8;
	[tilespmem:$0x14000] =	vst v63  }
0x7f: {  	_ =	swait.ge [sflag:s24], $0x2800  }
0x80: {  	[sflag:s24] =	ssyncset.done $0x0  }
0x81: {  	[sflag:s24] =	ssyncadd.s32 $0xFFFFD800  }
0x82: {  	[tilespmem:s3], [sflag:$0x3] =	stream.linear.gather [hbm4b:s13+s3], $0x1400, $0x38;
	[tilespmem:$0x14000] =	vst v63  }
0x83: {  	_ =	swait.ge [sflag:s18], $0x1400  }
0x84: {  	[sflag:s18] =	ssyncset.done $0x0  }
0x85: {  	[sflag:s18] =	ssyncadd.s32 $0xFFFFEC00  }
0x86: {  	[tilespmem:s19], [sflag:$0x3] =	stream.linear.gather [hbm4b:s14+s3], $0x1400, $0x38;
	[tilespmem:$0x14000] =	vst v63  }
0x87: {  	_ =	swait.ge [sflag:s18], $0x1400  }
0x88: {  	[sflag:s18] =	ssyncset.done $0x0  }
0x89: {  	[sflag:s18] =	ssyncadd.s32 $0xFFFFEC00  }
0x8a: {  	[tilespmem:s21], [sflag:$0x1] =	stream.indirect.gather [hbm4b:s6+s20], $0x50, s3, s20, $0xb8;
	[tilespmem:$0x14000] =	vst v63  }
0x8b: {  	_ =	swait.ge [sflag:s22], $0x2800  }
0x8c: {  	[sflag:s22] =	ssyncset.done $0x0  }
0x8d: {  	[sflag:s22] =	ssyncadd.s32 $0xFFFFD800  }
0x8e: {  	[tilespmem:s23], [sflag:$0x1] =	stream.indirect.gather [hbm4b:s6+s20], $0x50, s20, s20, $0xb8;
	[tilespmem:$0x14000] =	vst v63  }
0x8f: {  	_ = 	snop  }
0x90: {  	[spmem:s1] =	stream.indirect.scatter.add.f32 [tilespmem:s21], [sflag:$0x2], $0x50, s19, s20, $0xb8;
	[tilespmem:$0x14000] =	vst v63  }
0x91: {  	_ =	swait.ge [sflag:s22], $0x2800  }
0x92: {  	[sflag:s22] =	ssyncset.done $0x0  }
0x93: {  	[sflag:s22] =	ssyncadd.s32 $0xFFFFD800  }
0x94: {  	_ =	swait.ge [sflag:s24], $0x2800  }
0x95: {  	[sflag:s24] =	ssyncset.done $0x0  }
0x96: {  	[sflag:s24] =	ssyncadd.s32 $0xFFFFD800  }
0x97: {  	[tilespmem:s21], [sflag:$0x1] =	stream.indirect.gather [hbm4b:s6+s20], $0x50, s25, s20, $0xb8;
	[tilespmem:$0x14000] =	vst v63  }
0x98: {  	s29 =	simm.s32 $0xFFFFB800  }
0x99: {  	[spmem:s1] =	stream.indirect.scatter.add.f32 [tilespmem:s23], [sflag:$0x2], $0x50, s26, s20, $0xb8;
	[tilespmem:$0x14000] =	vst v63  }
.LBB2_8:
0x9a: {  	_ =	swait.ge [sflag:s22], $0x2800  }
0x9b: {  	[sflag:s22] =	ssyncset.done $0x0  }
0x9c: {  	[sflag:s22] =	ssyncadd.s32 $0xFFFFD800  }
0x9d: {  	_ =	swait.ge [sflag:s24], $0x2800  }
0x9e: {  	s30 =	sshra.s32 s29, $0x2;
	[sflag:s24] =	ssyncset.done $0x0  }
0x9f: {  	s31 =	sadd.s32 $0x1380, s30;
	[sflag:s24] =	ssyncadd.s32 $0xFFFFD800  }
0xa0: {  	[tilespmem:s23], [sflag:$0x1] =	stream.indirect.gather [hbm4b:s6+s20], $0x50, s31, s20, $0xb8;
	[tilespmem:$0x14000] =	vst v63  }
0xa1: {  	s31 =	sadd.s32 $0x2700, s30  }
0xa2: {  	[spmem:s1] =	stream.indirect.scatter.add.f32 [tilespmem:s21], [sflag:$0x2], $0x50, s31, s20, $0xb8;
	[tilespmem:$0x14000] =	vst v63  }
0xa3: {  	p0 =	seq.s32 s29, $0x0;
	_ =	swait.ge [sflag:s22], $0x2800  }
.Ltmp6:
0xa4: {  	[sflag:s22] =	ssyncset.done $0x0;
	(pc) =	sbr.rel @p0 .LBB2_10-.Ltmp6, $4  }
0xa5: {  	[sflag:s22] =	ssyncadd.s32 $0xFFFFD800  }
0xa6: {  	_ =	swait.ge [sflag:s24], $0x2800  }
0xa7: {  	[sflag:s24] =	ssyncset.done $0x0  }
0xa8: {  	s31 =	sadd.s32 $0x2780, s30;
	[sflag:s24] =	ssyncadd.s32 $0xFFFFD800  }
.Ltmp7:
0xa9: {  	(pc) =	sbr.rel .LBB2_8-.Ltmp7, $4  }
0xaa: {  	s30 =	sadd.s32 $0x1400, s30  }
0xab: {  	[tilespmem:s21], [sflag:$0x1] =	stream.indirect.gather [hbm4b:s6+s20], $0x50, s30, s20, $0xb8;
	[tilespmem:$0x14000] =	vst v63  }
0xac: {  	s29 =	sadd.s32 $0x400, s29  }
0xad: {  	[spmem:s1] =	stream.indirect.scatter.add.f32 [tilespmem:s23], [sflag:$0x2], $0x50, s31, s20, $0xb8;
	[tilespmem:$0x14000] =	vst v63  }
.LBB2_11:
0xae: {  	_ =	sfence.sel $0x180000  }
0xaf: {  	[bflag:$0x0] =	sbarrier.arrive $0xFFFF  }
0xb0: {  	p0 =	sne.s32 s2, $0x0;
	_ =	strace $0x90000047  }
0xb1: {  	s0 =	sadd.s32 @!p0 $0x100000, s0;
	[bflag:$0x2] =	sbarrier.arrive $0xFFFF  }
0xb2: {  	[sflag:s0] =	ssyncadd.tile.s32 @!p0 $0x1;
	_ =	shalt  }
.Lfunc_end2:
_tile_overlayer_lowered:
.L_overlay_start_2:
0xb3: {  	(tag) =	ssettag $0x2  }
0xb4: {  	s0 =	rddreg [dreg:$0x0];
	s2 =	stileid.u32  }
0xb5: {  	s1 =	rddreg [dreg:$0x1];
	p0 =	sne.s32 s2, $0x0  }
0xb6: {  	s3 =	rddreg [dreg:$0x2];
	[bflag:$0x3] =	sbarrier.arrive $0xFFFF;
	s2 =	simm.s32 @!p0 $0x1C03  }
0xb7: {  	[timem:s3], [sflag:s2] =	dma.local @!p0 [hbm:s0], s1  }
0xb8: {  	s0 =	simm.s32 @!p0 $0x3  }
0xb9: {  	_ =	swait.ge @!p0 [sflag:s0], s1  }
0xba: {  	s1 =	ssub.s32 @!p0 $0x0, s1;
	[sflag:s0] =	ssyncset.done @!p0 $0x0  }
0xbb: {  	[sflag:s0] =	ssyncadd.s32 @!p0 s1  }
0xbc: {  	[bflag:$0x3] =	sbarrier.arrive $0xFFFF  }
0xbd: {  	_ =	shalt  }

</sc_bundles>
